<compile_context>
chip_gen: v7x
topology: tpu7x:2x2x1
jax: 0.10.2.dev20260603
libtpu: 0.0.44.dev20260713+nightly
codegen_flags: <defaults>
</compile_context>

<pallas_src>
import functools

import jax
import jax.numpy as jnp
from jax import lax
from jax.experimental import pallas as pl
from jax.experimental.pallas import tpu as pltpu
from jax.experimental.pallas import tpu_sc as plsc

N = 10000
E = 100000
D = 768
NC, NS = 2, 16
CH = 64
NCH = D // CH
BATCH = 128
NB = 49
RING = 4
E_PAD = NS * NB * BATCH
N_PAD = 10240
RPS = N_PAD // NS
BN = 400



def _mm_body(x_ref, w_ref, y_ref):
    res = jnp.dot(x_ref[...], w_ref[0],
                  preferred_element_type=jnp.float32)
    for j in range(NCH):
        y_ref[0, j] = res[:, j * CH:(j + 1) * CH]


def _matmul_chunked(x, Wstack):
    return pl.pallas_call(
        _mm_body,
        grid=(NC, N // BN),
        in_specs=[
            pl.BlockSpec((BN, D), lambda d, i: (i, 0)),
            pl.BlockSpec((1, D, D), lambda d, i: (d, 0, 0)),
        ],
        out_specs=pl.BlockSpec((1, NCH, BN, CH), lambda d, i: (d, 0, i, 0)),
        out_shape=jax.ShapeDtypeStruct((NC, NCH, N, CH), jnp.float32),
    )(x, Wstack)



def _combine_body(y_ref, agg_ref, deg_ref, b_ref, o_ref):
    deg = deg_ref[0][:, 0:1]
    mask = (deg == 0.0).astype(jnp.float32)
    y = jnp.concatenate([y_ref[0, 0], y_ref[0, 1]], axis=1)
    agg = jnp.concatenate([agg_ref[0, 0], agg_ref[0, 1]], axis=1)
    o_ref[...] = jnp.maximum(y * mask + agg + b_ref[0], 0.0)


def _combine(d, y_t, agg_t, deg, bvec):
    return pl.pallas_call(
        _combine_body,
        grid=(N // BN, NCH // 2),
        in_specs=[
            pl.BlockSpec((1, 2, BN, CH), lambda i, c, d=d: (d, c, i, 0)),
            pl.BlockSpec((1, 2, BN, CH), lambda i, c, d=d: (d, c, i, 0)),
            pl.BlockSpec((1, BN, CH), lambda i, c, d=d: (d, i, 0)),
            pl.BlockSpec((1, 1, 2 * CH), lambda i, c: (c, 0, 0)),
        ],
        out_specs=pl.BlockSpec((BN, 2 * CH), lambda i, c: (i, c)),
        out_shape=jax.ShapeDtypeStruct((N, D), jnp.float32),
    )(y_t, agg_t, deg, bvec)



_MESH = plsc.VectorSubcoreMesh(core_axis_name="c", subcore_axis_name="s",
                               num_cores=NC, num_subcores=NS)


@functools.partial(
    pl.kernel,
    out_type=[jax.ShapeDtypeStruct((NC, NCH, N_PAD, CH), jnp.float32),
              jax.ShapeDtypeStruct((NC, N_PAD, CH), jnp.float32)],
    mesh=_MESH,
    compiler_params=pltpu.CompilerParams(use_tc_tiling_on_sc=False),
    scratch_types=[
        pltpu.VMEM((NB, BATCH), jnp.int32),
        pltpu.VMEM((NB, BATCH), jnp.int32),
        pltpu.VMEM((NB, BATCH), jnp.int32),
        pltpu.VMEM((RING, BATCH, CH), jnp.float32),
        pltpu.VMEM((BATCH, CH), jnp.float32),
        pltpu.VMEM((BATCH, CH), jnp.float32),
        pltpu.VMEM_SHARED((N_PAD, CH), jnp.float32),
        [pltpu.SemaphoreType.DMA] * RING,
        [pltpu.SemaphoreType.DMA] * RING,
    ],
)
def _sc_agg(y_hbm, g_hbm, s_hbm, dg_hbm, agg_hbm, deg_hbm,
            gidx_v, sidx_v, didx_v, rows_v, zt_v, ot_v, acc_sh, gsem, ssem):
    cid = lax.axis_index("c")
    sid = lax.axis_index("s")

    @pl.loop(0, BATCH)
    def _(i):
        @pl.loop(0, CH, step=16)
        def _(j):
            zt_v[i, pl.ds(j, 16)] = jnp.zeros((16,), jnp.float32)
            ot_v[i, pl.ds(j, 16)] = jnp.ones((16,), jnp.float32)

    def zero_acc():
        @pl.loop(0, RPS, step=BATCH)
        def _(j):
            pltpu.sync_copy(zt_v, acc_sh.at[pl.ds(sid * RPS + j, BATCH)])
        plsc.subcore_barrier()

    def run_dir(y_dir, g_dir, s_dir, dg_dir, agg_dir, deg_dir):
        pltpu.sync_copy(g_dir.at[sid], gidx_v)
        pltpu.sync_copy(s_dir.at[sid], sidx_v)
        pltpu.sync_copy(dg_dir.at[sid], didx_v)

        zero_acc()

        @pl.loop(0, NB)
        def _(b):
            pltpu.sync_copy(ot_v, acc_sh.at[didx_v.at[b]], add=True)
        plsc.subcore_barrier()

        pltpu.sync_copy(acc_sh.at[pl.ds(sid * RPS, RPS)],
                        deg_dir.at[pl.ds(sid * RPS, RPS)])

        @pl.loop(0, NCH)
        def _(c):
            zero_acc()
            yc = y_dir.at[c]

            def gather_start(b, s):
                pltpu.async_copy(yc.at[gidx_v.at[b]], rows_v.at[s], gsem[s])

            def gather_wait(b, s):
                pltpu.make_async_copy(yc.at[gidx_v.at[b]], rows_v.at[s],
                                      gsem[s]).wait()

            def scatter_start(b, s):
                pltpu.async_copy(rows_v.at[s], acc_sh.at[sidx_v.at[b]],
                                 ssem[s], add=True)

            def scatter_wait(b, s):
                pltpu.make_async_copy(rows_v.at[s], acc_sh.at[sidx_v.at[b]],
                                      ssem[s]).wait()

            for s in range(RING):
                gather_start(s, s)

            @pl.loop(0, RING * ((NB - RING) // RING), step=RING)
            def _(b):
                for s in range(2):
                    gather_wait(b + s, s)
                    scatter_start(b + s, s)
                for s in range(2):
                    gather_wait(b + 2 + s, 2 + s)
                    scatter_start(b + 2 + s, 2 + s)
                for s in range(2):
                    scatter_wait(b + s, s)
                    gather_start(b + 4 + s, s)
                for s in range(2):
                    scatter_wait(b + 2 + s, 2 + s)
                    gather_start(b + 6 + s, 2 + s)

            e = RING * ((NB - RING) // RING)
            for s in range(RING):
                gather_wait(e + s, s)
                pltpu.sync_copy(rows_v.at[s],
                                acc_sh.at[sidx_v.at[e + s]], add=True)
            @pl.loop(e + RING, NB)
            def _(b):
                pltpu.async_copy(yc.at[gidx_v.at[b]], rows_v.at[0], gsem[0])
                pltpu.make_async_copy(yc.at[gidx_v.at[b]], rows_v.at[0],
                                      gsem[0]).wait()
                pltpu.sync_copy(rows_v.at[0], acc_sh.at[sidx_v.at[b]],
                                add=True)
            plsc.subcore_barrier()

            pltpu.sync_copy(acc_sh.at[pl.ds(sid * RPS, RPS)],
                            agg_dir.at[c].at[pl.ds(sid * RPS, RPS)])

    @pl.when(cid == 0)
    def _():
        run_dir(y_hbm.at[0], g_hbm.at[0], s_hbm.at[0], dg_hbm.at[0],
                agg_hbm.at[0], deg_hbm.at[0])

    @pl.when(cid == 1)
    def _():
        run_dir(y_hbm.at[1], g_hbm.at[1], s_hbm.at[1], dg_hbm.at[1],
                agg_hbm.at[1], deg_hbm.at[1])



def kernel(x, edge_index, sources, destinations, W_root, b_root, W_leaf,
           b_leaf):
    pps = E_PAD // NS - E // NS
    dummy = (N + (jnp.arange(NS * pps, dtype=jnp.int32) % (N_PAD - N))
             ).reshape(NS, pps)
    zpad = jnp.zeros((NS, pps), jnp.int32)
    shard = (NS, NB, BATCH)

    def shard_pad(a, padv):
        return jnp.concatenate([a.reshape(NS, E // NS), padv],
                               axis=1).reshape(shard)

    src0 = shard_pad(sources, zpad)
    srcd = shard_pad(sources, dummy)
    dst0 = shard_pad(destinations, zpad)
    dstd = shard_pad(destinations, dummy)

    G = jnp.stack([src0, dst0])
    S = jnp.stack([dstd, srcd])
    DG = jnp.stack([srcd, dstd])
    Wstack = jnp.stack([W_leaf, W_root])

    Y = _matmul_chunked(x, Wstack)
    AGG, DEG = _sc_agg(Y, G, S, DG)

    bh = NCH // 2
    leaf_emb = _combine(0, Y, AGG, DEG, b_leaf.reshape(bh, 1, 2 * CH))
    root_emb = _combine(1, Y, AGG, DEG, b_root.reshape(bh, 1, 2 * CH))
    return (root_emb, leaf_emb)

# --- scband reference (transcript-rebuilt; emitter-appended) ---
"""Pipeline reference for scband-sgn-627065225630 (READ-ONLY COPY).

The authoritative reference and input builder live on the scoring server;
editing this copy changes nothing except your own understanding.
"""

import jax, jax.numpy as jnp
import numpy as np

N, E, D = 10000, 100000, 768

def setup_inputs(seed: int = 0):
    key = jax.random.key(seed)
    ks = jax.random.split(key, 8)
    x = jax.random.normal(ks[0], (N, D), dtype=jnp.float32)
    edge_index = jax.random.randint(ks[1], (2, E), 0, N, dtype=jnp.int32)
    sources = jax.random.randint(ks[2], (E,), 0, N, dtype=jnp.int32)
    destinations = jax.random.randint(ks[3], (E,), 0, N, dtype=jnp.int32)
    s = 1.0 / np.sqrt(D)
    W_root = jax.random.uniform(ks[4], (D, D), dtype=jnp.float32, minval=-s, maxval=s)
    b_root = jnp.zeros((D,), dtype=jnp.float32)
    W_leaf = jax.random.uniform(ks[5], (D, D), dtype=jnp.float32, minval=-s, maxval=s)
    b_leaf = jnp.zeros((D,), dtype=jnp.float32)
    return {"x": x, "edge_index": edge_index, "sources": sources, "destinations": destinations,
            "W_root": W_root, "b_root": b_root, "W_leaf": W_leaf, "b_leaf": b_leaf}

def reference(x, edge_index, sources, destinations, W_root, b_root, W_leaf, b_leaf):
    # SGN.forward: builds leaf graph (sources -> destinations) and root graph (reversed),
    # computes per-node leaf/root masks from out-degrees, then runs TreeAggregator on each.
    # TreeAggregator modeled as one directed message-passing hop (scatter-add of source
    # features into destination nodes) with a mask-gated self term, followed by linear+ReLU.
    n = x.shape[0]
    # leaf graph: edges src -> dst; mask = (out_degree == 0)
    out_deg_leaf = jnp.zeros((n,), dtype=x.dtype).at[sources].add(1.0)
    mask_leaf = (out_deg_leaf == 0).astype(x.dtype)[:, None]
    agg_leaf = jnp.zeros_like(x).at[destinations].add(jnp.take(x, sources, axis=0))
    leaf_emb = jax.nn.relu((x * mask_leaf + agg_leaf) @ W_leaf + b_leaf)
    # root graph: reversed edges dst -> src; mask = (out_degree == 0) of reversed graph
    out_deg_root = jnp.zeros((n,), dtype=x.dtype).at[destinations].add(1.0)
    mask_root = (out_deg_root == 0).astype(x.dtype)[:, None]
    agg_root = jnp.zeros_like(x).at[sources].add(jnp.take(x, destinations, axis=0))
    root_emb = jax.nn.relu((x * mask_root + agg_root) @ W_root + b_root)
    return (root_emb, leaf_emb)

if __name__ == "__main__":
    import jax
    _d = setup_inputs()
    print(jax.jit(kernel)(*tuple(_d.values())))

</pallas_src>

<mosaic_0001>
#map = affine_map<(d0, d1) -> (0, 0, 0, 0)>
#map1 = affine_map<(d0, d1) -> (0, 0, 0)>
module attributes {stable_mosaic.version = 14 : i64} {
  func.func @_sc_agg(%arg0: i32, %arg1: i32, %arg2: memref<2x12x10000x64xf32, #tpu.memory_space<hbm>>, %arg3: memref<2x16x49x128xi32, #tpu.memory_space<hbm>>, %arg4: memref<2x16x49x128xi32, #tpu.memory_space<hbm>>, %arg5: memref<2x16x49x128xi32, #tpu.memory_space<hbm>>, %arg6: memref<2x12x10240x64xf32, #tpu.memory_space<hbm>>, %arg7: memref<2x10240x64xf32, #tpu.memory_space<hbm>>, %arg8: memref<49x128xi32, #tpu.memory_space<vmem>>, %arg9: memref<49x128xi32, #tpu.memory_space<vmem>>, %arg10: memref<49x128xi32, #tpu.memory_space<vmem>>, %arg11: memref<4x128x64xf32, #tpu.memory_space<vmem>>, %arg12: memref<128x64xf32, #tpu.memory_space<vmem>>, %arg13: memref<128x64xf32, #tpu.memory_space<vmem>>, %arg14: memref<10240x64xf32, #tpu.memory_space<vmem_shared>>, %arg15: memref<!tpu.dma_semaphore, #tpu.memory_space<semaphore_mem>>, %arg16: memref<!tpu.dma_semaphore, #tpu.memory_space<semaphore_mem>>, %arg17: memref<!tpu.dma_semaphore, #tpu.memory_space<semaphore_mem>>, %arg18: memref<!tpu.dma_semaphore, #tpu.memory_space<semaphore_mem>>, %arg19: memref<!tpu.dma_semaphore, #tpu.memory_space<semaphore_mem>>, %arg20: memref<!tpu.dma_semaphore, #tpu.memory_space<semaphore_mem>>, %arg21: memref<!tpu.dma_semaphore, #tpu.memory_space<semaphore_mem>>, %arg22: memref<!tpu.dma_semaphore, #tpu.memory_space<semaphore_mem>>) attributes {dimension_semantics = [#tpu.dimension_semantics<core_parallel>, #tpu.dimension_semantics<subcore_parallel>], iteration_bounds = array<i64: 2, 16>, scalar_prefetch = 0 : i64, scratch_operands = 15 : i64, tpu.core_type = #tpu.core_type<sc_vector_subcore>, window_params = [{transform_indices = #map}, {transform_indices = #map}, {transform_indices = #map}, {transform_indices = #map}, {transform_indices = #map}, {transform_indices = #map1}]} {
    %scan3A = arith.constant 0 : i32
    %scan3A_0 = arith.constant 128 : i32
    %scan3A_1 = arith.addi %scan3A, %scan3A_0 : i32
    %scan3A_2 = arith.constant 1 : i32
    scf.for %scan3A_11 = %scan3A to %scan3A_1 step %scan3A_2  : i32 {
      %mul3A = arith.constant 1 : i32
      %mul3A_12 = arith.muli %scan3A_11, %mul3A : i32
      %add3A = arith.constant 0 : i32
      %add3A_13 = arith.addi %add3A, %mul3A_12 : i32
      %scan3A_14 = arith.constant 0 : i32
      %scan3A_15 = arith.constant 4 : i32
      %scan3A_16 = arith.addi %scan3A_14, %scan3A_15 : i32
      %scan3A_17 = arith.constant 1 : i32
      scf.for %scan3A_19 = %scan3A_14 to %scan3A_16 step %scan3A_17  : i32 {
        %mul3A_20 = arith.constant 16 : i32
        %mul3A_21 = arith.muli %scan3A_19, %mul3A_20 : i32
        %add3A_22 = arith.constant 0 : i32
        %add3A_23 = arith.addi %add3A_22, %mul3A_21 : i32
        %broadcast_in_dim3A = arith.constant 0.000000e+00 : f32
        %broadcast_in_dim3A_24 = vector.broadcast %broadcast_in_dim3A : f32 to vector<16xf32>
        %swap3A = arith.index_cast %add3A_13 : i32 to index
        %swap3A_25 = arith.index_cast %add3A_23 : i32 to index
        %swap3A_26 = tpu.vector_load %arg12[%swap3A, %swap3A_25] {strides = array<i32>} : memref<128x64xf32, #tpu.memory_space<vmem>>, vector<1x16xf32>,
        %swap3A_27 = vector.shape_cast %swap3A_26 : vector<1x16xf32> to vector<16xf32>
        %swap3A_28 = vector.shape_cast %broadcast_in_dim3A_24 : vector<16xf32> to vector<1x16xf32>
        tpu.vector_store %arg12[%swap3A, %swap3A_25], %swap3A_28 {strides = array<i32>} : memref<128x64xf32, #tpu.memory_space<vmem>>, vector<1x16xf32>,
        %broadcast_in_dim3A_29 = arith.constant 1.000000e+00 : f32
        %broadcast_in_dim3A_30 = vector.broadcast %broadcast_in_dim3A_29 : f32 to vector<16xf32>
        %swap3A_31 = arith.index_cast %add3A_13 : i32 to index
        %swap3A_32 = arith.index_cast %add3A_23 : i32 to index
        %swap3A_33 = tpu.vector_load %arg13[%swap3A_31, %swap3A_32] {strides = array<i32>} : memref<128x64xf32, #tpu.memory_space<vmem>>, vector<1x16xf32>,
        %swap3A_34 = vector.shape_cast %swap3A_33 : vector<1x16xf32> to vector<16xf32>
        %swap3A_35 = vector.shape_cast %broadcast_in_dim3A_30 : vector<16xf32> to vector<1x16xf32>
        tpu.vector_store %arg13[%swap3A_31, %swap3A_32], %swap3A_35 {strides = array<i32>} : memref<128x64xf32, #tpu.memory_space<vmem>>, vector<1x16xf32>,
      }
      %scan3A_18 = arith.constant 4 : i32
    }
    %scan3A_3 = arith.constant 128 : i32
    %eq3A = arith.constant 0 : i32
    %eq3A_4 = arith.cmpi eq, %arg0, %eq3A : i32
    %convert_element_type3A = arith.extui %eq3A_4 : i1 to i32
    %cond3A = arith.constant 0 : i32
    %cond3A_5 = arith.cmpi ne, %convert_element_type3A, %cond3A : i32
    scf.if %cond3A_5 {
      %run_scoped3A = arith.constant 0 : i32
      "tpu.region"() ({
        %run_scoped3A_35 = tpu.sem_alloc : memref<!tpu.dma_semaphore, #tpu.memory_space<semaphore_mem>>
        %dma_start3A = arith.constant 0 : i32
        %dma_start3A_36 = arith.constant 0 : i32
        %dma_start3A_37 = arith.constant 0 : i32
        %dma_start3A_38 = tpu.memref_slice %arg3[%run_scoped3A, %dma_start3A, %dma_start3A_36, %dma_start3A_37] : memref<2x16x49x128xi32, #tpu.memory_space<hbm>> -> memref<1x16x49x128xi32, #tpu.memory_space<hbm>>
        %dma_start3A_39 = tpu.memref_squeeze %dma_start3A_38 : memref<1x16x49x128xi32, #tpu.memory_space<hbm>> -> memref<16x49x128xi32, #tpu.memory_space<hbm>>
        %dma_start3A_40 = arith.constant 0 : i32
        %dma_start3A_41 = arith.constant 0 : i32
        %dma_start3A_42 = tpu.memref_slice %dma_start3A_39[%arg1, %dma_start3A_40, %dma_start3A_41] : memref<16x49x128xi32, #tpu.memory_space<hbm>> -> memref<1x49x128xi32, #tpu.memory_space<hbm>>
        %dma_start3A_43 = tpu.memref_squeeze %dma_start3A_42 : memref<1x49x128xi32, #tpu.memory_space<hbm>> -> memref<49x128xi32, #tpu.memory_space<hbm>>
        %dma_start3A_44 = arith.constant 0 : i32
        %dma_start3A_45 = arith.constant 0 : i32
        %dma_start3A_46 = arith.constant 0 : i32
        %dma_start3A_47 = tpu.memref_slice %arg3[%run_scoped3A, %dma_start3A_44, %dma_start3A_45, %dma_start3A_46] : memref<2x16x49x128xi32, #tpu.memory_space<hbm>> -> memref<1x16x49x128xi32, #tpu.memory_space<hbm>>
        %dma_start3A_48 = tpu.memref_squeeze %dma_start3A_47 : memref<1x16x49x128xi32, #tpu.memory_space<hbm>> -> memref<16x49x128xi32, #tpu.memory_space<hbm>>
        %dma_start3A_49 = arith.constant 0 : i32
        %dma_start3A_50 = arith.constant 0 : i32
        %dma_start3A_51 = tpu.memref_slice %dma_start3A_48[%arg1, %dma_start3A_49, %dma_start3A_50] : memref<16x49x128xi32, #tpu.memory_space<hbm>> -> memref<1x49x128xi32, #tpu.memory_space<hbm>>
        %dma_start3A_52 = tpu.memref_squeeze %dma_start3A_51 : memref<1x49x128xi32, #tpu.memory_space<hbm>> -> memref<49x128xi32, #tpu.memory_space<hbm>>
        tpu.enqueue_dma source(%dma_start3A_52 : memref<49x128xi32, #tpu.memory_space<hbm>>) target(%arg8 : memref<49x128xi32, #tpu.memory_space<vmem>>) target_semaphore(%run_scoped3A_35 : memref<!tpu.dma_semaphore, #tpu.memory_space<semaphore_mem>>)
        %dma_wait3A = arith.constant 0 : i32
        %dma_wait3A_53 = arith.constant 0 : i32
        %dma_wait3A_54 = arith.constant 0 : i32
        %dma_wait3A_55 = tpu.memref_slice %arg3[%run_scoped3A, %dma_wait3A, %dma_wait3A_53, %dma_wait3A_54] : memref<2x16x49x128xi32, #tpu.memory_space<hbm>> -> memref<1x16x49x128xi32, #tpu.memory_space<hbm>>
        %dma_wait3A_56 = tpu.memref_squeeze %dma_wait3A_55 : memref<1x16x49x128xi32, #tpu.memory_space<hbm>> -> memref<16x49x128xi32, #tpu.memory_space<hbm>>
        %dma_wait3A_57 = arith.constant 0 : i32
        %dma_wait3A_58 = arith.constant 0 : i32
        %dma_wait3A_59 = tpu.memref_slice %dma_wait3A_56[%arg1, %dma_wait3A_57, %dma_wait3A_58] : memref<16x49x128xi32, #tpu.memory_space<hbm>> -> memref<1x49x128xi32, #tpu.memory_space<hbm>>
        %dma_wait3A_60 = tpu.memref_squeeze %dma_wait3A_59 : memref<1x49x128xi32, #tpu.memory_space<hbm>> -> memref<49x128xi32, #tpu.memory_space<hbm>>
        %dma_wait3A_61 = arith.constant 0 : i32
        %dma_wait3A_62 = arith.constant 0 : i32
        %dma_wait3A_63 = arith.constant 0 : i32
        %dma_wait3A_64 = tpu.memref_slice %arg3[%run_scoped3A, %dma_wait3A_61, %dma_wait3A_62, %dma_wait3A_63] : memref<2x16x49x128xi32, #tpu.memory_space<hbm>> -> memref<1x16x49x128xi32, #tpu.memory_space<hbm>>
        %dma_wait3A_65 = tpu.memref_squeeze %dma_wait3A_64 : memref<1x16x49x128xi32, #tpu.memory_space<hbm>> -> memref<16x49x128xi32, #tpu.memory_space<hbm>>
        %dma_wait3A_66 = arith.constant 0 : i32
        %dma_wait3A_67 = arith.constant 0 : i32
        %dma_wait3A_68 = tpu.memref_slice %dma_wait3A_65[%arg1, %dma_wait3A_66, %dma_wait3A_67] : memref<16x49x128xi32, #tpu.memory_space<hbm>> -> memref<1x49x128xi32, #tpu.memory_space<hbm>>
        %dma_wait3A_69 = tpu.memref_squeeze %dma_wait3A_68 : memref<1x49x128xi32, #tpu.memory_space<hbm>> -> memref<49x128xi32, #tpu.memory_space<hbm>>
        tpu.wait_dma2 semaphore(%run_scoped3A_35 : memref<!tpu.dma_semaphore, #tpu.memory_space<semaphore_mem>>) src(%dma_wait3A_69 : memref<49x128xi32, #tpu.memory_space<hbm>>) dst(%arg8 : memref<49x128xi32, #tpu.memory_space<vmem>>)
        tpu.yield
      }) : () -> ()
      %run_scoped3A_11 = arith.constant 0 : i32
      "tpu.region"() ({
        %run_scoped3A_35 = tpu.sem_alloc : memref<!tpu.dma_semaphore, #tpu.memory_space<semaphore_mem>>
        %dma_start3A = arith.constant 0 : i32
        %dma_start3A_36 = arith.constant 0 : i32
        %dma_start3A_37 = arith.constant 0 : i32
        %dma_start3A_38 = tpu.memref_slice %arg4[%run_scoped3A_11, %dma_start3A, %dma_start3A_36, %dma_start3A_37] : memref<2x16x49x128xi32, #tpu.memory_space<hbm>> -> memref<1x16x49x128xi32, #tpu.memory_space<hbm>>
        %dma_start3A_39 = tpu.memref_squeeze %dma_start3A_38 : memref<1x16x49x128xi32, #tpu.memory_space<hbm>> -> memref<16x49x128xi32, #tpu.memory_space<hbm>>
        %dma_start3A_40 = arith.constant 0 : i32
        %dma_start3A_41 = arith.constant 0 : i32
        %dma_start3A_42 = tpu.memref_slice %dma_start3A_39[%arg1, %dma_start3A_40, %dma_start3A_41] : memref<16x49x128xi32, #tpu.memory_space<hbm>> -> memref<1x49x128xi32, #tpu.memory_space<hbm>>
        %dma_start3A_43 = tpu.memref_squeeze %dma_start3A_42 : memref<1x49x128xi32, #tpu.memory_space<hbm>> -> memref<49x128xi32, #tpu.memory_space<hbm>>
        %dma_start3A_44 = arith.constant 0 : i32
        %dma_start3A_45 = arith.constant 0 : i32
        %dma_start3A_46 = arith.constant 0 : i32
        %dma_start3A_47 = tpu.memref_slice %arg4[%run_scoped3A_11, %dma_start3A_44, %dma_start3A_45, %dma_start3A_46] : memref<2x16x49x128xi32, #tpu.memory_space<hbm>> -> memref<1x16x49x128xi32, #tpu.memory_space<hbm>>
        %dma_start3A_48 = tpu.memref_squeeze %dma_start3A_47 : memref<1x16x49x128xi32, #tpu.memory_space<hbm>> -> memref<16x49x128xi32, #tpu.memory_space<hbm>>
        %dma_start3A_49 = arith.constant 0 : i32
        %dma_start3A_50 = arith.constant 0 : i32
        %dma_start3A_51 = tpu.memref_slice %dma_start3A_48[%arg1, %dma_start3A_49, %dma_start3A_50] : memref<16x49x128xi32, #tpu.memory_space<hbm>> -> memref<1x49x128xi32, #tpu.memory_space<hbm>>
        %dma_start3A_52 = tpu.memref_squeeze %dma_start3A_51 : memref<1x49x128xi32, #tpu.memory_space<hbm>> -> memref<49x128xi32, #tpu.memory_space<hbm>>
        tpu.enqueue_dma source(%dma_start3A_52 : memref<49x128xi32, #tpu.memory_space<hbm>>) target(%arg9 : memref<49x128xi32, #tpu.memory_space<vmem>>) target_semaphore(%run_scoped3A_35 : memref<!tpu.dma_semaphore, #tpu.memory_space<semaphore_mem>>)
        %dma_wait3A = arith.constant 0 : i32
        %dma_wait3A_53 = arith.constant 0 : i32
        %dma_wait3A_54 = arith.constant 0 : i32
        %dma_wait3A_55 = tpu.memref_slice %arg4[%run_scoped3A_11, %dma_wait3A, %dma_wait3A_53, %dma_wait3A_54] : memref<2x16x49x128xi32, #tpu.memory_space<hbm>> -> memref<1x16x49x128xi32, #tpu.memory_space<hbm>>
        %dma_wait3A_56 = tpu.memref_squeeze %dma_wait3A_55 : memref<1x16x49x128xi32, #tpu.memory_space<hbm>> -> memref<16x49x128xi32, #tpu.memory_space<hbm>>
        %dma_wait3A_57 = arith.constant 0 : i32
        %dma_wait3A_58 = arith.constant 0 : i32
        %dma_wait3A_59 = tpu.memref_slice %dma_wait3A_56[%arg1, %dma_wait3A_57, %dma_wait3A_58] : memref<16x49x128xi32, #tpu.memory_space<hbm>> -> memref<1x49x128xi32, #tpu.memory_space<hbm>>
        %dma_wait3A_60 = tpu.memref_squeeze %dma_wait3A_59 : memref<1x49x128xi32, #tpu.memory_space<hbm>> -> memref<49x128xi32, #tpu.memory_space<hbm>>
        %dma_wait3A_61 = arith.constant 0 : i32
        %dma_wait3A_62 = arith.constant 0 : i32
        %dma_wait3A_63 = arith.constant 0 : i32
        %dma_wait3A_64 = tpu.memref_slice %arg4[%run_scoped3A_11, %dma_wait3A_61, %dma_wait3A_62, %dma_wait3A_63] : memref<2x16x49x128xi32, #tpu.memory_space<hbm>> -> memref<1x16x49x128xi32, #tpu.memory_space<hbm>>
        %dma_wait3A_65 = tpu.memref_squeeze %dma_wait3A_64 : memref<1x16x49x128xi32, #tpu.memory_space<hbm>> -> memref<16x49x128xi32, #tpu.memory_space<hbm>>
        %dma_wait3A_66 = arith.constant 0 : i32
        %dma_wait3A_67 = arith.constant 0 : i32
        %dma_wait3A_68 = tpu.memref_slice %dma_wait3A_65[%arg1, %dma_wait3A_66, %dma_wait3A_67] : memref<16x49x128xi32, #tpu.memory_space<hbm>> -> memref<1x49x128xi32, #tpu.memory_space<hbm>>
        %dma_wait3A_69 = tpu.memref_squeeze %dma_wait3A_68 : memref<1x49x128xi32, #tpu.memory_space<hbm>> -> memref<49x128xi32, #tpu.memory_space<hbm>>
        tpu.wait_dma2 semaphore(%run_scoped3A_35 : memref<!tpu.dma_semaphore, #tpu.memory_space<semaphore_mem>>) src(%dma_wait3A_69 : memref<49x128xi32, #tpu.memory_space<hbm>>) dst(%arg9 : memref<49x128xi32, #tpu.memory_space<vmem>>)
        tpu.yield
      }) : () -> ()
      %run_scoped3A_12 = arith.constant 0 : i32
      "tpu.region"() ({
        %run_scoped3A_35 = tpu.sem_alloc : memref<!tpu.dma_semaphore, #tpu.memory_space<semaphore_mem>>
        %dma_start3A = arith.constant 0 : i32
        %dma_start3A_36 = arith.constant 0 : i32
        %dma_start3A_37 = arith.constant 0 : i32
        %dma_start3A_38 = tpu.memref_slice %arg5[%run_scoped3A_12, %dma_start3A, %dma_start3A_36, %dma_start3A_37] : memref<2x16x49x128xi32, #tpu.memory_space<hbm>> -> memref<1x16x49x128xi32, #tpu.memory_space<hbm>>
        %dma_start3A_39 = tpu.memref_squeeze %dma_start3A_38 : memref<1x16x49x128xi32, #tpu.memory_space<hbm>> -> memref<16x49x128xi32, #tpu.memory_space<hbm>>
        %dma_start3A_40 = arith.constant 0 : i32
        %dma_start3A_41 = arith.constant 0 : i32
        %dma_start3A_42 = tpu.memref_slice %dma_start3A_39[%arg1, %dma_start3A_40, %dma_start3A_41] : memref<16x49x128xi32, #tpu.memory_space<hbm>> -> memref<1x49x128xi32, #tpu.memory_space<hbm>>
        %dma_start3A_43 = tpu.memref_squeeze %dma_start3A_42 : memref<1x49x128xi32, #tpu.memory_space<hbm>> -> memref<49x128xi32, #tpu.memory_space<hbm>>
        %dma_start3A_44 = arith.constant 0 : i32
        %dma_start3A_45 = arith.constant 0 : i32
        %dma_start3A_46 = arith.constant 0 : i32
        %dma_start3A_47 = tpu.memref_slice %arg5[%run_scoped3A_12, %dma_start3A_44, %dma_start3A_45, %dma_start3A_46] : memref<2x16x49x128xi32, #tpu.memory_space<hbm>> -> memref<1x16x49x128xi32, #tpu.memory_space<hbm>>
        %dma_start3A_48 = tpu.memref_squeeze %dma_start3A_47 : memref<1x16x49x128xi32, #tpu.memory_space<hbm>> -> memref<16x49x128xi32, #tpu.memory_space<hbm>>
        %dma_start3A_49 = arith.constant 0 : i32
        %dma_start3A_50 = arith.constant 0 : i32
        %dma_start3A_51 = tpu.memref_slice %dma_start3A_48[%arg1, %dma_start3A_49, %dma_start3A_50] : memref<16x49x128xi32, #tpu.memory_space<hbm>> -> memref<1x49x128xi32, #tpu.memory_space<hbm>>
        %dma_start3A_52 = tpu.memref_squeeze %dma_start3A_51 : memref<1x49x128xi32, #tpu.memory_space<hbm>> -> memref<49x128xi32, #tpu.memory_space<hbm>>
        tpu.enqueue_dma source(%dma_start3A_52 : memref<49x128xi32, #tpu.memory_space<hbm>>) target(%arg10 : memref<49x128xi32, #tpu.memory_space<vmem>>) target_semaphore(%run_scoped3A_35 : memref<!tpu.dma_semaphore, #tpu.memory_space<semaphore_mem>>)
        %dma_wait3A = arith.constant 0 : i32
        %dma_wait3A_53 = arith.constant 0 : i32
        %dma_wait3A_54 = arith.constant 0 : i32
        %dma_wait3A_55 = tpu.memref_slice %arg5[%run_scoped3A_12, %dma_wait3A, %dma_wait3A_53, %dma_wait3A_54] : memref<2x16x49x128xi32, #tpu.memory_space<hbm>> -> memref<1x16x49x128xi32, #tpu.memory_space<hbm>>
        %dma_wait3A_56 = tpu.memref_squeeze %dma_wait3A_55 : memref<1x16x49x128xi32, #tpu.memory_space<hbm>> -> memref<16x49x128xi32, #tpu.memory_space<hbm>>
        %dma_wait3A_57 = arith.constant 0 : i32
        %dma_wait3A_58 = arith.constant 0 : i32
        %dma_wait3A_59 = tpu.memref_slice %dma_wait3A_56[%arg1, %dma_wait3A_57, %dma_wait3A_58] : memref<16x49x128xi32, #tpu.memory_space<hbm>> -> memref<1x49x128xi32, #tpu.memory_space<hbm>>
        %dma_wait3A_60 = tpu.memref_squeeze %dma_wait3A_59 : memref<1x49x128xi32, #tpu.memory_space<hbm>> -> memref<49x128xi32, #tpu.memory_space<hbm>>
        %dma_wait3A_61 = arith.constant 0 : i32
        %dma_wait3A_62 = arith.constant 0 : i32
        %dma_wait3A_63 = arith.constant 0 : i32
        %dma_wait3A_64 = tpu.memref_slice %arg5[%run_scoped3A_12, %dma_wait3A_61, %dma_wait3A_62, %dma_wait3A_63] : memref<2x16x49x128xi32, #tpu.memory_space<hbm>> -> memref<1x16x49x128xi32, #tpu.memory_space<hbm>>
        %dma_wait3A_65 = tpu.memref_squeeze %dma_wait3A_64 : memref<1x16x49x128xi32, #tpu.memory_space<hbm>> -> memref<16x49x128xi32, #tpu.memory_space<hbm>>
        %dma_wait3A_66 = arith.constant 0 : i32
        %dma_wait3A_67 = arith.constant 0 : i32
        %dma_wait3A_68 = tpu.memref_slice %dma_wait3A_65[%arg1, %dma_wait3A_66, %dma_wait3A_67] : memref<16x49x128xi32, #tpu.memory_space<hbm>> -> memref<1x49x128xi32, #tpu.memory_space<hbm>>
        %dma_wait3A_69 = tpu.memref_squeeze %dma_wait3A_68 : memref<1x49x128xi32, #tpu.memory_space<hbm>> -> memref<49x128xi32, #tpu.memory_space<hbm>>
        tpu.wait_dma2 semaphore(%run_scoped3A_35 : memref<!tpu.dma_semaphore, #tpu.memory_space<semaphore_mem>>) src(%dma_wait3A_69 : memref<49x128xi32, #tpu.memory_space<hbm>>) dst(%arg10 : memref<49x128xi32, #tpu.memory_space<vmem>>)
        tpu.yield
      }) : () -> ()
      %scan3A_13 = arith.constant 0 : i32
      %scan3A_14 = arith.constant 5 : i32
      %scan3A_15 = arith.addi %scan3A_13, %scan3A_14 : i32
      %scan3A_16 = arith.constant 1 : i32
      scf.for %scan3A_35 = %scan3A_13 to %scan3A_15 step %scan3A_16  : i32 {
        %mul3A_36 = arith.constant 128 : i32
        %mul3A_37 = arith.muli %scan3A_35, %mul3A_36 : i32
        %add3A = arith.constant 0 : i32
        %add3A_38 = arith.addi %add3A, %mul3A_37 : i32
        %mul3A_39 = arith.constant 640 : i32
        %mul3A_40 = arith.muli %arg1, %mul3A_39 : i32
        %add3A_41 = arith.addi %mul3A_40, %add3A_38 : i32
        "tpu.region"() ({
          %run_scoped3A_42 = tpu.sem_alloc : memref<!tpu.dma_semaphore, #tpu.memory_space<semaphore_mem>>
          %dma_start3A = arith.constant 0 : i32
          %dma_start3A_43 = tpu.memref_slice %arg14[%add3A_41, %dma_start3A] : memref<10240x64xf32, #tpu.memory_space<vmem_shared>> -> memref<128x64xf32, #tpu.memory_space<vmem_shared>>
          %dma_start3A_44 = arith.constant 0 : i32
          %dma_start3A_45 = tpu.memref_slice %arg14[%add3A_41, %dma_start3A_44] : memref<10240x64xf32, #tpu.memory_space<vmem_shared>> -> memref<128x64xf32, #tpu.memory_space<vmem_shared>>
          tpu.enqueue_dma source(%arg12 : memref<128x64xf32, #tpu.memory_space<vmem>>) target(%dma_start3A_45 : memref<128x64xf32, #tpu.memory_space<vmem_shared>>) target_semaphore(%run_scoped3A_42 : memref<!tpu.dma_semaphore, #tpu.memory_space<semaphore_mem>>)
          %dma_wait3A = arith.constant 0 : i32
          %dma_wait3A_46 = tpu.memref_slice %arg14[%add3A_41, %dma_wait3A] : memref<10240x64xf32, #tpu.memory_space<vmem_shared>> -> memref<128x64xf32, #tpu.memory_space<vmem_shared>>
          %dma_wait3A_47 = arith.constant 0 : i32
          %dma_wait3A_48 = tpu.memref_slice %arg14[%add3A_41, %dma_wait3A_47] : memref<10240x64xf32, #tpu.memory_space<vmem_shared>> -> memref<128x64xf32, #tpu.memory_space<vmem_shared>>
          tpu.wait_dma2 semaphore(%run_scoped3A_42 : memref<!tpu.dma_semaphore, #tpu.memory_space<semaphore_mem>>) src(%arg12 : memref<128x64xf32, #tpu.memory_space<vmem>>) dst(%dma_wait3A_48 : memref<128x64xf32, #tpu.memory_space<vmem_shared>>)
          tpu.yield
        }) : () -> ()
      }
      %scan3A_17 = arith.constant 5 : i32
      %barrier3A = arith.constant 0 : index
      tpu.barrier barrier_id(%barrier3A)
      %scan3A_18 = arith.constant 0 : i32
      %scan3A_19 = arith.constant 49 : i32
      %scan3A_20 = arith.addi %scan3A_18, %scan3A_19 : i32
      %scan3A_21 = arith.constant 1 : i32
      scf.for %scan3A_35 = %scan3A_18 to %scan3A_20 step %scan3A_21  : i32 {
        %mul3A_36 = arith.constant 1 : i32
        %mul3A_37 = arith.muli %scan3A_35, %mul3A_36 : i32
        %add3A = arith.constant 0 : i32
        %add3A_38 = arith.addi %add3A, %mul3A_37 : i32
        "tpu.region"() ({
          %run_scoped3A_39 = tpu.sem_alloc : memref<!tpu.dma_semaphore, #tpu.memory_space<semaphore_mem>>
          %dma_start3A = arith.constant 0 : i32
          %dma_start3A_40 = tpu.memref_slice %arg10[%add3A_38, %dma_start3A] : memref<49x128xi32, #tpu.memory_space<vmem>> -> memref<1x128xi32, #tpu.memory_space<vmem>>
          %dma_start3A_41 = tpu.memref_squeeze %dma_start3A_40 : memref<1x128xi32, #tpu.memory_space<vmem>> -> memref<128xi32, #tpu.memory_space<vmem>>
          %dma_start3A_42 = arith.constant 0 : i32
          %dma_start3A_43 = arith.constant 0 : i32
          %dma_start3A_44 = tpu.memref_slice %arg14[%dma_start3A_42, %dma_start3A_43] : memref<10240x64xf32, #tpu.memory_space<vmem_shared>> -> memref<10240x64xf32, #tpu.memory_space<vmem_shared>>
          tpu.enqueue_indirect_dma source(%arg13 : memref<128x64xf32, #tpu.memory_space<vmem>>) target(%dma_start3A_44 : memref<10240x64xf32, #tpu.memory_space<vmem_shared>>) offsets(%dma_start3A_41 : memref<128xi32, #tpu.memory_space<vmem>>) semaphore(%run_scoped3A_39 : memref<!tpu.dma_semaphore, #tpu.memory_space<semaphore_mem>>) {add = true}
          %dma_wait3A = arith.constant 0 : i32
          %dma_wait3A_45 = tpu.memref_slice %arg10[%add3A_38, %dma_wait3A] : memref<49x128xi32, #tpu.memory_space<vmem>> -> memref<1x128xi32, #tpu.memory_space<vmem>>
          %dma_wait3A_46 = tpu.memref_squeeze %dma_wait3A_45 : memref<1x128xi32, #tpu.memory_space<vmem>> -> memref<128xi32, #tpu.memory_space<vmem>>
          %dma_wait3A_47 = arith.constant 0 : i32
          %dma_wait3A_48 = arith.constant 0 : i32
          %dma_wait3A_49 = tpu.memref_slice %arg14[%dma_wait3A_47, %dma_wait3A_48] : memref<10240x64xf32, #tpu.memory_space<vmem_shared>> -> memref<10240x64xf32, #tpu.memory_space<vmem_shared>>
          tpu.wait_indirect_dma semaphore(%run_scoped3A_39 : memref<!tpu.dma_semaphore, #tpu.memory_space<semaphore_mem>>) src(%arg13 : memref<128x64xf32, #tpu.memory_space<vmem>>) dst(%dma_wait3A_49 : memref<10240x64xf32, #tpu.memory_space<vmem_shared>>)
          tpu.yield
        }) : () -> ()
      }
      %scan3A_22 = arith.constant 49 : i32
      %barrier3A_23 = arith.constant 0 : index
      tpu.barrier barrier_id(%barrier3A_23)
      %mul3A = arith.constant 640 : i32
      %mul3A_24 = arith.muli %arg1, %mul3A : i32
      %mul3A_25 = arith.constant 640 : i32
      %mul3A_26 = arith.muli %arg1, %mul3A_25 : i32
      %run_scoped3A_27 = arith.constant 0 : i32
      "tpu.region"() ({
        %run_scoped3A_35 = tpu.sem_alloc : memref<!tpu.dma_semaphore, #tpu.memory_space<semaphore_mem>>
        %dma_start3A = arith.constant 0 : i32
        %dma_start3A_36 = arith.constant 0 : i32
        %dma_start3A_37 = tpu.memref_slice %arg7[%run_scoped3A_27, %dma_start3A, %dma_start3A_36] : memref<2x10240x64xf32, #tpu.memory_space<hbm>> -> memref<1x10240x64xf32, #tpu.memory_space<hbm>>
        %dma_start3A_38 = tpu.memref_squeeze %dma_start3A_37 : memref<1x10240x64xf32, #tpu.memory_space<hbm>> -> memref<10240x64xf32, #tpu.memory_space<hbm>>
        %dma_start3A_39 = arith.constant 0 : i32
        %dma_start3A_40 = tpu.memref_slice %dma_start3A_38[%mul3A_26, %dma_start3A_39] : memref<10240x64xf32, #tpu.memory_space<hbm>> -> memref<640x64xf32, #tpu.memory_space<hbm>>
        %dma_start3A_41 = arith.constant 0 : i32
        %dma_start3A_42 = tpu.memref_slice %arg14[%mul3A_24, %dma_start3A_41] : memref<10240x64xf32, #tpu.memory_space<vmem_shared>> -> memref<640x64xf32, #tpu.memory_space<vmem_shared>>
        tpu.enqueue_dma source(%dma_start3A_42 : memref<640x64xf32, #tpu.memory_space<vmem_shared>>) target(%dma_start3A_40 : memref<640x64xf32, #tpu.memory_space<hbm>>) target_semaphore(%run_scoped3A_35 : memref<!tpu.dma_semaphore, #tpu.memory_space<semaphore_mem>>)
        %dma_wait3A = arith.constant 0 : i32
        %dma_wait3A_43 = arith.constant 0 : i32
        %dma_wait3A_44 = tpu.memref_slice %arg7[%run_scoped3A_27, %dma_wait3A, %dma_wait3A_43] : memref<2x10240x64xf32, #tpu.memory_space<hbm>> -> memref<1x10240x64xf32, #tpu.memory_space<hbm>>
        %dma_wait3A_45 = tpu.memref_squeeze %dma_wait3A_44 : memref<1x10240x64xf32, #tpu.memory_space<hbm>> -> memref<10240x64xf32, #tpu.memory_space<hbm>>
        %dma_wait3A_46 = arith.constant 0 : i32
        %dma_wait3A_47 = tpu.memref_slice %dma_wait3A_45[%mul3A_26, %dma_wait3A_46] : memref<10240x64xf32, #tpu.memory_space<hbm>> -> memref<640x64xf32, #tpu.memory_space<hbm>>
        %dma_wait3A_48 = arith.constant 0 : i32
        %dma_wait3A_49 = tpu.memref_slice %arg14[%mul3A_24, %dma_wait3A_48] : memref<10240x64xf32, #tpu.memory_space<vmem_shared>> -> memref<640x64xf32, #tpu.memory_space<vmem_shared>>
        tpu.wait_dma2 semaphore(%run_scoped3A_35 : memref<!tpu.dma_semaphore, #tpu.memory_space<semaphore_mem>>) src(%dma_wait3A_49 : memref<640x64xf32, #tpu.memory_space<vmem_shared>>) dst(%dma_wait3A_47 : memref<640x64xf32, #tpu.memory_space<hbm>>)
        tpu.yield
      }) : () -> ()
      %scan3A_28 = arith.constant 0 : i32
      %scan3A_29 = arith.constant 0 : i32
      %scan3A_30 = arith.constant 0 : i32
      %scan3A_31 = arith.constant 12 : i32
      %scan3A_32 = arith.addi %scan3A_30, %scan3A_31 : i32
      %scan3A_33 = arith.constant 1 : i32
      scf.for %scan3A_35 = %scan3A_30 to %scan3A_32 step %scan3A_33  : i32 {
        %mul3A_36 = arith.constant 1 : i32
        %mul3A_37 = arith.muli %scan3A_35, %mul3A_36 : i32
        %add3A = arith.constant 0 : i32
        %add3A_38 = arith.addi %add3A, %mul3A_37 : i32
        %scan3A_39 = arith.constant 0 : i32
        %scan3A_40 = arith.constant 5 : i32
        %scan3A_41 = arith.addi %scan3A_39, %scan3A_40 : i32
        %scan3A_42 = arith.constant 1 : i32
        scf.for %scan3A_276 = %scan3A_39 to %scan3A_41 step %scan3A_42  : i32 {
          %mul3A_277 = arith.constant 128 : i32
          %mul3A_278 = arith.muli %scan3A_276, %mul3A_277 : i32
          %add3A_279 = arith.constant 0 : i32
          %add3A_280 = arith.addi %add3A_279, %mul3A_278 : i32
          %mul3A_281 = arith.constant 640 : i32
          %mul3A_282 = arith.muli %arg1, %mul3A_281 : i32
          %add3A_283 = arith.addi %mul3A_282, %add3A_280 : i32
          "tpu.region"() ({
            %run_scoped3A_284 = tpu.sem_alloc : memref<!tpu.dma_semaphore, #tpu.memory_space<semaphore_mem>>
            %dma_start3A_285 = arith.constant 0 : i32
            %dma_start3A_286 = tpu.memref_slice %arg14[%add3A_283, %dma_start3A_285] : memref<10240x64xf32, #tpu.memory_space<vmem_shared>> -> memref<128x64xf32, #tpu.memory_space<vmem_shared>>
            %dma_start3A_287 = arith.constant 0 : i32
            %dma_start3A_288 = tpu.memref_slice %arg14[%add3A_283, %dma_start3A_287] : memref<10240x64xf32, #tpu.memory_space<vmem_shared>> -> memref<128x64xf32, #tpu.memory_space<vmem_shared>>
            tpu.enqueue_dma source(%arg12 : memref<128x64xf32, #tpu.memory_space<vmem>>) target(%dma_start3A_288 : memref<128x64xf32, #tpu.memory_space<vmem_shared>>) target_semaphore(%run_scoped3A_284 : memref<!tpu.dma_semaphore, #tpu.memory_space<semaphore_mem>>)
            %dma_wait3A_289 = arith.constant 0 : i32
            %dma_wait3A_290 = tpu.memref_slice %arg14[%add3A_283, %dma_wait3A_289] : memref<10240x64xf32, #tpu.memory_space<vmem_shared>> -> memref<128x64xf32, #tpu.memory_space<vmem_shared>>
            %dma_wait3A_291 = arith.constant 0 : i32
            %dma_wait3A_292 = tpu.memref_slice %arg14[%add3A_283, %dma_wait3A_291] : memref<10240x64xf32, #tpu.memory_space<vmem_shared>> -> memref<128x64xf32, #tpu.memory_space<vmem_shared>>
            tpu.wait_dma2 semaphore(%run_scoped3A_284 : memref<!tpu.dma_semaphore, #tpu.memory_space<semaphore_mem>>) src(%arg12 : memref<128x64xf32, #tpu.memory_space<vmem>>) dst(%dma_wait3A_292 : memref<128x64xf32, #tpu.memory_space<vmem_shared>>)
            tpu.yield
          }) : () -> ()
        }
        %scan3A_43 = arith.constant 5 : i32
        %barrier3A_44 = arith.constant 0 : index
        tpu.barrier barrier_id(%barrier3A_44)
        %dma_start3A = arith.constant 0 : i32
        %dma_start3A_45 = arith.constant 0 : i32
        %dma_start3A_46 = arith.constant 0 : i32
        %dma_start3A_47 = arith.constant 0 : i32
        %dma_start3A_48 = tpu.memref_slice %arg11[%dma_start3A_45, %dma_start3A_46, %dma_start3A_47] : memref<4x128x64xf32, #tpu.memory_space<vmem>> -> memref<1x128x64xf32, #tpu.memory_space<vmem>>
        %dma_start3A_49 = tpu.memref_squeeze %dma_start3A_48 : memref<1x128x64xf32, #tpu.memory_space<vmem>> -> memref<128x64xf32, #tpu.memory_space<vmem>>
        %dma_start3A_50 = arith.constant 0 : i32
        %dma_start3A_51 = tpu.memref_slice %arg8[%dma_start3A, %dma_start3A_50] : memref<49x128xi32, #tpu.memory_space<vmem>> -> memref<1x128xi32, #tpu.memory_space<vmem>>
        %dma_start3A_52 = tpu.memref_squeeze %dma_start3A_51 : memref<1x128xi32, #tpu.memory_space<vmem>> -> memref<128xi32, #tpu.memory_space<vmem>>
        %dma_start3A_53 = arith.constant 0 : i32
        %dma_start3A_54 = arith.constant 0 : i32
        %dma_start3A_55 = arith.constant 0 : i32
        %dma_start3A_56 = tpu.memref_slice %arg2[%scan3A_28, %dma_start3A_53, %dma_start3A_54, %dma_start3A_55] : memref<2x12x10000x64xf32, #tpu.memory_space<hbm>> -> memref<1x12x10000x64xf32, #tpu.memory_space<hbm>>
        %dma_start3A_57 = tpu.memref_squeeze %dma_start3A_56 : memref<1x12x10000x64xf32, #tpu.memory_space<hbm>> -> memref<12x10000x64xf32, #tpu.memory_space<hbm>>
        %dma_start3A_58 = arith.constant 0 : i32
        %dma_start3A_59 = arith.constant 0 : i32
        %dma_start3A_60 = tpu.memref_slice %dma_start3A_57[%add3A_38, %dma_start3A_58, %dma_start3A_59] : memref<12x10000x64xf32, #tpu.memory_space<hbm>> -> memref<1x10000x64xf32, #tpu.memory_space<hbm>>
        %dma_start3A_61 = tpu.memref_squeeze %dma_start3A_60 : memref<1x10000x64xf32, #tpu.memory_space<hbm>> -> memref<10000x64xf32, #tpu.memory_space<hbm>>
        %dma_start3A_62 = arith.constant 0 : i32
        %dma_start3A_63 = arith.constant 0 : i32
        %dma_start3A_64 = tpu.memref_slice %dma_start3A_61[%dma_start3A_62, %dma_start3A_63] : memref<10000x64xf32, #tpu.memory_space<hbm>> -> memref<10000x64xf32, #tpu.memory_space<hbm>>
        tpu.enqueue_indirect_dma source(%dma_start3A_64 : memref<10000x64xf32, #tpu.memory_space<hbm>>) target(%dma_start3A_49 : memref<128x64xf32, #tpu.memory_space<vmem>>) offsets(%dma_start3A_52 : memref<128xi32, #tpu.memory_space<vmem>>) semaphore(%arg15 : memref<!tpu.dma_semaphore, #tpu.memory_space<semaphore_mem>>)
        %dma_start3A_65 = arith.constant 1 : i32
        %dma_start3A_66 = arith.constant 1 : i32
        %dma_start3A_67 = arith.constant 0 : i32
        %dma_start3A_68 = arith.constant 0 : i32
        %dma_start3A_69 = tpu.memref_slice %arg11[%dma_start3A_66, %dma_start3A_67, %dma_start3A_68] : memref<4x128x64xf32, #tpu.memory_space<vmem>> -> memref<1x128x64xf32, #tpu.memory_space<vmem>>
        %dma_start3A_70 = tpu.memref_squeeze %dma_start3A_69 : memref<1x128x64xf32, #tpu.memory_space<vmem>> -> memref<128x64xf32, #tpu.memory_space<vmem>>
        %dma_start3A_71 = arith.constant 0 : i32
        %dma_start3A_72 = tpu.memref_slice %arg8[%dma_start3A_65, %dma_start3A_71] : memref<49x128xi32, #tpu.memory_space<vmem>> -> memref<1x128xi32, #tpu.memory_space<vmem>>
        %dma_start3A_73 = tpu.memref_squeeze %dma_start3A_72 : memref<1x128xi32, #tpu.memory_space<vmem>> -> memref<128xi32, #tpu.memory_space<vmem>>
        %dma_start3A_74 = arith.constant 0 : i32
        %dma_start3A_75 = arith.constant 0 : i32
        %dma_start3A_76 = arith.constant 0 : i32
        %dma_start3A_77 = tpu.memref_slice %arg2[%scan3A_28, %dma_start3A_74, %dma_start3A_75, %dma_start3A_76] : memref<2x12x10000x64xf32, #tpu.memory_space<hbm>> -> memref<1x12x10000x64xf32, #tpu.memory_space<hbm>>
        %dma_start3A_78 = tpu.memref_squeeze %dma_start3A_77 : memref<1x12x10000x64xf32, #tpu.memory_space<hbm>> -> memref<12x10000x64xf32, #tpu.memory_space<hbm>>
        %dma_start3A_79 = arith.constant 0 : i32
        %dma_start3A_80 = arith.constant 0 : i32
        %dma_start3A_81 = tpu.memref_slice %dma_start3A_78[%add3A_38, %dma_start3A_79, %dma_start3A_80] : memref<12x10000x64xf32, #tpu.memory_space<hbm>> -> memref<1x10000x64xf32, #tpu.memory_space<hbm>>
        %dma_start3A_82 = tpu.memref_squeeze %dma_start3A_81 : memref<1x10000x64xf32, #tpu.memory_space<hbm>> -> memref<10000x64xf32, #tpu.memory_space<hbm>>
        %dma_start3A_83 = arith.constant 0 : i32
        %dma_start3A_84 = arith.constant 0 : i32
        %dma_start3A_85 = tpu.memref_slice %dma_start3A_82[%dma_start3A_83, %dma_start3A_84] : memref<10000x64xf32, #tpu.memory_space<hbm>> -> memref<10000x64xf32, #tpu.memory_space<hbm>>
        tpu.enqueue_indirect_dma source(%dma_start3A_85 : memref<10000x64xf32, #tpu.memory_space<hbm>>) target(%dma_start3A_70 : memref<128x64xf32, #tpu.memory_space<vmem>>) offsets(%dma_start3A_73 : memref<128xi32, #tpu.memory_space<vmem>>) semaphore(%arg16 : memref<!tpu.dma_semaphore, #tpu.memory_space<semaphore_mem>>)
        %dma_start3A_86 = arith.constant 2 : i32
        %dma_start3A_87 = arith.constant 2 : i32
        %dma_start3A_88 = arith.constant 0 : i32
        %dma_start3A_89 = arith.constant 0 : i32
        %dma_start3A_90 = tpu.memref_slice %arg11[%dma_start3A_87, %dma_start3A_88, %dma_start3A_89] : memref<4x128x64xf32, #tpu.memory_space<vmem>> -> memref<1x128x64xf32, #tpu.memory_space<vmem>>
        %dma_start3A_91 = tpu.memref_squeeze %dma_start3A_90 : memref<1x128x64xf32, #tpu.memory_space<vmem>> -> memref<128x64xf32, #tpu.memory_space<vmem>>
        %dma_start3A_92 = arith.constant 0 : i32
        %dma_start3A_93 = tpu.memref_slice %arg8[%dma_start3A_86, %dma_start3A_92] : memref<49x128xi32, #tpu.memory_space<vmem>> -> memref<1x128xi32, #tpu.memory_space<vmem>>
        %dma_start3A_94 = tpu.memref_squeeze %dma_start3A_93 : memref<1x128xi32, #tpu.memory_space<vmem>> -> memref<128xi32, #tpu.memory_space<vmem>>
        %dma_start3A_95 = arith.constant 0 : i32
        %dma_start3A_96 = arith.constant 0 : i32
        %dma_start3A_97 = arith.constant 0 : i32
        %dma_start3A_98 = tpu.memref_slice %arg2[%scan3A_28, %dma_start3A_95, %dma_start3A_96, %dma_start3A_97] : memref<2x12x10000x64xf32, #tpu.memory_space<hbm>> -> memref<1x12x10000x64xf32, #tpu.memory_space<hbm>>
        %dma_start3A_99 = tpu.memref_squeeze %dma_start3A_98 : memref<1x12x10000x64xf32, #tpu.memory_space<hbm>> -> memref<12x10000x64xf32, #tpu.memory_space<hbm>>
        %dma_start3A_100 = arith.constant 0 : i32
        %dma_start3A_101 = arith.constant 0 : i32
        %dma_start3A_102 = tpu.memref_slice %dma_start3A_99[%add3A_38, %dma_start3A_100, %dma_start3A_101] : memref<12x10000x64xf32, #tpu.memory_space<hbm>> -> memref<1x10000x64xf32, #tpu.memory_space<hbm>>
        %dma_start3A_103 = tpu.memref_squeeze %dma_start3A_102 : memref<1x10000x64xf32, #tpu.memory_space<hbm>> -> memref<10000x64xf32, #tpu.memory_space<hbm>>
        %dma_start3A_104 = arith.constant 0 : i32
        %dma_start3A_105 = arith.constant 0 : i32
        %dma_start3A_106 = tpu.memref_slice %dma_start3A_103[%dma_start3A_104, %dma_start3A_105] : memref<10000x64xf32, #tpu.memory_space<hbm>> -> memref<10000x64xf32, #tpu.memory_space<hbm>>
        tpu.enqueue_indirect_dma source(%dma_start3A_106 : memref<10000x64xf32, #tpu.memory_space<hbm>>) target(%dma_start3A_91 : memref<128x64xf32, #tpu.memory_space<vmem>>) offsets(%dma_start3A_94 : memref<128xi32, #tpu.memory_space<vmem>>) semaphore(%arg17 : memref<!tpu.dma_semaphore, #tpu.memory_space<semaphore_mem>>)
        %dma_start3A_107 = arith.constant 3 : i32
        %dma_start3A_108 = arith.constant 3 : i32
        %dma_start3A_109 = arith.constant 0 : i32
        %dma_start3A_110 = arith.constant 0 : i32
        %dma_start3A_111 = tpu.memref_slice %arg11[%dma_start3A_108, %dma_start3A_109, %dma_start3A_110] : memref<4x128x64xf32, #tpu.memory_space<vmem>> -> memref<1x128x64xf32, #tpu.memory_space<vmem>>
        %dma_start3A_112 = tpu.memref_squeeze %dma_start3A_111 : memref<1x128x64xf32, #tpu.memory_space<vmem>> -> memref<128x64xf32, #tpu.memory_space<vmem>>
        %dma_start3A_113 = arith.constant 0 : i32
        %dma_start3A_114 = tpu.memref_slice %arg8[%dma_start3A_107, %dma_start3A_113] : memref<49x128xi32, #tpu.memory_space<vmem>> -> memref<1x128xi32, #tpu.memory_space<vmem>>
        %dma_start3A_115 = tpu.memref_squeeze %dma_start3A_114 : memref<1x128xi32, #tpu.memory_space<vmem>> -> memref<128xi32, #tpu.memory_space<vmem>>
        %dma_start3A_116 = arith.constant 0 : i32
        %dma_start3A_117 = arith.constant 0 : i32
        %dma_start3A_118 = arith.constant 0 : i32
        %dma_start3A_119 = tpu.memref_slice %arg2[%scan3A_28, %dma_start3A_116, %dma_start3A_117, %dma_start3A_118] : memref<2x12x10000x64xf32, #tpu.memory_space<hbm>> -> memref<1x12x10000x64xf32, #tpu.memory_space<hbm>>
        %dma_start3A_120 = tpu.memref_squeeze %dma_start3A_119 : memref<1x12x10000x64xf32, #tpu.memory_space<hbm>> -> memref<12x10000x64xf32, #tpu.memory_space<hbm>>
        %dma_start3A_121 = arith.constant 0 : i32
        %dma_start3A_122 = arith.constant 0 : i32
        %dma_start3A_123 = tpu.memref_slice %dma_start3A_120[%add3A_38, %dma_start3A_121, %dma_start3A_122] : memref<12x10000x64xf32, #tpu.memory_space<hbm>> -> memref<1x10000x64xf32, #tpu.memory_space<hbm>>
        %dma_start3A_124 = tpu.memref_squeeze %dma_start3A_123 : memref<1x10000x64xf32, #tpu.memory_space<hbm>> -> memref<10000x64xf32, #tpu.memory_space<hbm>>
        %dma_start3A_125 = arith.constant 0 : i32
        %dma_start3A_126 = arith.constant 0 : i32
        %dma_start3A_127 = tpu.memref_slice %dma_start3A_124[%dma_start3A_125, %dma_start3A_126] : memref<10000x64xf32, #tpu.memory_space<hbm>> -> memref<10000x64xf32, #tpu.memory_space<hbm>>
        tpu.enqueue_indirect_dma source(%dma_start3A_127 : memref<10000x64xf32, #tpu.memory_space<hbm>>) target(%dma_start3A_112 : memref<128x64xf32, #tpu.memory_space<vmem>>) offsets(%dma_start3A_115 : memref<128xi32, #tpu.memory_space<vmem>>) semaphore(%arg18 : memref<!tpu.dma_semaphore, #tpu.memory_space<semaphore_mem>>)
        %scan3A_128 = arith.constant 0 : i32
        %scan3A_129 = arith.constant 11 : i32
        %scan3A_130 = arith.addi %scan3A_128, %scan3A_129 : i32
        %scan3A_131 = arith.constant 1 : i32
        scf.for %scan3A_276 = %scan3A_128 to %scan3A_130 step %scan3A_131  : i32 {
          %mul3A_277 = arith.constant 4 : i32
          %mul3A_278 = arith.muli %scan3A_276, %mul3A_277 : i32
          %add3A_279 = arith.constant 0 : i32
          %add3A_280 = arith.addi %add3A_279, %mul3A_278 : i32
          %add3A_281 = arith.constant 0 : i32
          %add3A_282 = arith.addi %add3A_280, %add3A_281 : i32
          %dma_wait3A_283 = arith.constant 0 : i32
          %dma_wait3A_284 = arith.constant 0 : i32
          %dma_wait3A_285 = arith.constant 0 : i32
          %dma_wait3A_286 = tpu.memref_slice %arg11[%dma_wait3A_283, %dma_wait3A_284, %dma_wait3A_285] : memref<4x128x64xf32, #tpu.memory_space<vmem>> -> memref<1x128x64xf32, #tpu.memory_space<vmem>>
          %dma_wait3A_287 = tpu.memref_squeeze %dma_wait3A_286 : memref<1x128x64xf32, #tpu.memory_space<vmem>> -> memref<128x64xf32, #tpu.memory_space<vmem>>
          %dma_wait3A_288 = arith.constant 0 : i32
          %dma_wait3A_289 = tpu.memref_slice %arg8[%add3A_282, %dma_wait3A_288] : memref<49x128xi32, #tpu.memory_space<vmem>> -> memref<1x128xi32, #tpu.memory_space<vmem>>
          %dma_wait3A_290 = tpu.memref_squeeze %dma_wait3A_289 : memref<1x128xi32, #tpu.memory_space<vmem>> -> memref<128xi32, #tpu.memory_space<vmem>>
          %dma_wait3A_291 = arith.constant 0 : i32
          %dma_wait3A_292 = arith.constant 0 : i32
          %dma_wait3A_293 = arith.constant 0 : i32
          %dma_wait3A_294 = tpu.memref_slice %arg2[%scan3A_28, %dma_wait3A_291, %dma_wait3A_292, %dma_wait3A_293] : memref<2x12x10000x64xf32, #tpu.memory_space<hbm>> -> memref<1x12x10000x64xf32, #tpu.memory_space<hbm>>
          %dma_wait3A_295 = tpu.memref_squeeze %dma_wait3A_294 : memref<1x12x10000x64xf32, #tpu.memory_space<hbm>> -> memref<12x10000x64xf32, #tpu.memory_space<hbm>>
          %dma_wait3A_296 = arith.constant 0 : i32
          %dma_wait3A_297 = arith.constant 0 : i32
          %dma_wait3A_298 = tpu.memref_slice %dma_wait3A_295[%add3A_38, %dma_wait3A_296, %dma_wait3A_297] : memref<12x10000x64xf32, #tpu.memory_space<hbm>> -> memref<1x10000x64xf32, #tpu.memory_space<hbm>>
          %dma_wait3A_299 = tpu.memref_squeeze %dma_wait3A_298 : memref<1x10000x64xf32, #tpu.memory_space<hbm>> -> memref<10000x64xf32, #tpu.memory_space<hbm>>
          %dma_wait3A_300 = arith.constant 0 : i32
          %dma_wait3A_301 = arith.constant 0 : i32
          %dma_wait3A_302 = tpu.memref_slice %dma_wait3A_299[%dma_wait3A_300, %dma_wait3A_301] : memref<10000x64xf32, #tpu.memory_space<hbm>> -> memref<10000x64xf32, #tpu.memory_space<hbm>>
          tpu.wait_indirect_dma semaphore(%arg15 : memref<!tpu.dma_semaphore, #tpu.memory_space<semaphore_mem>>) src(%dma_wait3A_302 : memref<10000x64xf32, #tpu.memory_space<hbm>>) dst(%dma_wait3A_287 : memref<128x64xf32, #tpu.memory_space<vmem>>)
          %add3A_303 = arith.constant 0 : i32
          %add3A_304 = arith.addi %add3A_280, %add3A_303 : i32
          %dma_start3A_305 = arith.constant 0 : i32
          %dma_start3A_306 = arith.constant 0 : i32
          %dma_start3A_307 = arith.constant 0 : i32
          %dma_start3A_308 = tpu.memref_slice %arg11[%dma_start3A_305, %dma_start3A_306, %dma_start3A_307] : memref<4x128x64xf32, #tpu.memory_space<vmem>> -> memref<1x128x64xf32, #tpu.memory_space<vmem>>
          %dma_start3A_309 = tpu.memref_squeeze %dma_start3A_308 : memref<1x128x64xf32, #tpu.memory_space<vmem>> -> memref<128x64xf32, #tpu.memory_space<vmem>>
          %dma_start3A_310 = arith.constant 0 : i32
          %dma_start3A_311 = tpu.memref_slice %arg9[%add3A_304, %dma_start3A_310] : memref<49x128xi32, #tpu.memory_space<vmem>> -> memref<1x128xi32, #tpu.memory_space<vmem>>
          %dma_start3A_312 = tpu.memref_squeeze %dma_start3A_311 : memref<1x128xi32, #tpu.memory_space<vmem>> -> memref<128xi32, #tpu.memory_space<vmem>>
          %dma_start3A_313 = arith.constant 0 : i32
          %dma_start3A_314 = arith.constant 0 : i32
          %dma_start3A_315 = tpu.memref_slice %arg14[%dma_start3A_313, %dma_start3A_314] : memref<10240x64xf32, #tpu.memory_space<vmem_shared>> -> memref<10240x64xf32, #tpu.memory_space<vmem_shared>>
          tpu.enqueue_indirect_dma source(%dma_start3A_309 : memref<128x64xf32, #tpu.memory_space<vmem>>) target(%dma_start3A_315 : memref<10240x64xf32, #tpu.memory_space<vmem_shared>>) offsets(%dma_start3A_312 : memref<128xi32, #tpu.memory_space<vmem>>) semaphore(%arg19 : memref<!tpu.dma_semaphore, #tpu.memory_space<semaphore_mem>>) {add = true}
          %add3A_316 = arith.constant 1 : i32
          %add3A_317 = arith.addi %add3A_280, %add3A_316 : i32
          %dma_wait3A_318 = arith.constant 1 : i32
          %dma_wait3A_319 = arith.constant 0 : i32
          %dma_wait3A_320 = arith.constant 0 : i32
          %dma_wait3A_321 = tpu.memref_slice %arg11[%dma_wait3A_318, %dma_wait3A_319, %dma_wait3A_320] : memref<4x128x64xf32, #tpu.memory_space<vmem>> -> memref<1x128x64xf32, #tpu.memory_space<vmem>>
          %dma_wait3A_322 = tpu.memref_squeeze %dma_wait3A_321 : memref<1x128x64xf32, #tpu.memory_space<vmem>> -> memref<128x64xf32, #tpu.memory_space<vmem>>
          %dma_wait3A_323 = arith.constant 0 : i32
          %dma_wait3A_324 = tpu.memref_slice %arg8[%add3A_317, %dma_wait3A_323] : memref<49x128xi32, #tpu.memory_space<vmem>> -> memref<1x128xi32, #tpu.memory_space<vmem>>
          %dma_wait3A_325 = tpu.memref_squeeze %dma_wait3A_324 : memref<1x128xi32, #tpu.memory_space<vmem>> -> memref<128xi32, #tpu.memory_space<vmem>>
          %dma_wait3A_326 = arith.constant 0 : i32
          %dma_wait3A_327 = arith.constant 0 : i32
          %dma_wait3A_328 = arith.constant 0 : i32
          %dma_wait3A_329 = tpu.memref_slice %arg2[%scan3A_28, %dma_wait3A_326, %dma_wait3A_327, %dma_wait3A_328] : memref<2x12x10000x64xf32, #tpu.memory_space<hbm>> -> memref<1x12x10000x64xf32, #tpu.memory_space<hbm>>
          %dma_wait3A_330 = tpu.memref_squeeze %dma_wait3A_329 : memref<1x12x10000x64xf32, #tpu.memory_space<hbm>> -> memref<12x10000x64xf32, #tpu.memory_space<hbm>>
          %dma_wait3A_331 = arith.constant 0 : i32
          %dma_wait3A_332 = arith.constant 0 : i32
          %dma_wait3A_333 = tpu.memref_slice %dma_wait3A_330[%add3A_38, %dma_wait3A_331, %dma_wait3A_332] : memref<12x10000x64xf32, #tpu.memory_space<hbm>> -> memref<1x10000x64xf32, #tpu.memory_space<hbm>>
          %dma_wait3A_334 = tpu.memref_squeeze %dma_wait3A_333 : memref<1x10000x64xf32, #tpu.memory_space<hbm>> -> memref<10000x64xf32, #tpu.memory_space<hbm>>
          %dma_wait3A_335 = arith.constant 0 : i32
          %dma_wait3A_336 = arith.constant 0 : i32
          %dma_wait3A_337 = tpu.memref_slice %dma_wait3A_334[%dma_wait3A_335, %dma_wait3A_336] : memref<10000x64xf32, #tpu.memory_space<hbm>> -> memref<10000x64xf32, #tpu.memory_space<hbm>>
          tpu.wait_indirect_dma semaphore(%arg16 : memref<!tpu.dma_semaphore, #tpu.memory_space<semaphore_mem>>) src(%dma_wait3A_337 : memref<10000x64xf32, #tpu.memory_space<hbm>>) dst(%dma_wait3A_322 : memref<128x64xf32, #tpu.memory_space<vmem>>)
          %add3A_338 = arith.constant 1 : i32
          %add3A_339 = arith.addi %add3A_280, %add3A_338 : i32
          %dma_start3A_340 = arith.constant 1 : i32
          %dma_start3A_341 = arith.constant 0 : i32
          %dma_start3A_342 = arith.constant 0 : i32
          %dma_start3A_343 = tpu.memref_slice %arg11[%dma_start3A_340, %dma_start3A_341, %dma_start3A_342] : memref<4x128x64xf32, #tpu.memory_space<vmem>> -> memref<1x128x64xf32, #tpu.memory_space<vmem>>
          %dma_start3A_344 = tpu.memref_squeeze %dma_start3A_343 : memref<1x128x64xf32, #tpu.memory_space<vmem>> -> memref<128x64xf32, #tpu.memory_space<vmem>>
          %dma_start3A_345 = arith.constant 0 : i32
          %dma_start3A_346 = tpu.memref_slice %arg9[%add3A_339, %dma_start3A_345] : memref<49x128xi32, #tpu.memory_space<vmem>> -> memref<1x128xi32, #tpu.memory_space<vmem>>
          %dma_start3A_347 = tpu.memref_squeeze %dma_start3A_346 : memref<1x128xi32, #tpu.memory_space<vmem>> -> memref<128xi32, #tpu.memory_space<vmem>>
          %dma_start3A_348 = arith.constant 0 : i32
          %dma_start3A_349 = arith.constant 0 : i32
          %dma_start3A_350 = tpu.memref_slice %arg14[%dma_start3A_348, %dma_start3A_349] : memref<10240x64xf32, #tpu.memory_space<vmem_shared>> -> memref<10240x64xf32, #tpu.memory_space<vmem_shared>>
          tpu.enqueue_indirect_dma source(%dma_start3A_344 : memref<128x64xf32, #tpu.memory_space<vmem>>) target(%dma_start3A_350 : memref<10240x64xf32, #tpu.memory_space<vmem_shared>>) offsets(%dma_start3A_347 : memref<128xi32, #tpu.memory_space<vmem>>) semaphore(%arg20 : memref<!tpu.dma_semaphore, #tpu.memory_space<semaphore_mem>>) {add = true}
          %add3A_351 = arith.constant 2 : i32
          %add3A_352 = arith.addi %add3A_280, %add3A_351 : i32
          %add3A_353 = arith.constant 0 : i32
          %add3A_354 = arith.addi %add3A_352, %add3A_353 : i32
          %dma_wait3A_355 = arith.constant 2 : i32
          %dma_wait3A_356 = arith.constant 0 : i32
          %dma_wait3A_357 = arith.constant 0 : i32
          %dma_wait3A_358 = tpu.memref_slice %arg11[%dma_wait3A_355, %dma_wait3A_356, %dma_wait3A_357] : memref<4x128x64xf32, #tpu.memory_space<vmem>> -> memref<1x128x64xf32, #tpu.memory_space<vmem>>
          %dma_wait3A_359 = tpu.memref_squeeze %dma_wait3A_358 : memref<1x128x64xf32, #tpu.memory_space<vmem>> -> memref<128x64xf32, #tpu.memory_space<vmem>>
          %dma_wait3A_360 = arith.constant 0 : i32
          %dma_wait3A_361 = tpu.memref_slice %arg8[%add3A_354, %dma_wait3A_360] : memref<49x128xi32, #tpu.memory_space<vmem>> -> memref<1x128xi32, #tpu.memory_space<vmem>>
          %dma_wait3A_362 = tpu.memref_squeeze %dma_wait3A_361 : memref<1x128xi32, #tpu.memory_space<vmem>> -> memref<128xi32, #tpu.memory_space<vmem>>
          %dma_wait3A_363 = arith.constant 0 : i32
          %dma_wait3A_364 = arith.constant 0 : i32
          %dma_wait3A_365 = arith.constant 0 : i32
          %dma_wait3A_366 = tpu.memref_slice %arg2[%scan3A_28, %dma_wait3A_363, %dma_wait3A_364, %dma_wait3A_365] : memref<2x12x10000x64xf32, #tpu.memory_space<hbm>> -> memref<1x12x10000x64xf32, #tpu.memory_space<hbm>>
          %dma_wait3A_367 = tpu.memref_squeeze %dma_wait3A_366 : memref<1x12x10000x64xf32, #tpu.memory_space<hbm>> -> memref<12x10000x64xf32, #tpu.memory_space<hbm>>
          %dma_wait3A_368 = arith.constant 0 : i32
          %dma_wait3A_369 = arith.constant 0 : i32
          %dma_wait3A_370 = tpu.memref_slice %dma_wait3A_367[%add3A_38, %dma_wait3A_368, %dma_wait3A_369] : memref<12x10000x64xf32, #tpu.memory_space<hbm>> -> memref<1x10000x64xf32, #tpu.memory_space<hbm>>
          %dma_wait3A_371 = tpu.memref_squeeze %dma_wait3A_370 : memref<1x10000x64xf32, #tpu.memory_space<hbm>> -> memref<10000x64xf32, #tpu.memory_space<hbm>>
          %dma_wait3A_372 = arith.constant 0 : i32
          %dma_wait3A_373 = arith.constant 0 : i32
          %dma_wait3A_374 = tpu.memref_slice %dma_wait3A_371[%dma_wait3A_372, %dma_wait3A_373] : memref<10000x64xf32, #tpu.memory_space<hbm>> -> memref<10000x64xf32, #tpu.memory_space<hbm>>
          tpu.wait_indirect_dma semaphore(%arg17 : memref<!tpu.dma_semaphore, #tpu.memory_space<semaphore_mem>>) src(%dma_wait3A_374 : memref<10000x64xf32, #tpu.memory_space<hbm>>) dst(%dma_wait3A_359 : memref<128x64xf32, #tpu.memory_space<vmem>>)
          %add3A_375 = arith.constant 2 : i32
          %add3A_376 = arith.addi %add3A_280, %add3A_375 : i32
          %add3A_377 = arith.constant 0 : i32
          %add3A_378 = arith.addi %add3A_376, %add3A_377 : i32
          %dma_start3A_379 = arith.constant 2 : i32
          %dma_start3A_380 = arith.constant 0 : i32
          %dma_start3A_381 = arith.constant 0 : i32
          %dma_start3A_382 = tpu.memref_slice %arg11[%dma_start3A_379, %dma_start3A_380, %dma_start3A_381] : memref<4x128x64xf32, #tpu.memory_space<vmem>> -> memref<1x128x64xf32, #tpu.memory_space<vmem>>
          %dma_start3A_383 = tpu.memref_squeeze %dma_start3A_382 : memref<1x128x64xf32, #tpu.memory_space<vmem>> -> memref<128x64xf32, #tpu.memory_space<vmem>>
          %dma_start3A_384 = arith.constant 0 : i32
          %dma_start3A_385 = tpu.memref_slice %arg9[%add3A_378, %dma_start3A_384] : memref<49x128xi32, #tpu.memory_space<vmem>> -> memref<1x128xi32, #tpu.memory_space<vmem>>
          %dma_start3A_386 = tpu.memref_squeeze %dma_start3A_385 : memref<1x128xi32, #tpu.memory_space<vmem>> -> memref<128xi32, #tpu.memory_space<vmem>>
          %dma_start3A_387 = arith.constant 0 : i32
          %dma_start3A_388 = arith.constant 0 : i32
          %dma_start3A_389 = tpu.memref_slice %arg14[%dma_start3A_387, %dma_start3A_388] : memref<10240x64xf32, #tpu.memory_space<vmem_shared>> -> memref<10240x64xf32, #tpu.memory_space<vmem_shared>>
          tpu.enqueue_indirect_dma source(%dma_start3A_383 : memref<128x64xf32, #tpu.memory_space<vmem>>) target(%dma_start3A_389 : memref<10240x64xf32, #tpu.memory_space<vmem_shared>>) offsets(%dma_start3A_386 : memref<128xi32, #tpu.memory_space<vmem>>) semaphore(%arg21 : memref<!tpu.dma_semaphore, #tpu.memory_space<semaphore_mem>>) {add = true}
          %add3A_390 = arith.constant 2 : i32
          %add3A_391 = arith.addi %add3A_280, %add3A_390 : i32
          %add3A_392 = arith.constant 1 : i32
          %add3A_393 = arith.addi %add3A_391, %add3A_392 : i32
          %dma_wait3A_394 = arith.constant 3 : i32
          %dma_wait3A_395 = arith.constant 0 : i32
          %dma_wait3A_396 = arith.constant 0 : i32
          %dma_wait3A_397 = tpu.memref_slice %arg11[%dma_wait3A_394, %dma_wait3A_395, %dma_wait3A_396] : memref<4x128x64xf32, #tpu.memory_space<vmem>> -> memref<1x128x64xf32, #tpu.memory_space<vmem>>
          %dma_wait3A_398 = tpu.memref_squeeze %dma_wait3A_397 : memref<1x128x64xf32, #tpu.memory_space<vmem>> -> memref<128x64xf32, #tpu.memory_space<vmem>>
          %dma_wait3A_399 = arith.constant 0 : i32
          %dma_wait3A_400 = tpu.memref_slice %arg8[%add3A_393, %dma_wait3A_399] : memref<49x128xi32, #tpu.memory_space<vmem>> -> memref<1x128xi32, #tpu.memory_space<vmem>>
          %dma_wait3A_401 = tpu.memref_squeeze %dma_wait3A_400 : memref<1x128xi32, #tpu.memory_space<vmem>> -> memref<128xi32, #tpu.memory_space<vmem>>
          %dma_wait3A_402 = arith.constant 0 : i32
          %dma_wait3A_403 = arith.constant 0 : i32
          %dma_wait3A_404 = arith.constant 0 : i32
          %dma_wait3A_405 = tpu.memref_slice %arg2[%scan3A_28, %dma_wait3A_402, %dma_wait3A_403, %dma_wait3A_404] : memref<2x12x10000x64xf32, #tpu.memory_space<hbm>> -> memref<1x12x10000x64xf32, #tpu.memory_space<hbm>>
          %dma_wait3A_406 = tpu.memref_squeeze %dma_wait3A_405 : memref<1x12x10000x64xf32, #tpu.memory_space<hbm>> -> memref<12x10000x64xf32, #tpu.memory_space<hbm>>
          %dma_wait3A_407 = arith.constant 0 : i32
          %dma_wait3A_408 = arith.constant 0 : i32
          %dma_wait3A_409 = tpu.memref_slice %dma_wait3A_406[%add3A_38, %dma_wait3A_407, %dma_wait3A_408] : memref<12x10000x64xf32, #tpu.memory_space<hbm>> -> memref<1x10000x64xf32, #tpu.memory_space<hbm>>
          %dma_wait3A_410 = tpu.memref_squeeze %dma_wait3A_409 : memref<1x10000x64xf32, #tpu.memory_space<hbm>> -> memref<10000x64xf32, #tpu.memory_space<hbm>>
          %dma_wait3A_411 = arith.constant 0 : i32
          %dma_wait3A_412 = arith.constant 0 : i32
          %dma_wait3A_413 = tpu.memref_slice %dma_wait3A_410[%dma_wait3A_411, %dma_wait3A_412] : memref<10000x64xf32, #tpu.memory_space<hbm>> -> memref<10000x64xf32, #tpu.memory_space<hbm>>
          tpu.wait_indirect_dma semaphore(%arg18 : memref<!tpu.dma_semaphore, #tpu.memory_space<semaphore_mem>>) src(%dma_wait3A_413 : memref<10000x64xf32, #tpu.memory_space<hbm>>) dst(%dma_wait3A_398 : memref<128x64xf32, #tpu.memory_space<vmem>>)
          %add3A_414 = arith.constant 2 : i32
          %add3A_415 = arith.addi %add3A_280, %add3A_414 : i32
          %add3A_416 = arith.constant 1 : i32
          %add3A_417 = arith.addi %add3A_415, %add3A_416 : i32
          %dma_start3A_418 = arith.constant 3 : i32
          %dma_start3A_419 = arith.constant 0 : i32
          %dma_start3A_420 = arith.constant 0 : i32
          %dma_start3A_421 = tpu.memref_slice %arg11[%dma_start3A_418, %dma_start3A_419, %dma_start3A_420] : memref<4x128x64xf32, #tpu.memory_space<vmem>> -> memref<1x128x64xf32, #tpu.memory_space<vmem>>
          %dma_start3A_422 = tpu.memref_squeeze %dma_start3A_421 : memref<1x128x64xf32, #tpu.memory_space<vmem>> -> memref<128x64xf32, #tpu.memory_space<vmem>>
          %dma_start3A_423 = arith.constant 0 : i32
          %dma_start3A_424 = tpu.memref_slice %arg9[%add3A_417, %dma_start3A_423] : memref<49x128xi32, #tpu.memory_space<vmem>> -> memref<1x128xi32, #tpu.memory_space<vmem>>
          %dma_start3A_425 = tpu.memref_squeeze %dma_start3A_424 : memref<1x128xi32, #tpu.memory_space<vmem>> -> memref<128xi32, #tpu.memory_space<vmem>>
          %dma_start3A_426 = arith.constant 0 : i32
          %dma_start3A_427 = arith.constant 0 : i32
          %dma_start3A_428 = tpu.memref_slice %arg14[%dma_start3A_426, %dma_start3A_427] : memref<10240x64xf32, #tpu.memory_space<vmem_shared>> -> memref<10240x64xf32, #tpu.memory_space<vmem_shared>>
          tpu.enqueue_indirect_dma source(%dma_start3A_422 : memref<128x64xf32, #tpu.memory_space<vmem>>) target(%dma_start3A_428 : memref<10240x64xf32, #tpu.memory_space<vmem_shared>>) offsets(%dma_start3A_425 : memref<128xi32, #tpu.memory_space<vmem>>) semaphore(%arg22 : memref<!tpu.dma_semaphore, #tpu.memory_space<semaphore_mem>>) {add = true}
          %add3A_429 = arith.constant 0 : i32
          %add3A_430 = arith.addi %add3A_280, %add3A_429 : i32
          %dma_wait3A_431 = arith.constant 0 : i32
          %dma_wait3A_432 = arith.constant 0 : i32
          %dma_wait3A_433 = arith.constant 0 : i32
          %dma_wait3A_434 = tpu.memref_slice %arg11[%dma_wait3A_431, %dma_wait3A_432, %dma_wait3A_433] : memref<4x128x64xf32, #tpu.memory_space<vmem>> -> memref<1x128x64xf32, #tpu.memory_space<vmem>>
          %dma_wait3A_435 = tpu.memref_squeeze %dma_wait3A_434 : memref<1x128x64xf32, #tpu.memory_space<vmem>> -> memref<128x64xf32, #tpu.memory_space<vmem>>
          %dma_wait3A_436 = arith.constant 0 : i32
          %dma_wait3A_437 = tpu.memref_slice %arg9[%add3A_430, %dma_wait3A_436] : memref<49x128xi32, #tpu.memory_space<vmem>> -> memref<1x128xi32, #tpu.memory_space<vmem>>
          %dma_wait3A_438 = tpu.memref_squeeze %dma_wait3A_437 : memref<1x128xi32, #tpu.memory_space<vmem>> -> memref<128xi32, #tpu.memory_space<vmem>>
          %dma_wait3A_439 = arith.constant 0 : i32
          %dma_wait3A_440 = arith.constant 0 : i32
          %dma_wait3A_441 = tpu.memref_slice %arg14[%dma_wait3A_439, %dma_wait3A_440] : memref<10240x64xf32, #tpu.memory_space<vmem_shared>> -> memref<10240x64xf32, #tpu.memory_space<vmem_shared>>
          tpu.wait_indirect_dma semaphore(%arg19 : memref<!tpu.dma_semaphore, #tpu.memory_space<semaphore_mem>>) src(%dma_wait3A_435 : memref<128x64xf32, #tpu.memory_space<vmem>>) dst(%dma_wait3A_441 : memref<10240x64xf32, #tpu.memory_space<vmem_shared>>)
          %add3A_442 = arith.constant 4 : i32
          %add3A_443 = arith.addi %add3A_280, %add3A_442 : i32
          %add3A_444 = arith.constant 0 : i32
          %add3A_445 = arith.addi %add3A_443, %add3A_444 : i32
          %dma_start3A_446 = arith.constant 0 : i32
          %dma_start3A_447 = arith.constant 0 : i32
          %dma_start3A_448 = arith.constant 0 : i32
          %dma_start3A_449 = tpu.memref_slice %arg11[%dma_start3A_446, %dma_start3A_447, %dma_start3A_448] : memref<4x128x64xf32, #tpu.memory_space<vmem>> -> memref<1x128x64xf32, #tpu.memory_space<vmem>>
          %dma_start3A_450 = tpu.memref_squeeze %dma_start3A_449 : memref<1x128x64xf32, #tpu.memory_space<vmem>> -> memref<128x64xf32, #tpu.memory_space<vmem>>
          %dma_start3A_451 = arith.constant 0 : i32
          %dma_start3A_452 = tpu.memref_slice %arg8[%add3A_445, %dma_start3A_451] : memref<49x128xi32, #tpu.memory_space<vmem>> -> memref<1x128xi32, #tpu.memory_space<vmem>>
          %dma_start3A_453 = tpu.memref_squeeze %dma_start3A_452 : memref<1x128xi32, #tpu.memory_space<vmem>> -> memref<128xi32, #tpu.memory_space<vmem>>
          %dma_start3A_454 = arith.constant 0 : i32
          %dma_start3A_455 = arith.constant 0 : i32
          %dma_start3A_456 = arith.constant 0 : i32
          %dma_start3A_457 = tpu.memref_slice %arg2[%scan3A_28, %dma_start3A_454, %dma_start3A_455, %dma_start3A_456] : memref<2x12x10000x64xf32, #tpu.memory_space<hbm>> -> memref<1x12x10000x64xf32, #tpu.memory_space<hbm>>
          %dma_start3A_458 = tpu.memref_squeeze %dma_start3A_457 : memref<1x12x10000x64xf32, #tpu.memory_space<hbm>> -> memref<12x10000x64xf32, #tpu.memory_space<hbm>>
          %dma_start3A_459 = arith.constant 0 : i32
          %dma_start3A_460 = arith.constant 0 : i32
          %dma_start3A_461 = tpu.memref_slice %dma_start3A_458[%add3A_38, %dma_start3A_459, %dma_start3A_460] : memref<12x10000x64xf32, #tpu.memory_space<hbm>> -> memref<1x10000x64xf32, #tpu.memory_space<hbm>>
          %dma_start3A_462 = tpu.memref_squeeze %dma_start3A_461 : memref<1x10000x64xf32, #tpu.memory_space<hbm>> -> memref<10000x64xf32, #tpu.memory_space<hbm>>
          %dma_start3A_463 = arith.constant 0 : i32
          %dma_start3A_464 = arith.constant 0 : i32
          %dma_start3A_465 = tpu.memref_slice %dma_start3A_462[%dma_start3A_463, %dma_start3A_464] : memref<10000x64xf32, #tpu.memory_space<hbm>> -> memref<10000x64xf32, #tpu.memory_space<hbm>>
          tpu.enqueue_indirect_dma source(%dma_start3A_465 : memref<10000x64xf32, #tpu.memory_space<hbm>>) target(%dma_start3A_450 : memref<128x64xf32, #tpu.memory_space<vmem>>) offsets(%dma_start3A_453 : memref<128xi32, #tpu.memory_space<vmem>>) semaphore(%arg15 : memref<!tpu.dma_semaphore, #tpu.memory_space<semaphore_mem>>)
          %add3A_466 = arith.constant 1 : i32
          %add3A_467 = arith.addi %add3A_280, %add3A_466 : i32
          %dma_wait3A_468 = arith.constant 1 : i32
          %dma_wait3A_469 = arith.constant 0 : i32
          %dma_wait3A_470 = arith.constant 0 : i32
          %dma_wait3A_471 = tpu.memref_slice %arg11[%dma_wait3A_468, %dma_wait3A_469, %dma_wait3A_470] : memref<4x128x64xf32, #tpu.memory_space<vmem>> -> memref<1x128x64xf32, #tpu.memory_space<vmem>>
          %dma_wait3A_472 = tpu.memref_squeeze %dma_wait3A_471 : memref<1x128x64xf32, #tpu.memory_space<vmem>> -> memref<128x64xf32, #tpu.memory_space<vmem>>
          %dma_wait3A_473 = arith.constant 0 : i32
          %dma_wait3A_474 = tpu.memref_slice %arg9[%add3A_467, %dma_wait3A_473] : memref<49x128xi32, #tpu.memory_space<vmem>> -> memref<1x128xi32, #tpu.memory_space<vmem>>
          %dma_wait3A_475 = tpu.memref_squeeze %dma_wait3A_474 : memref<1x128xi32, #tpu.memory_space<vmem>> -> memref<128xi32, #tpu.memory_space<vmem>>
          %dma_wait3A_476 = arith.constant 0 : i32
          %dma_wait3A_477 = arith.constant 0 : i32
          %dma_wait3A_478 = tpu.memref_slice %arg14[%dma_wait3A_476, %dma_wait3A_477] : memref<10240x64xf32, #tpu.memory_space<vmem_shared>> -> memref<10240x64xf32, #tpu.memory_space<vmem_shared>>
          tpu.wait_indirect_dma semaphore(%arg20 : memref<!tpu.dma_semaphore, #tpu.memory_space<semaphore_mem>>) src(%dma_wait3A_472 : memref<128x64xf32, #tpu.memory_space<vmem>>) dst(%dma_wait3A_478 : memref<10240x64xf32, #tpu.memory_space<vmem_shared>>)
          %add3A_479 = arith.constant 4 : i32
          %add3A_480 = arith.addi %add3A_280, %add3A_479 : i32
          %add3A_481 = arith.constant 1 : i32
          %add3A_482 = arith.addi %add3A_480, %add3A_481 : i32
          %dma_start3A_483 = arith.constant 1 : i32
          %dma_start3A_484 = arith.constant 0 : i32
          %dma_start3A_485 = arith.constant 0 : i32
          %dma_start3A_486 = tpu.memref_slice %arg11[%dma_start3A_483, %dma_start3A_484, %dma_start3A_485] : memref<4x128x64xf32, #tpu.memory_space<vmem>> -> memref<1x128x64xf32, #tpu.memory_space<vmem>>
          %dma_start3A_487 = tpu.memref_squeeze %dma_start3A_486 : memref<1x128x64xf32, #tpu.memory_space<vmem>> -> memref<128x64xf32, #tpu.memory_space<vmem>>
          %dma_start3A_488 = arith.constant 0 : i32
          %dma_start3A_489 = tpu.memref_slice %arg8[%add3A_482, %dma_start3A_488] : memref<49x128xi32, #tpu.memory_space<vmem>> -> memref<1x128xi32, #tpu.memory_space<vmem>>
          %dma_start3A_490 = tpu.memref_squeeze %dma_start3A_489 : memref<1x128xi32, #tpu.memory_space<vmem>> -> memref<128xi32, #tpu.memory_space<vmem>>
          %dma_start3A_491 = arith.constant 0 : i32
          %dma_start3A_492 = arith.constant 0 : i32
          %dma_start3A_493 = arith.constant 0 : i32
          %dma_start3A_494 = tpu.memref_slice %arg2[%scan3A_28, %dma_start3A_491, %dma_start3A_492, %dma_start3A_493] : memref<2x12x10000x64xf32, #tpu.memory_space<hbm>> -> memref<1x12x10000x64xf32, #tpu.memory_space<hbm>>
          %dma_start3A_495 = tpu.memref_squeeze %dma_start3A_494 : memref<1x12x10000x64xf32, #tpu.memory_space<hbm>> -> memref<12x10000x64xf32, #tpu.memory_space<hbm>>
          %dma_start3A_496 = arith.constant 0 : i32
          %dma_start3A_497 = arith.constant 0 : i32
          %dma_start3A_498 = tpu.memref_slice %dma_start3A_495[%add3A_38, %dma_start3A_496, %dma_start3A_497] : memref<12x10000x64xf32, #tpu.memory_space<hbm>> -> memref<1x10000x64xf32, #tpu.memory_space<hbm>>
          %dma_start3A_499 = tpu.memref_squeeze %dma_start3A_498 : memref<1x10000x64xf32, #tpu.memory_space<hbm>> -> memref<10000x64xf32, #tpu.memory_space<hbm>>
          %dma_start3A_500 = arith.constant 0 : i32
          %dma_start3A_501 = arith.constant 0 : i32
          %dma_start3A_502 = tpu.memref_slice %dma_start3A_499[%dma_start3A_500, %dma_start3A_501] : memref<10000x64xf32, #tpu.memory_space<hbm>> -> memref<10000x64xf32, #tpu.memory_space<hbm>>
          tpu.enqueue_indirect_dma source(%dma_start3A_502 : memref<10000x64xf32, #tpu.memory_space<hbm>>) target(%dma_start3A_487 : memref<128x64xf32, #tpu.memory_space<vmem>>) offsets(%dma_start3A_490 : memref<128xi32, #tpu.memory_space<vmem>>) semaphore(%arg16 : memref<!tpu.dma_semaphore, #tpu.memory_space<semaphore_mem>>)
          %add3A_503 = arith.constant 2 : i32
          %add3A_504 = arith.addi %add3A_280, %add3A_503 : i32
          %add3A_505 = arith.constant 0 : i32
          %add3A_506 = arith.addi %add3A_504, %add3A_505 : i32
          %dma_wait3A_507 = arith.constant 2 : i32
          %dma_wait3A_508 = arith.constant 0 : i32
          %dma_wait3A_509 = arith.constant 0 : i32
          %dma_wait3A_510 = tpu.memref_slice %arg11[%dma_wait3A_507, %dma_wait3A_508, %dma_wait3A_509] : memref<4x128x64xf32, #tpu.memory_space<vmem>> -> memref<1x128x64xf32, #tpu.memory_space<vmem>>
          %dma_wait3A_511 = tpu.memref_squeeze %dma_wait3A_510 : memref<1x128x64xf32, #tpu.memory_space<vmem>> -> memref<128x64xf32, #tpu.memory_space<vmem>>
          %dma_wait3A_512 = arith.constant 0 : i32
          %dma_wait3A_513 = tpu.memref_slice %arg9[%add3A_506, %dma_wait3A_512] : memref<49x128xi32, #tpu.memory_space<vmem>> -> memref<1x128xi32, #tpu.memory_space<vmem>>
          %dma_wait3A_514 = tpu.memref_squeeze %dma_wait3A_513 : memref<1x128xi32, #tpu.memory_space<vmem>> -> memref<128xi32, #tpu.memory_space<vmem>>
          %dma_wait3A_515 = arith.constant 0 : i32
          %dma_wait3A_516 = arith.constant 0 : i32
          %dma_wait3A_517 = tpu.memref_slice %arg14[%dma_wait3A_515, %dma_wait3A_516] : memref<10240x64xf32, #tpu.memory_space<vmem_shared>> -> memref<10240x64xf32, #tpu.memory_space<vmem_shared>>
          tpu.wait_indirect_dma semaphore(%arg21 : memref<!tpu.dma_semaphore, #tpu.memory_space<semaphore_mem>>) src(%dma_wait3A_511 : memref<128x64xf32, #tpu.memory_space<vmem>>) dst(%dma_wait3A_517 : memref<10240x64xf32, #tpu.memory_space<vmem_shared>>)
          %add3A_518 = arith.constant 6 : i32
          %add3A_519 = arith.addi %add3A_280, %add3A_518 : i32
          %add3A_520 = arith.constant 0 : i32
          %add3A_521 = arith.addi %add3A_519, %add3A_520 : i32
          %dma_start3A_522 = arith.constant 2 : i32
          %dma_start3A_523 = arith.constant 0 : i32
          %dma_start3A_524 = arith.constant 0 : i32
          %dma_start3A_525 = tpu.memref_slice %arg11[%dma_start3A_522, %dma_start3A_523, %dma_start3A_524] : memref<4x128x64xf32, #tpu.memory_space<vmem>> -> memref<1x128x64xf32, #tpu.memory_space<vmem>>
          %dma_start3A_526 = tpu.memref_squeeze %dma_start3A_525 : memref<1x128x64xf32, #tpu.memory_space<vmem>> -> memref<128x64xf32, #tpu.memory_space<vmem>>
          %dma_start3A_527 = arith.constant 0 : i32
          %dma_start3A_528 = tpu.memref_slice %arg8[%add3A_521, %dma_start3A_527] : memref<49x128xi32, #tpu.memory_space<vmem>> -> memref<1x128xi32, #tpu.memory_space<vmem>>
          %dma_start3A_529 = tpu.memref_squeeze %dma_start3A_528 : memref<1x128xi32, #tpu.memory_space<vmem>> -> memref<128xi32, #tpu.memory_space<vmem>>
          %dma_start3A_530 = arith.constant 0 : i32
          %dma_start3A_531 = arith.constant 0 : i32
          %dma_start3A_532 = arith.constant 0 : i32
          %dma_start3A_533 = tpu.memref_slice %arg2[%scan3A_28, %dma_start3A_530, %dma_start3A_531, %dma_start3A_532] : memref<2x12x10000x64xf32, #tpu.memory_space<hbm>> -> memref<1x12x10000x64xf32, #tpu.memory_space<hbm>>
          %dma_start3A_534 = tpu.memref_squeeze %dma_start3A_533 : memref<1x12x10000x64xf32, #tpu.memory_space<hbm>> -> memref<12x10000x64xf32, #tpu.memory_space<hbm>>
          %dma_start3A_535 = arith.constant 0 : i32
          %dma_start3A_536 = arith.constant 0 : i32
          %dma_start3A_537 = tpu.memref_slice %dma_start3A_534[%add3A_38, %dma_start3A_535, %dma_start3A_536] : memref<12x10000x64xf32, #tpu.memory_space<hbm>> -> memref<1x10000x64xf32, #tpu.memory_space<hbm>>
          %dma_start3A_538 = tpu.memref_squeeze %dma_start3A_537 : memref<1x10000x64xf32, #tpu.memory_space<hbm>> -> memref<10000x64xf32, #tpu.memory_space<hbm>>
          %dma_start3A_539 = arith.constant 0 : i32
          %dma_start3A_540 = arith.constant 0 : i32
          %dma_start3A_541 = tpu.memref_slice %dma_start3A_538[%dma_start3A_539, %dma_start3A_540] : memref<10000x64xf32, #tpu.memory_space<hbm>> -> memref<10000x64xf32, #tpu.memory_space<hbm>>
          tpu.enqueue_indirect_dma source(%dma_start3A_541 : memref<10000x64xf32, #tpu.memory_space<hbm>>) target(%dma_start3A_526 : memref<128x64xf32, #tpu.memory_space<vmem>>) offsets(%dma_start3A_529 : memref<128xi32, #tpu.memory_space<vmem>>) semaphore(%arg17 : memref<!tpu.dma_semaphore, #tpu.memory_space<semaphore_mem>>)
          %add3A_542 = arith.constant 2 : i32
          %add3A_543 = arith.addi %add3A_280, %add3A_542 : i32
          %add3A_544 = arith.constant 1 : i32
          %add3A_545 = arith.addi %add3A_543, %add3A_544 : i32
          %dma_wait3A_546 = arith.constant 3 : i32
          %dma_wait3A_547 = arith.constant 0 : i32
          %dma_wait3A_548 = arith.constant 0 : i32
          %dma_wait3A_549 = tpu.memref_slice %arg11[%dma_wait3A_546, %dma_wait3A_547, %dma_wait3A_548] : memref<4x128x64xf32, #tpu.memory_space<vmem>> -> memref<1x128x64xf32, #tpu.memory_space<vmem>>
          %dma_wait3A_550 = tpu.memref_squeeze %dma_wait3A_549 : memref<1x128x64xf32, #tpu.memory_space<vmem>> -> memref<128x64xf32, #tpu.memory_space<vmem>>
          %dma_wait3A_551 = arith.constant 0 : i32
          %dma_wait3A_552 = tpu.memref_slice %arg9[%add3A_545, %dma_wait3A_551] : memref<49x128xi32, #tpu.memory_space<vmem>> -> memref<1x128xi32, #tpu.memory_space<vmem>>
          %dma_wait3A_553 = tpu.memref_squeeze %dma_wait3A_552 : memref<1x128xi32, #tpu.memory_space<vmem>> -> memref<128xi32, #tpu.memory_space<vmem>>
          %dma_wait3A_554 = arith.constant 0 : i32
          %dma_wait3A_555 = arith.constant 0 : i32
          %dma_wait3A_556 = tpu.memref_slice %arg14[%dma_wait3A_554, %dma_wait3A_555] : memref<10240x64xf32, #tpu.memory_space<vmem_shared>> -> memref<10240x64xf32, #tpu.memory_space<vmem_shared>>
          tpu.wait_indirect_dma semaphore(%arg22 : memref<!tpu.dma_semaphore, #tpu.memory_space<semaphore_mem>>) src(%dma_wait3A_550 : memref<128x64xf32, #tpu.memory_space<vmem>>) dst(%dma_wait3A_556 : memref<10240x64xf32, #tpu.memory_space<vmem_shared>>)
          %add3A_557 = arith.constant 6 : i32
          %add3A_558 = arith.addi %add3A_280, %add3A_557 : i32
          %add3A_559 = arith.constant 1 : i32
          %add3A_560 = arith.addi %add3A_558, %add3A_559 : i32
          %dma_start3A_561 = arith.constant 3 : i32
          %dma_start3A_562 = arith.constant 0 : i32
          %dma_start3A_563 = arith.constant 0 : i32
          %dma_start3A_564 = tpu.memref_slice %arg11[%dma_start3A_561, %dma_start3A_562, %dma_start3A_563] : memref<4x128x64xf32, #tpu.memory_space<vmem>> -> memref<1x128x64xf32, #tpu.memory_space<vmem>>
          %dma_start3A_565 = tpu.memref_squeeze %dma_start3A_564 : memref<1x128x64xf32, #tpu.memory_space<vmem>> -> memref<128x64xf32, #tpu.memory_space<vmem>>
          %dma_start3A_566 = arith.constant 0 : i32
          %dma_start3A_567 = tpu.memref_slice %arg8[%add3A_560, %dma_start3A_566] : memref<49x128xi32, #tpu.memory_space<vmem>> -> memref<1x128xi32, #tpu.memory_space<vmem>>
          %dma_start3A_568 = tpu.memref_squeeze %dma_start3A_567 : memref<1x128xi32, #tpu.memory_space<vmem>> -> memref<128xi32, #tpu.memory_space<vmem>>
          %dma_start3A_569 = arith.constant 0 : i32
          %dma_start3A_570 = arith.constant 0 : i32
          %dma_start3A_571 = arith.constant 0 : i32
          %dma_start3A_572 = tpu.memref_slice %arg2[%scan3A_28, %dma_start3A_569, %dma_start3A_570, %dma_start3A_571] : memref<2x12x10000x64xf32, #tpu.memory_space<hbm>> -> memref<1x12x10000x64xf32, #tpu.memory_space<hbm>>
          %dma_start3A_573 = tpu.memref_squeeze %dma_start3A_572 : memref<1x12x10000x64xf32, #tpu.memory_space<hbm>> -> memref<12x10000x64xf32, #tpu.memory_space<hbm>>
          %dma_start3A_574 = arith.constant 0 : i32
          %dma_start3A_575 = arith.constant 0 : i32
          %dma_start3A_576 = tpu.memref_slice %dma_start3A_573[%add3A_38, %dma_start3A_574, %dma_start3A_575] : memref<12x10000x64xf32, #tpu.memory_space<hbm>> -> memref<1x10000x64xf32, #tpu.memory_space<hbm>>
          %dma_start3A_577 = tpu.memref_squeeze %dma_start3A_576 : memref<1x10000x64xf32, #tpu.memory_space<hbm>> -> memref<10000x64xf32, #tpu.memory_space<hbm>>
          %dma_start3A_578 = arith.constant 0 : i32
          %dma_start3A_579 = arith.constant 0 : i32
          %dma_start3A_580 = tpu.memref_slice %dma_start3A_577[%dma_start3A_578, %dma_start3A_579] : memref<10000x64xf32, #tpu.memory_space<hbm>> -> memref<10000x64xf32, #tpu.memory_space<hbm>>
          tpu.enqueue_indirect_dma source(%dma_start3A_580 : memref<10000x64xf32, #tpu.memory_space<hbm>>) target(%dma_start3A_565 : memref<128x64xf32, #tpu.memory_space<vmem>>) offsets(%dma_start3A_568 : memref<128xi32, #tpu.memory_space<vmem>>) semaphore(%arg18 : memref<!tpu.dma_semaphore, #tpu.memory_space<semaphore_mem>>)
        }
        %scan3A_132 = arith.constant 11 : i32
        %dma_wait3A = arith.constant 44 : i32
        %dma_wait3A_133 = arith.constant 0 : i32
        %dma_wait3A_134 = arith.constant 0 : i32
        %dma_wait3A_135 = arith.constant 0 : i32
        %dma_wait3A_136 = tpu.memref_slice %arg11[%dma_wait3A_133, %dma_wait3A_134, %dma_wait3A_135] : memref<4x128x64xf32, #tpu.memory_space<vmem>> -> memref<1x128x64xf32, #tpu.memory_space<vmem>>
        %dma_wait3A_137 = tpu.memref_squeeze %dma_wait3A_136 : memref<1x128x64xf32, #tpu.memory_space<vmem>> -> memref<128x64xf32, #tpu.memory_space<vmem>>
        %dma_wait3A_138 = arith.constant 0 : i32
        %dma_wait3A_139 = tpu.memref_slice %arg8[%dma_wait3A, %dma_wait3A_138] : memref<49x128xi32, #tpu.memory_space<vmem>> -> memref<1x128xi32, #tpu.memory_space<vmem>>
        %dma_wait3A_140 = tpu.memref_squeeze %dma_wait3A_139 : memref<1x128xi32, #tpu.memory_space<vmem>> -> memref<128xi32, #tpu.memory_space<vmem>>
        %dma_wait3A_141 = arith.constant 0 : i32
        %dma_wait3A_142 = arith.constant 0 : i32
        %dma_wait3A_143 = arith.constant 0 : i32
        %dma_wait3A_144 = tpu.memref_slice %arg2[%scan3A_28, %dma_wait3A_141, %dma_wait3A_142, %dma_wait3A_143] : memref<2x12x10000x64xf32, #tpu.memory_space<hbm>> -> memref<1x12x10000x64xf32, #tpu.memory_space<hbm>>
        %dma_wait3A_145 = tpu.memref_squeeze %dma_wait3A_144 : memref<1x12x10000x64xf32, #tpu.memory_space<hbm>> -> memref<12x10000x64xf32, #tpu.memory_space<hbm>>
        %dma_wait3A_146 = arith.constant 0 : i32
        %dma_wait3A_147 = arith.constant 0 : i32
        %dma_wait3A_148 = tpu.memref_slice %dma_wait3A_145[%add3A_38, %dma_wait3A_146, %dma_wait3A_147] : memref<12x10000x64xf32, #tpu.memory_space<hbm>> -> memref<1x10000x64xf32, #tpu.memory_space<hbm>>
        %dma_wait3A_149 = tpu.memref_squeeze %dma_wait3A_148 : memref<1x10000x64xf32, #tpu.memory_space<hbm>> -> memref<10000x64xf32, #tpu.memory_space<hbm>>
        %dma_wait3A_150 = arith.constant 0 : i32
        %dma_wait3A_151 = arith.constant 0 : i32
        %dma_wait3A_152 = tpu.memref_slice %dma_wait3A_149[%dma_wait3A_150, %dma_wait3A_151] : memref<10000x64xf32, #tpu.memory_space<hbm>> -> memref<10000x64xf32, #tpu.memory_space<hbm>>
        tpu.wait_indirect_dma semaphore(%arg15 : memref<!tpu.dma_semaphore, #tpu.memory_space<semaphore_mem>>) src(%dma_wait3A_152 : memref<10000x64xf32, #tpu.memory_space<hbm>>) dst(%dma_wait3A_137 : memref<128x64xf32, #tpu.memory_space<vmem>>)
        %run_scoped3A_153 = arith.constant 0 : i32
        %run_scoped3A_154 = arith.constant 44 : i32
        "tpu.region"() ({
          %run_scoped3A_276 = tpu.sem_alloc : memref<!tpu.dma_semaphore, #tpu.memory_space<semaphore_mem>>
          %dma_start3A_277 = arith.constant 0 : i32
          %dma_start3A_278 = arith.constant 0 : i32
          %dma_start3A_279 = tpu.memref_slice %arg11[%run_scoped3A_153, %dma_start3A_277, %dma_start3A_278] : memref<4x128x64xf32, #tpu.memory_space<vmem>> -> memref<1x128x64xf32, #tpu.memory_space<vmem>>
          %dma_start3A_280 = tpu.memref_squeeze %dma_start3A_279 : memref<1x128x64xf32, #tpu.memory_space<vmem>> -> memref<128x64xf32, #tpu.memory_space<vmem>>
          %dma_start3A_281 = arith.constant 0 : i32
          %dma_start3A_282 = tpu.memref_slice %arg9[%run_scoped3A_154, %dma_start3A_281] : memref<49x128xi32, #tpu.memory_space<vmem>> -> memref<1x128xi32, #tpu.memory_space<vmem>>
          %dma_start3A_283 = tpu.memref_squeeze %dma_start3A_282 : memref<1x128xi32, #tpu.memory_space<vmem>> -> memref<128xi32, #tpu.memory_space<vmem>>
          %dma_start3A_284 = arith.constant 0 : i32
          %dma_start3A_285 = arith.constant 0 : i32
          %dma_start3A_286 = tpu.memref_slice %arg14[%dma_start3A_284, %dma_start3A_285] : memref<10240x64xf32, #tpu.memory_space<vmem_shared>> -> memref<10240x64xf32, #tpu.memory_space<vmem_shared>>
          tpu.enqueue_indirect_dma source(%dma_start3A_280 : memref<128x64xf32, #tpu.memory_space<vmem>>) target(%dma_start3A_286 : memref<10240x64xf32, #tpu.memory_space<vmem_shared>>) offsets(%dma_start3A_283 : memref<128xi32, #tpu.memory_space<vmem>>) semaphore(%run_scoped3A_276 : memref<!tpu.dma_semaphore, #tpu.memory_space<semaphore_mem>>) {add = true}
          %dma_wait3A_287 = arith.constant 0 : i32
          %dma_wait3A_288 = arith.constant 0 : i32
          %dma_wait3A_289 = tpu.memref_slice %arg11[%run_scoped3A_153, %dma_wait3A_287, %dma_wait3A_288] : memref<4x128x64xf32, #tpu.memory_space<vmem>> -> memref<1x128x64xf32, #tpu.memory_space<vmem>>
          %dma_wait3A_290 = tpu.memref_squeeze %dma_wait3A_289 : memref<1x128x64xf32, #tpu.memory_space<vmem>> -> memref<128x64xf32, #tpu.memory_space<vmem>>
          %dma_wait3A_291 = arith.constant 0 : i32
          %dma_wait3A_292 = tpu.memref_slice %arg9[%run_scoped3A_154, %dma_wait3A_291] : memref<49x128xi32, #tpu.memory_space<vmem>> -> memref<1x128xi32, #tpu.memory_space<vmem>>
          %dma_wait3A_293 = tpu.memref_squeeze %dma_wait3A_292 : memref<1x128xi32, #tpu.memory_space<vmem>> -> memref<128xi32, #tpu.memory_space<vmem>>
          %dma_wait3A_294 = arith.constant 0 : i32
          %dma_wait3A_295 = arith.constant 0 : i32
          %dma_wait3A_296 = tpu.memref_slice %arg14[%dma_wait3A_294, %dma_wait3A_295] : memref<10240x64xf32, #tpu.memory_space<vmem_shared>> -> memref<10240x64xf32, #tpu.memory_space<vmem_shared>>
          tpu.wait_indirect_dma semaphore(%run_scoped3A_276 : memref<!tpu.dma_semaphore, #tpu.memory_space<semaphore_mem>>) src(%dma_wait3A_290 : memref<128x64xf32, #tpu.memory_space<vmem>>) dst(%dma_wait3A_296 : memref<10240x64xf32, #tpu.memory_space<vmem_shared>>)
          tpu.yield
        }) : () -> ()
        %dma_wait3A_155 = arith.constant 45 : i32
        %dma_wait3A_156 = arith.constant 1 : i32
        %dma_wait3A_157 = arith.constant 0 : i32
        %dma_wait3A_158 = arith.constant 0 : i32
        %dma_wait3A_159 = tpu.memref_slice %arg11[%dma_wait3A_156, %dma_wait3A_157, %dma_wait3A_158] : memref<4x128x64xf32, #tpu.memory_space<vmem>> -> memref<1x128x64xf32, #tpu.memory_space<vmem>>
        %dma_wait3A_160 = tpu.memref_squeeze %dma_wait3A_159 : memref<1x128x64xf32, #tpu.memory_space<vmem>> -> memref<128x64xf32, #tpu.memory_space<vmem>>
        %dma_wait3A_161 = arith.constant 0 : i32
        %dma_wait3A_162 = tpu.memref_slice %arg8[%dma_wait3A_155, %dma_wait3A_161] : memref<49x128xi32, #tpu.memory_space<vmem>> -> memref<1x128xi32, #tpu.memory_space<vmem>>
        %dma_wait3A_163 = tpu.memref_squeeze %dma_wait3A_162 : memref<1x128xi32, #tpu.memory_space<vmem>> -> memref<128xi32, #tpu.memory_space<vmem>>
        %dma_wait3A_164 = arith.constant 0 : i32
        %dma_wait3A_165 = arith.constant 0 : i32
        %dma_wait3A_166 = arith.constant 0 : i32
        %dma_wait3A_167 = tpu.memref_slice %arg2[%scan3A_28, %dma_wait3A_164, %dma_wait3A_165, %dma_wait3A_166] : memref<2x12x10000x64xf32, #tpu.memory_space<hbm>> -> memref<1x12x10000x64xf32, #tpu.memory_space<hbm>>
        %dma_wait3A_168 = tpu.memref_squeeze %dma_wait3A_167 : memref<1x12x10000x64xf32, #tpu.memory_space<hbm>> -> memref<12x10000x64xf32, #tpu.memory_space<hbm>>
        %dma_wait3A_169 = arith.constant 0 : i32
        %dma_wait3A_170 = arith.constant 0 : i32
        %dma_wait3A_171 = tpu.memref_slice %dma_wait3A_168[%add3A_38, %dma_wait3A_169, %dma_wait3A_170] : memref<12x10000x64xf32, #tpu.memory_space<hbm>> -> memref<1x10000x64xf32, #tpu.memory_space<hbm>>
        %dma_wait3A_172 = tpu.memref_squeeze %dma_wait3A_171 : memref<1x10000x64xf32, #tpu.memory_space<hbm>> -> memref<10000x64xf32, #tpu.memory_space<hbm>>
        %dma_wait3A_173 = arith.constant 0 : i32
        %dma_wait3A_174 = arith.constant 0 : i32
        %dma_wait3A_175 = tpu.memref_slice %dma_wait3A_172[%dma_wait3A_173, %dma_wait3A_174] : memref<10000x64xf32, #tpu.memory_space<hbm>> -> memref<10000x64xf32, #tpu.memory_space<hbm>>
        tpu.wait_indirect_dma semaphore(%arg16 : memref<!tpu.dma_semaphore, #tpu.memory_space<semaphore_mem>>) src(%dma_wait3A_175 : memref<10000x64xf32, #tpu.memory_space<hbm>>) dst(%dma_wait3A_160 : memref<128x64xf32, #tpu.memory_space<vmem>>)
        %run_scoped3A_176 = arith.constant 1 : i32
        %run_scoped3A_177 = arith.constant 45 : i32
        "tpu.region"() ({
          %run_scoped3A_276 = tpu.sem_alloc : memref<!tpu.dma_semaphore, #tpu.memory_space<semaphore_mem>>
          %dma_start3A_277 = arith.constant 0 : i32
          %dma_start3A_278 = arith.constant 0 : i32
          %dma_start3A_279 = tpu.memref_slice %arg11[%run_scoped3A_176, %dma_start3A_277, %dma_start3A_278] : memref<4x128x64xf32, #tpu.memory_space<vmem>> -> memref<1x128x64xf32, #tpu.memory_space<vmem>>
          %dma_start3A_280 = tpu.memref_squeeze %dma_start3A_279 : memref<1x128x64xf32, #tpu.memory_space<vmem>> -> memref<128x64xf32, #tpu.memory_space<vmem>>
          %dma_start3A_281 = arith.constant 0 : i32
          %dma_start3A_282 = tpu.memref_slice %arg9[%run_scoped3A_177, %dma_start3A_281] : memref<49x128xi32, #tpu.memory_space<vmem>> -> memref<1x128xi32, #tpu.memory_space<vmem>>
          %dma_start3A_283 = tpu.memref_squeeze %dma_start3A_282 : memref<1x128xi32, #tpu.memory_space<vmem>> -> memref<128xi32, #tpu.memory_space<vmem>>
          %dma_start3A_284 = arith.constant 0 : i32
          %dma_start3A_285 = arith.constant 0 : i32
          %dma_start3A_286 = tpu.memref_slice %arg14[%dma_start3A_284, %dma_start3A_285] : memref<10240x64xf32, #tpu.memory_space<vmem_shared>> -> memref<10240x64xf32, #tpu.memory_space<vmem_shared>>
          tpu.enqueue_indirect_dma source(%dma_start3A_280 : memref<128x64xf32, #tpu.memory_space<vmem>>) target(%dma_start3A_286 : memref<10240x64xf32, #tpu.memory_space<vmem_shared>>) offsets(%dma_start3A_283 : memref<128xi32, #tpu.memory_space<vmem>>) semaphore(%run_scoped3A_276 : memref<!tpu.dma_semaphore, #tpu.memory_space<semaphore_mem>>) {add = true}
          %dma_wait3A_287 = arith.constant 0 : i32
          %dma_wait3A_288 = arith.constant 0 : i32
          %dma_wait3A_289 = tpu.memref_slice %arg11[%run_scoped3A_176, %dma_wait3A_287, %dma_wait3A_288] : memref<4x128x64xf32, #tpu.memory_space<vmem>> -> memref<1x128x64xf32, #tpu.memory_space<vmem>>
          %dma_wait3A_290 = tpu.memref_squeeze %dma_wait3A_289 : memref<1x128x64xf32, #tpu.memory_space<vmem>> -> memref<128x64xf32, #tpu.memory_space<vmem>>
          %dma_wait3A_291 = arith.constant 0 : i32
          %dma_wait3A_292 = tpu.memref_slice %arg9[%run_scoped3A_177, %dma_wait3A_291] : memref<49x128xi32, #tpu.memory_space<vmem>> -> memref<1x128xi32, #tpu.memory_space<vmem>>
          %dma_wait3A_293 = tpu.memref_squeeze %dma_wait3A_292 : memref<1x128xi32, #tpu.memory_space<vmem>> -> memref<128xi32, #tpu.memory_space<vmem>>
          %dma_wait3A_294 = arith.constant 0 : i32
          %dma_wait3A_295 = arith.constant 0 : i32
          %dma_wait3A_296 = tpu.memref_slice %arg14[%dma_wait3A_294, %dma_wait3A_295] : memref<10240x64xf32, #tpu.memory_space<vmem_shared>> -> memref<10240x64xf32, #tpu.memory_space<vmem_shared>>
          tpu.wait_indirect_dma semaphore(%run_scoped3A_276 : memref<!tpu.dma_semaphore, #tpu.memory_space<semaphore_mem>>) src(%dma_wait3A_290 : memref<128x64xf32, #tpu.memory_space<vmem>>) dst(%dma_wait3A_296 : memref<10240x64xf32, #tpu.memory_space<vmem_shared>>)
          tpu.yield
        }) : () -> ()
        %dma_wait3A_178 = arith.constant 46 : i32
        %dma_wait3A_179 = arith.constant 2 : i32
        %dma_wait3A_180 = arith.constant 0 : i32
        %dma_wait3A_181 = arith.constant 0 : i32
        %dma_wait3A_182 = tpu.memref_slice %arg11[%dma_wait3A_179, %dma_wait3A_180, %dma_wait3A_181] : memref<4x128x64xf32, #tpu.memory_space<vmem>> -> memref<1x128x64xf32, #tpu.memory_space<vmem>>
        %dma_wait3A_183 = tpu.memref_squeeze %dma_wait3A_182 : memref<1x128x64xf32, #tpu.memory_space<vmem>> -> memref<128x64xf32, #tpu.memory_space<vmem>>
        %dma_wait3A_184 = arith.constant 0 : i32
        %dma_wait3A_185 = tpu.memref_slice %arg8[%dma_wait3A_178, %dma_wait3A_184] : memref<49x128xi32, #tpu.memory_space<vmem>> -> memref<1x128xi32, #tpu.memory_space<vmem>>
        %dma_wait3A_186 = tpu.memref_squeeze %dma_wait3A_185 : memref<1x128xi32, #tpu.memory_space<vmem>> -> memref<128xi32, #tpu.memory_space<vmem>>
        %dma_wait3A_187 = arith.constant 0 : i32
        %dma_wait3A_188 = arith.constant 0 : i32
        %dma_wait3A_189 = arith.constant 0 : i32
        %dma_wait3A_190 = tpu.memref_slice %arg2[%scan3A_28, %dma_wait3A_187, %dma_wait3A_188, %dma_wait3A_189] : memref<2x12x10000x64xf32, #tpu.memory_space<hbm>> -> memref<1x12x10000x64xf32, #tpu.memory_space<hbm>>
        %dma_wait3A_191 = tpu.memref_squeeze %dma_wait3A_190 : memref<1x12x10000x64xf32, #tpu.memory_space<hbm>> -> memref<12x10000x64xf32, #tpu.memory_space<hbm>>
        %dma_wait3A_192 = arith.constant 0 : i32
        %dma_wait3A_193 = arith.constant 0 : i32
        %dma_wait3A_194 = tpu.memref_slice %dma_wait3A_191[%add3A_38, %dma_wait3A_192, %dma_wait3A_193] : memref<12x10000x64xf32, #tpu.memory_space<hbm>> -> memref<1x10000x64xf32, #tpu.memory_space<hbm>>
        %dma_wait3A_195 = tpu.memref_squeeze %dma_wait3A_194 : memref<1x10000x64xf32, #tpu.memory_space<hbm>> -> memref<10000x64xf32, #tpu.memory_space<hbm>>
        %dma_wait3A_196 = arith.constant 0 : i32
        %dma_wait3A_197 = arith.constant 0 : i32
        %dma_wait3A_198 = tpu.memref_slice %dma_wait3A_195[%dma_wait3A_196, %dma_wait3A_197] : memref<10000x64xf32, #tpu.memory_space<hbm>> -> memref<10000x64xf32, #tpu.memory_space<hbm>>
        tpu.wait_indirect_dma semaphore(%arg17 : memref<!tpu.dma_semaphore, #tpu.memory_space<semaphore_mem>>) src(%dma_wait3A_198 : memref<10000x64xf32, #tpu.memory_space<hbm>>) dst(%dma_wait3A_183 : memref<128x64xf32, #tpu.memory_space<vmem>>)
        %run_scoped3A_199 = arith.constant 2 : i32
        %run_scoped3A_200 = arith.constant 46 : i32
        "tpu.region"() ({
          %run_scoped3A_276 = tpu.sem_alloc : memref<!tpu.dma_semaphore, #tpu.memory_space<semaphore_mem>>
          %dma_start3A_277 = arith.constant 0 : i32
          %dma_start3A_278 = arith.constant 0 : i32
          %dma_start3A_279 = tpu.memref_slice %arg11[%run_scoped3A_199, %dma_start3A_277, %dma_start3A_278] : memref<4x128x64xf32, #tpu.memory_space<vmem>> -> memref<1x128x64xf32, #tpu.memory_space<vmem>>
          %dma_start3A_280 = tpu.memref_squeeze %dma_start3A_279 : memref<1x128x64xf32, #tpu.memory_space<vmem>> -> memref<128x64xf32, #tpu.memory_space<vmem>>
          %dma_start3A_281 = arith.constant 0 : i32
          %dma_start3A_282 = tpu.memref_slice %arg9[%run_scoped3A_200, %dma_start3A_281] : memref<49x128xi32, #tpu.memory_space<vmem>> -> memref<1x128xi32, #tpu.memory_space<vmem>>
          %dma_start3A_283 = tpu.memref_squeeze %dma_start3A_282 : memref<1x128xi32, #tpu.memory_space<vmem>> -> memref<128xi32, #tpu.memory_space<vmem>>
          %dma_start3A_284 = arith.constant 0 : i32
          %dma_start3A_285 = arith.constant 0 : i32
          %dma_start3A_286 = tpu.memref_slice %arg14[%dma_start3A_284, %dma_start3A_285] : memref<10240x64xf32, #tpu.memory_space<vmem_shared>> -> memref<10240x64xf32, #tpu.memory_space<vmem_shared>>
          tpu.enqueue_indirect_dma source(%dma_start3A_280 : memref<128x64xf32, #tpu.memory_space<vmem>>) target(%dma_start3A_286 : memref<10240x64xf32, #tpu.memory_space<vmem_shared>>) offsets(%dma_start3A_283 : memref<128xi32, #tpu.memory_space<vmem>>) semaphore(%run_scoped3A_276 : memref<!tpu.dma_semaphore, #tpu.memory_space<semaphore_mem>>) {add = true}
          %dma_wait3A_287 = arith.constant 0 : i32
          %dma_wait3A_288 = arith.constant 0 : i32
          %dma_wait3A_289 = tpu.memref_slice %arg11[%run_scoped3A_199, %dma_wait3A_287, %dma_wait3A_288] : memref<4x128x64xf32, #tpu.memory_space<vmem>> -> memref<1x128x64xf32, #tpu.memory_space<vmem>>
          %dma_wait3A_290 = tpu.memref_squeeze %dma_wait3A_289 : memref<1x128x64xf32, #tpu.memory_space<vmem>> -> memref<128x64xf32, #tpu.memory_space<vmem>>
          %dma_wait3A_291 = arith.constant 0 : i32
          %dma_wait3A_292 = tpu.memref_slice %arg9[%run_scoped3A_200, %dma_wait3A_291] : memref<49x128xi32, #tpu.memory_space<vmem>> -> memref<1x128xi32, #tpu.memory_space<vmem>>
          %dma_wait3A_293 = tpu.memref_squeeze %dma_wait3A_292 : memref<1x128xi32, #tpu.memory_space<vmem>> -> memref<128xi32, #tpu.memory_space<vmem>>
          %dma_wait3A_294 = arith.constant 0 : i32
          %dma_wait3A_295 = arith.constant 0 : i32
          %dma_wait3A_296 = tpu.memref_slice %arg14[%dma_wait3A_294, %dma_wait3A_295] : memref<10240x64xf32, #tpu.memory_space<vmem_shared>> -> memref<10240x64xf32, #tpu.memory_space<vmem_shared>>
          tpu.wait_indirect_dma semaphore(%run_scoped3A_276 : memref<!tpu.dma_semaphore, #tpu.memory_space<semaphore_mem>>) src(%dma_wait3A_290 : memref<128x64xf32, #tpu.memory_space<vmem>>) dst(%dma_wait3A_296 : memref<10240x64xf32, #tpu.memory_space<vmem_shared>>)
          tpu.yield
        }) : () -> ()
        %dma_wait3A_201 = arith.constant 47 : i32
        %dma_wait3A_202 = arith.constant 3 : i32
        %dma_wait3A_203 = arith.constant 0 : i32
        %dma_wait3A_204 = arith.constant 0 : i32
        %dma_wait3A_205 = tpu.memref_slice %arg11[%dma_wait3A_202, %dma_wait3A_203, %dma_wait3A_204] : memref<4x128x64xf32, #tpu.memory_space<vmem>> -> memref<1x128x64xf32, #tpu.memory_space<vmem>>
        %dma_wait3A_206 = tpu.memref_squeeze %dma_wait3A_205 : memref<1x128x64xf32, #tpu.memory_space<vmem>> -> memref<128x64xf32, #tpu.memory_space<vmem>>
        %dma_wait3A_207 = arith.constant 0 : i32
        %dma_wait3A_208 = tpu.memref_slice %arg8[%dma_wait3A_201, %dma_wait3A_207] : memref<49x128xi32, #tpu.memory_space<vmem>> -> memref<1x128xi32, #tpu.memory_space<vmem>>
        %dma_wait3A_209 = tpu.memref_squeeze %dma_wait3A_208 : memref<1x128xi32, #tpu.memory_space<vmem>> -> memref<128xi32, #tpu.memory_space<vmem>>
        %dma_wait3A_210 = arith.constant 0 : i32
        %dma_wait3A_211 = arith.constant 0 : i32
        %dma_wait3A_212 = arith.constant 0 : i32
        %dma_wait3A_213 = tpu.memref_slice %arg2[%scan3A_28, %dma_wait3A_210, %dma_wait3A_211, %dma_wait3A_212] : memref<2x12x10000x64xf32, #tpu.memory_space<hbm>> -> memref<1x12x10000x64xf32, #tpu.memory_space<hbm>>
        %dma_wait3A_214 = tpu.memref_squeeze %dma_wait3A_213 : memref<1x12x10000x64xf32, #tpu.memory_space<hbm>> -> memref<12x10000x64xf32, #tpu.memory_space<hbm>>
        %dma_wait3A_215 = arith.constant 0 : i32
        %dma_wait3A_216 = arith.constant 0 : i32
        %dma_wait3A_217 = tpu.memref_slice %dma_wait3A_214[%add3A_38, %dma_wait3A_215, %dma_wait3A_216] : memref<12x10000x64xf32, #tpu.memory_space<hbm>> -> memref<1x10000x64xf32, #tpu.memory_space<hbm>>
        %dma_wait3A_218 = tpu.memref_squeeze %dma_wait3A_217 : memref<1x10000x64xf32, #tpu.memory_space<hbm>> -> memref<10000x64xf32, #tpu.memory_space<hbm>>
        %dma_wait3A_219 = arith.constant 0 : i32
        %dma_wait3A_220 = arith.constant 0 : i32
        %dma_wait3A_221 = tpu.memref_slice %dma_wait3A_218[%dma_wait3A_219, %dma_wait3A_220] : memref<10000x64xf32, #tpu.memory_space<hbm>> -> memref<10000x64xf32, #tpu.memory_space<hbm>>
        tpu.wait_indirect_dma semaphore(%arg18 : memref<!tpu.dma_semaphore, #tpu.memory_space<semaphore_mem>>) src(%dma_wait3A_221 : memref<10000x64xf32, #tpu.memory_space<hbm>>) dst(%dma_wait3A_206 : memref<128x64xf32, #tpu.memory_space<vmem>>)
        %run_scoped3A_222 = arith.constant 3 : i32
        %run_scoped3A_223 = arith.constant 47 : i32
        "tpu.region"() ({
          %run_scoped3A_276 = tpu.sem_alloc : memref<!tpu.dma_semaphore, #tpu.memory_space<semaphore_mem>>
          %dma_start3A_277 = arith.constant 0 : i32
          %dma_start3A_278 = arith.constant 0 : i32
          %dma_start3A_279 = tpu.memref_slice %arg11[%run_scoped3A_222, %dma_start3A_277, %dma_start3A_278] : memref<4x128x64xf32, #tpu.memory_space<vmem>> -> memref<1x128x64xf32, #tpu.memory_space<vmem>>
          %dma_start3A_280 = tpu.memref_squeeze %dma_start3A_279 : memref<1x128x64xf32, #tpu.memory_space<vmem>> -> memref<128x64xf32, #tpu.memory_space<vmem>>
          %dma_start3A_281 = arith.constant 0 : i32
          %dma_start3A_282 = tpu.memref_slice %arg9[%run_scoped3A_223, %dma_start3A_281] : memref<49x128xi32, #tpu.memory_space<vmem>> -> memref<1x128xi32, #tpu.memory_space<vmem>>
          %dma_start3A_283 = tpu.memref_squeeze %dma_start3A_282 : memref<1x128xi32, #tpu.memory_space<vmem>> -> memref<128xi32, #tpu.memory_space<vmem>>
          %dma_start3A_284 = arith.constant 0 : i32
          %dma_start3A_285 = arith.constant 0 : i32
          %dma_start3A_286 = tpu.memref_slice %arg14[%dma_start3A_284, %dma_start3A_285] : memref<10240x64xf32, #tpu.memory_space<vmem_shared>> -> memref<10240x64xf32, #tpu.memory_space<vmem_shared>>
          tpu.enqueue_indirect_dma source(%dma_start3A_280 : memref<128x64xf32, #tpu.memory_space<vmem>>) target(%dma_start3A_286 : memref<10240x64xf32, #tpu.memory_space<vmem_shared>>) offsets(%dma_start3A_283 : memref<128xi32, #tpu.memory_space<vmem>>) semaphore(%run_scoped3A_276 : memref<!tpu.dma_semaphore, #tpu.memory_space<semaphore_mem>>) {add = true}
          %dma_wait3A_287 = arith.constant 0 : i32
          %dma_wait3A_288 = arith.constant 0 : i32
          %dma_wait3A_289 = tpu.memref_slice %arg11[%run_scoped3A_222, %dma_wait3A_287, %dma_wait3A_288] : memref<4x128x64xf32, #tpu.memory_space<vmem>> -> memref<1x128x64xf32, #tpu.memory_space<vmem>>
          %dma_wait3A_290 = tpu.memref_squeeze %dma_wait3A_289 : memref<1x128x64xf32, #tpu.memory_space<vmem>> -> memref<128x64xf32, #tpu.memory_space<vmem>>
          %dma_wait3A_291 = arith.constant 0 : i32
          %dma_wait3A_292 = tpu.memref_slice %arg9[%run_scoped3A_223, %dma_wait3A_291] : memref<49x128xi32, #tpu.memory_space<vmem>> -> memref<1x128xi32, #tpu.memory_space<vmem>>
          %dma_wait3A_293 = tpu.memref_squeeze %dma_wait3A_292 : memref<1x128xi32, #tpu.memory_space<vmem>> -> memref<128xi32, #tpu.memory_space<vmem>>
          %dma_wait3A_294 = arith.constant 0 : i32
          %dma_wait3A_295 = arith.constant 0 : i32
          %dma_wait3A_296 = tpu.memref_slice %arg14[%dma_wait3A_294, %dma_wait3A_295] : memref<10240x64xf32, #tpu.memory_space<vmem_shared>> -> memref<10240x64xf32, #tpu.memory_space<vmem_shared>>
          tpu.wait_indirect_dma semaphore(%run_scoped3A_276 : memref<!tpu.dma_semaphore, #tpu.memory_space<semaphore_mem>>) src(%dma_wait3A_290 : memref<128x64xf32, #tpu.memory_space<vmem>>) dst(%dma_wait3A_296 : memref<10240x64xf32, #tpu.memory_space<vmem_shared>>)
          tpu.yield
        }) : () -> ()
        %scan3A_224 = arith.constant 0 : i32
        %mul3A_225 = arith.constant 1 : i32
        %mul3A_226 = arith.muli %scan3A_224, %mul3A_225 : i32
        %add3A_227 = arith.constant 48 : i32
        %add3A_228 = arith.addi %add3A_227, %mul3A_226 : i32
        %dma_start3A_229 = arith.constant 0 : i32
        %dma_start3A_230 = arith.constant 0 : i32
        %dma_start3A_231 = arith.constant 0 : i32
        %dma_start3A_232 = tpu.memref_slice %arg11[%dma_start3A_229, %dma_start3A_230, %dma_start3A_231] : memref<4x128x64xf32, #tpu.memory_space<vmem>> -> memref<1x128x64xf32, #tpu.memory_space<vmem>>
        %dma_start3A_233 = tpu.memref_squeeze %dma_start3A_232 : memref<1x128x64xf32, #tpu.memory_space<vmem>> -> memref<128x64xf32, #tpu.memory_space<vmem>>
        %dma_start3A_234 = arith.constant 0 : i32
        %dma_start3A_235 = tpu.memref_slice %arg8[%add3A_228, %dma_start3A_234] : memref<49x128xi32, #tpu.memory_space<vmem>> -> memref<1x128xi32, #tpu.memory_space<vmem>>
        %dma_start3A_236 = tpu.memref_squeeze %dma_start3A_235 : memref<1x128xi32, #tpu.memory_space<vmem>> -> memref<128xi32, #tpu.memory_space<vmem>>
        %dma_start3A_237 = arith.constant 0 : i32
        %dma_start3A_238 = arith.constant 0 : i32
        %dma_start3A_239 = arith.constant 0 : i32
        %dma_start3A_240 = tpu.memref_slice %arg2[%scan3A_28, %dma_start3A_237, %dma_start3A_238, %dma_start3A_239] : memref<2x12x10000x64xf32, #tpu.memory_space<hbm>> -> memref<1x12x10000x64xf32, #tpu.memory_space<hbm>>
        %dma_start3A_241 = tpu.memref_squeeze %dma_start3A_240 : memref<1x12x10000x64xf32, #tpu.memory_space<hbm>> -> memref<12x10000x64xf32, #tpu.memory_space<hbm>>
        %dma_start3A_242 = arith.constant 0 : i32
        %dma_start3A_243 = arith.constant 0 : i32
        %dma_start3A_244 = tpu.memref_slice %dma_start3A_241[%add3A_38, %dma_start3A_242, %dma_start3A_243] : memref<12x10000x64xf32, #tpu.memory_space<hbm>> -> memref<1x10000x64xf32, #tpu.memory_space<hbm>>
        %dma_start3A_245 = tpu.memref_squeeze %dma_start3A_244 : memref<1x10000x64xf32, #tpu.memory_space<hbm>> -> memref<10000x64xf32, #tpu.memory_space<hbm>>
        %dma_start3A_246 = arith.constant 0 : i32
        %dma_start3A_247 = arith.constant 0 : i32
        %dma_start3A_248 = tpu.memref_slice %dma_start3A_245[%dma_start3A_246, %dma_start3A_247] : memref<10000x64xf32, #tpu.memory_space<hbm>> -> memref<10000x64xf32, #tpu.memory_space<hbm>>
        tpu.enqueue_indirect_dma source(%dma_start3A_248 : memref<10000x64xf32, #tpu.memory_space<hbm>>) target(%dma_start3A_233 : memref<128x64xf32, #tpu.memory_space<vmem>>) offsets(%dma_start3A_236 : memref<128xi32, #tpu.memory_space<vmem>>) semaphore(%arg15 : memref<!tpu.dma_semaphore, #tpu.memory_space<semaphore_mem>>)
        %dma_wait3A_249 = arith.constant 0 : i32
        %dma_wait3A_250 = arith.constant 0 : i32
        %dma_wait3A_251 = arith.constant 0 : i32
        %dma_wait3A_252 = tpu.memref_slice %arg11[%dma_wait3A_249, %dma_wait3A_250, %dma_wait3A_251] : memref<4x128x64xf32, #tpu.memory_space<vmem>> -> memref<1x128x64xf32, #tpu.memory_space<vmem>>
        %dma_wait3A_253 = tpu.memref_squeeze %dma_wait3A_252 : memref<1x128x64xf32, #tpu.memory_space<vmem>> -> memref<128x64xf32, #tpu.memory_space<vmem>>
        %dma_wait3A_254 = arith.constant 0 : i32
        %dma_wait3A_255 = tpu.memref_slice %arg8[%add3A_228, %dma_wait3A_254] : memref<49x128xi32, #tpu.memory_space<vmem>> -> memref<1x128xi32, #tpu.memory_space<vmem>>
        %dma_wait3A_256 = tpu.memref_squeeze %dma_wait3A_255 : memref<1x128xi32, #tpu.memory_space<vmem>> -> memref<128xi32, #tpu.memory_space<vmem>>
        %dma_wait3A_257 = arith.constant 0 : i32
        %dma_wait3A_258 = arith.constant 0 : i32
        %dma_wait3A_259 = arith.constant 0 : i32
        %dma_wait3A_260 = tpu.memref_slice %arg2[%scan3A_28, %dma_wait3A_257, %dma_wait3A_258, %dma_wait3A_259] : memref<2x12x10000x64xf32, #tpu.memory_space<hbm>> -> memref<1x12x10000x64xf32, #tpu.memory_space<hbm>>
        %dma_wait3A_261 = tpu.memref_squeeze %dma_wait3A_260 : memref<1x12x10000x64xf32, #tpu.memory_space<hbm>> -> memref<12x10000x64xf32, #tpu.memory_space<hbm>>
        %dma_wait3A_262 = arith.constant 0 : i32
        %dma_wait3A_263 = arith.constant 0 : i32
        %dma_wait3A_264 = tpu.memref_slice %dma_wait3A_261[%add3A_38, %dma_wait3A_262, %dma_wait3A_263] : memref<12x10000x64xf32, #tpu.memory_space<hbm>> -> memref<1x10000x64xf32, #tpu.memory_space<hbm>>
        %dma_wait3A_265 = tpu.memref_squeeze %dma_wait3A_264 : memref<1x10000x64xf32, #tpu.memory_space<hbm>> -> memref<10000x64xf32, #tpu.memory_space<hbm>>
        %dma_wait3A_266 = arith.constant 0 : i32
        %dma_wait3A_267 = arith.constant 0 : i32
        %dma_wait3A_268 = tpu.memref_slice %dma_wait3A_265[%dma_wait3A_266, %dma_wait3A_267] : memref<10000x64xf32, #tpu.memory_space<hbm>> -> memref<10000x64xf32, #tpu.memory_space<hbm>>
        tpu.wait_indirect_dma semaphore(%arg15 : memref<!tpu.dma_semaphore, #tpu.memory_space<semaphore_mem>>) src(%dma_wait3A_268 : memref<10000x64xf32, #tpu.memory_space<hbm>>) dst(%dma_wait3A_253 : memref<128x64xf32, #tpu.memory_space<vmem>>)
        %run_scoped3A_269 = arith.constant 0 : i32
        "tpu.region"() ({
          %run_scoped3A_276 = tpu.sem_alloc : memref<!tpu.dma_semaphore, #tpu.memory_space<semaphore_mem>>
          %dma_start3A_277 = arith.constant 0 : i32
          %dma_start3A_278 = arith.constant 0 : i32
          %dma_start3A_279 = tpu.memref_slice %arg11[%run_scoped3A_269, %dma_start3A_277, %dma_start3A_278] : memref<4x128x64xf32, #tpu.memory_space<vmem>> -> memref<1x128x64xf32, #tpu.memory_space<vmem>>
          %dma_start3A_280 = tpu.memref_squeeze %dma_start3A_279 : memref<1x128x64xf32, #tpu.memory_space<vmem>> -> memref<128x64xf32, #tpu.memory_space<vmem>>
          %dma_start3A_281 = arith.constant 0 : i32
          %dma_start3A_282 = tpu.memref_slice %arg9[%add3A_228, %dma_start3A_281] : memref<49x128xi32, #tpu.memory_space<vmem>> -> memref<1x128xi32, #tpu.memory_space<vmem>>
          %dma_start3A_283 = tpu.memref_squeeze %dma_start3A_282 : memref<1x128xi32, #tpu.memory_space<vmem>> -> memref<128xi32, #tpu.memory_space<vmem>>
          %dma_start3A_284 = arith.constant 0 : i32
          %dma_start3A_285 = arith.constant 0 : i32
          %dma_start3A_286 = tpu.memref_slice %arg14[%dma_start3A_284, %dma_start3A_285] : memref<10240x64xf32, #tpu.memory_space<vmem_shared>> -> memref<10240x64xf32, #tpu.memory_space<vmem_shared>>
          tpu.enqueue_indirect_dma source(%dma_start3A_280 : memref<128x64xf32, #tpu.memory_space<vmem>>) target(%dma_start3A_286 : memref<10240x64xf32, #tpu.memory_space<vmem_shared>>) offsets(%dma_start3A_283 : memref<128xi32, #tpu.memory_space<vmem>>) semaphore(%run_scoped3A_276 : memref<!tpu.dma_semaphore, #tpu.memory_space<semaphore_mem>>) {add = true}
          %dma_wait3A_287 = arith.constant 0 : i32
          %dma_wait3A_288 = arith.constant 0 : i32
          %dma_wait3A_289 = tpu.memref_slice %arg11[%run_scoped3A_269, %dma_wait3A_287, %dma_wait3A_288] : memref<4x128x64xf32, #tpu.memory_space<vmem>> -> memref<1x128x64xf32, #tpu.memory_space<vmem>>
          %dma_wait3A_290 = tpu.memref_squeeze %dma_wait3A_289 : memref<1x128x64xf32, #tpu.memory_space<vmem>> -> memref<128x64xf32, #tpu.memory_space<vmem>>
          %dma_wait3A_291 = arith.constant 0 : i32
          %dma_wait3A_292 = tpu.memref_slice %arg9[%add3A_228, %dma_wait3A_291] : memref<49x128xi32, #tpu.memory_space<vmem>> -> memref<1x128xi32, #tpu.memory_space<vmem>>
          %dma_wait3A_293 = tpu.memref_squeeze %dma_wait3A_292 : memref<1x128xi32, #tpu.memory_space<vmem>> -> memref<128xi32, #tpu.memory_space<vmem>>
          %dma_wait3A_294 = arith.constant 0 : i32
          %dma_wait3A_295 = arith.constant 0 : i32
          %dma_wait3A_296 = tpu.memref_slice %arg14[%dma_wait3A_294, %dma_wait3A_295] : memref<10240x64xf32, #tpu.memory_space<vmem_shared>> -> memref<10240x64xf32, #tpu.memory_space<vmem_shared>>
          tpu.wait_indirect_dma semaphore(%run_scoped3A_276 : memref<!tpu.dma_semaphore, #tpu.memory_space<semaphore_mem>>) src(%dma_wait3A_290 : memref<128x64xf32, #tpu.memory_space<vmem>>) dst(%dma_wait3A_296 : memref<10240x64xf32, #tpu.memory_space<vmem_shared>>)
          tpu.yield
        }) : () -> ()
        %scan3A_270 = arith.constant 1 : i32
        %barrier3A_271 = arith.constant 0 : index
        tpu.barrier barrier_id(%barrier3A_271)
        %mul3A_272 = arith.constant 640 : i32
        %mul3A_273 = arith.muli %arg1, %mul3A_272 : i32
        %mul3A_274 = arith.constant 640 : i32
        %mul3A_275 = arith.muli %arg1, %mul3A_274 : i32
        "tpu.region"() ({
          %run_scoped3A_276 = tpu.sem_alloc : memref<!tpu.dma_semaphore, #tpu.memory_space<semaphore_mem>>
          %dma_start3A_277 = arith.constant 0 : i32
          %dma_start3A_278 = arith.constant 0 : i32
          %dma_start3A_279 = arith.constant 0 : i32
          %dma_start3A_280 = tpu.memref_slice %arg6[%scan3A_29, %dma_start3A_277, %dma_start3A_278, %dma_start3A_279] : memref<2x12x10240x64xf32, #tpu.memory_space<hbm>> -> memref<1x12x10240x64xf32, #tpu.memory_space<hbm>>
          %dma_start3A_281 = tpu.memref_squeeze %dma_start3A_280 : memref<1x12x10240x64xf32, #tpu.memory_space<hbm>> -> memref<12x10240x64xf32, #tpu.memory_space<hbm>>
          %dma_start3A_282 = arith.constant 0 : i32
          %dma_start3A_283 = arith.constant 0 : i32
          %dma_start3A_284 = tpu.memref_slice %dma_start3A_281[%add3A_38, %dma_start3A_282, %dma_start3A_283] : memref<12x10240x64xf32, #tpu.memory_space<hbm>> -> memref<1x10240x64xf32, #tpu.memory_space<hbm>>
          %dma_start3A_285 = tpu.memref_squeeze %dma_start3A_284 : memref<1x10240x64xf32, #tpu.memory_space<hbm>> -> memref<10240x64xf32, #tpu.memory_space<hbm>>
          %dma_start3A_286 = arith.constant 0 : i32
          %dma_start3A_287 = tpu.memref_slice %dma_start3A_285[%mul3A_275, %dma_start3A_286] : memref<10240x64xf32, #tpu.memory_space<hbm>> -> memref<640x64xf32, #tpu.memory_space<hbm>>
          %dma_start3A_288 = arith.constant 0 : i32
          %dma_start3A_289 = tpu.memref_slice %arg14[%mul3A_273, %dma_start3A_288] : memref<10240x64xf32, #tpu.memory_space<vmem_shared>> -> memref<640x64xf32, #tpu.memory_space<vmem_shared>>
          tpu.enqueue_dma source(%dma_start3A_289 : memref<640x64xf32, #tpu.memory_space<vmem_shared>>) target(%dma_start3A_287 : memref<640x64xf32, #tpu.memory_space<hbm>>) target_semaphore(%run_scoped3A_276 : memref<!tpu.dma_semaphore, #tpu.memory_space<semaphore_mem>>)
          %dma_wait3A_290 = arith.constant 0 : i32
          %dma_wait3A_291 = arith.constant 0 : i32
          %dma_wait3A_292 = arith.constant 0 : i32
          %dma_wait3A_293 = tpu.memref_slice %arg6[%scan3A_29, %dma_wait3A_290, %dma_wait3A_291, %dma_wait3A_292] : memref<2x12x10240x64xf32, #tpu.memory_space<hbm>> -> memref<1x12x10240x64xf32, #tpu.memory_space<hbm>>
          %dma_wait3A_294 = tpu.memref_squeeze %dma_wait3A_293 : memref<1x12x10240x64xf32, #tpu.memory_space<hbm>> -> memref<12x10240x64xf32, #tpu.memory_space<hbm>>
          %dma_wait3A_295 = arith.constant 0 : i32
          %dma_wait3A_296 = arith.constant 0 : i32
          %dma_wait3A_297 = tpu.memref_slice %dma_wait3A_294[%add3A_38, %dma_wait3A_295, %dma_wait3A_296] : memref<12x10240x64xf32, #tpu.memory_space<hbm>> -> memref<1x10240x64xf32, #tpu.memory_space<hbm>>
          %dma_wait3A_298 = tpu.memref_squeeze %dma_wait3A_297 : memref<1x10240x64xf32, #tpu.memory_space<hbm>> -> memref<10240x64xf32, #tpu.memory_space<hbm>>
          %dma_wait3A_299 = arith.constant 0 : i32
          %dma_wait3A_300 = tpu.memref_slice %dma_wait3A_298[%mul3A_275, %dma_wait3A_299] : memref<10240x64xf32, #tpu.memory_space<hbm>> -> memref<640x64xf32, #tpu.memory_space<hbm>>
          %dma_wait3A_301 = arith.constant 0 : i32
          %dma_wait3A_302 = tpu.memref_slice %arg14[%mul3A_273, %dma_wait3A_301] : memref<10240x64xf32, #tpu.memory_space<vmem_shared>> -> memref<640x64xf32, #tpu.memory_space<vmem_shared>>
          tpu.wait_dma2 semaphore(%run_scoped3A_276 : memref<!tpu.dma_semaphore, #tpu.memory_space<semaphore_mem>>) src(%dma_wait3A_302 : memref<640x64xf32, #tpu.memory_space<vmem_shared>>) dst(%dma_wait3A_300 : memref<640x64xf32, #tpu.memory_space<hbm>>)
          tpu.yield
        }) : () -> ()
      }
      %scan3A_34 = arith.constant 12 : i32
    } else {
    }
    %eq3A_6 = arith.constant 1 : i32
    %eq3A_7 = arith.cmpi eq, %arg0, %eq3A_6 : i32
    %convert_element_type3A_8 = arith.extui %eq3A_7 : i1 to i32
    %cond3A_9 = arith.constant 0 : i32
    %cond3A_10 = arith.cmpi ne, %convert_element_type3A_8, %cond3A_9 : i32
    scf.if %cond3A_10 {
      %run_scoped3A = arith.constant 1 : i32
      "tpu.region"() ({
        %run_scoped3A_35 = tpu.sem_alloc : memref<!tpu.dma_semaphore, #tpu.memory_space<semaphore_mem>>
        %dma_start3A = arith.constant 0 : i32
        %dma_start3A_36 = arith.constant 0 : i32
        %dma_start3A_37 = arith.constant 0 : i32
        %dma_start3A_38 = tpu.memref_slice %arg3[%run_scoped3A, %dma_start3A, %dma_start3A_36, %dma_start3A_37] : memref<2x16x49x128xi32, #tpu.memory_space<hbm>> -> memref<1x16x49x128xi32, #tpu.memory_space<hbm>>
        %dma_start3A_39 = tpu.memref_squeeze %dma_start3A_38 : memref<1x16x49x128xi32, #tpu.memory_space<hbm>> -> memref<16x49x128xi32, #tpu.memory_space<hbm>>
        %dma_start3A_40 = arith.constant 0 : i32
        %dma_start3A_41 = arith.constant 0 : i32
        %dma_start3A_42 = tpu.memref_slice %dma_start3A_39[%arg1, %dma_start3A_40, %dma_start3A_41] : memref<16x49x128xi32, #tpu.memory_space<hbm>> -> memref<1x49x128xi32, #tpu.memory_space<hbm>>
        %dma_start3A_43 = tpu.memref_squeeze %dma_start3A_42 : memref<1x49x128xi32, #tpu.memory_space<hbm>> -> memref<49x128xi32, #tpu.memory_space<hbm>>
        %dma_start3A_44 = arith.constant 0 : i32
        %dma_start3A_45 = arith.constant 0 : i32
        %dma_start3A_46 = arith.constant 0 : i32
        %dma_start3A_47 = tpu.memref_slice %arg3[%run_scoped3A, %dma_start3A_44, %dma_start3A_45, %dma_start3A_46] : memref<2x16x49x128xi32, #tpu.memory_space<hbm>> -> memref<1x16x49x128xi32, #tpu.memory_space<hbm>>
        %dma_start3A_48 = tpu.memref_squeeze %dma_start3A_47 : memref<1x16x49x128xi32, #tpu.memory_space<hbm>> -> memref<16x49x128xi32, #tpu.memory_space<hbm>>
        %dma_start3A_49 = arith.constant 0 : i32
        %dma_start3A_50 = arith.constant 0 : i32
        %dma_start3A_51 = tpu.memref_slice %dma_start3A_48[%arg1, %dma_start3A_49, %dma_start3A_50] : memref<16x49x128xi32, #tpu.memory_space<hbm>> -> memref<1x49x128xi32, #tpu.memory_space<hbm>>
        %dma_start3A_52 = tpu.memref_squeeze %dma_start3A_51 : memref<1x49x128xi32, #tpu.memory_space<hbm>> -> memref<49x128xi32, #tpu.memory_space<hbm>>
        tpu.enqueue_dma source(%dma_start3A_52 : memref<49x128xi32, #tpu.memory_space<hbm>>) target(%arg8 : memref<49x128xi32, #tpu.memory_space<vmem>>) target_semaphore(%run_scoped3A_35 : memref<!tpu.dma_semaphore, #tpu.memory_space<semaphore_mem>>)
        %dma_wait3A = arith.constant 0 : i32
        %dma_wait3A_53 = arith.constant 0 : i32
        %dma_wait3A_54 = arith.constant 0 : i32
        %dma_wait3A_55 = tpu.memref_slice %arg3[%run_scoped3A, %dma_wait3A, %dma_wait3A_53, %dma_wait3A_54] : memref<2x16x49x128xi32, #tpu.memory_space<hbm>> -> memref<1x16x49x128xi32, #tpu.memory_space<hbm>>
        %dma_wait3A_56 = tpu.memref_squeeze %dma_wait3A_55 : memref<1x16x49x128xi32, #tpu.memory_space<hbm>> -> memref<16x49x128xi32, #tpu.memory_space<hbm>>
        %dma_wait3A_57 = arith.constant 0 : i32
        %dma_wait3A_58 = arith.constant 0 : i32
        %dma_wait3A_59 = tpu.memref_slice %dma_wait3A_56[%arg1, %dma_wait3A_57, %dma_wait3A_58] : memref<16x49x128xi32, #tpu.memory_space<hbm>> -> memref<1x49x128xi32, #tpu.memory_space<hbm>>
        %dma_wait3A_60 = tpu.memref_squeeze %dma_wait3A_59 : memref<1x49x128xi32, #tpu.memory_space<hbm>> -> memref<49x128xi32, #tpu.memory_space<hbm>>
        %dma_wait3A_61 = arith.constant 0 : i32
        %dma_wait3A_62 = arith.constant 0 : i32
        %dma_wait3A_63 = arith.constant 0 : i32
        %dma_wait3A_64 = tpu.memref_slice %arg3[%run_scoped3A, %dma_wait3A_61, %dma_wait3A_62, %dma_wait3A_63] : memref<2x16x49x128xi32, #tpu.memory_space<hbm>> -> memref<1x16x49x128xi32, #tpu.memory_space<hbm>>
        %dma_wait3A_65 = tpu.memref_squeeze %dma_wait3A_64 : memref<1x16x49x128xi32, #tpu.memory_space<hbm>> -> memref<16x49x128xi32, #tpu.memory_space<hbm>>
        %dma_wait3A_66 = arith.constant 0 : i32
        %dma_wait3A_67 = arith.constant 0 : i32
        %dma_wait3A_68 = tpu.memref_slice %dma_wait3A_65[%arg1, %dma_wait3A_66, %dma_wait3A_67] : memref<16x49x128xi32, #tpu.memory_space<hbm>> -> memref<1x49x128xi32, #tpu.memory_space<hbm>>
        %dma_wait3A_69 = tpu.memref_squeeze %dma_wait3A_68 : memref<1x49x128xi32, #tpu.memory_space<hbm>> -> memref<49x128xi32, #tpu.memory_space<hbm>>
        tpu.wait_dma2 semaphore(%run_scoped3A_35 : memref<!tpu.dma_semaphore, #tpu.memory_space<semaphore_mem>>) src(%dma_wait3A_69 : memref<49x128xi32, #tpu.memory_space<hbm>>) dst(%arg8 : memref<49x128xi32, #tpu.memory_space<vmem>>)
        tpu.yield
      }) : () -> ()
      %run_scoped3A_11 = arith.constant 1 : i32
      "tpu.region"() ({
        %run_scoped3A_35 = tpu.sem_alloc : memref<!tpu.dma_semaphore, #tpu.memory_space<semaphore_mem>>
        %dma_start3A = arith.constant 0 : i32
        %dma_start3A_36 = arith.constant 0 : i32
        %dma_start3A_37 = arith.constant 0 : i32
        %dma_start3A_38 = tpu.memref_slice %arg4[%run_scoped3A_11, %dma_start3A, %dma_start3A_36, %dma_start3A_37] : memref<2x16x49x128xi32, #tpu.memory_space<hbm>> -> memref<1x16x49x128xi32, #tpu.memory_space<hbm>>
        %dma_start3A_39 = tpu.memref_squeeze %dma_start3A_38 : memref<1x16x49x128xi32, #tpu.memory_space<hbm>> -> memref<16x49x128xi32, #tpu.memory_space<hbm>>
        %dma_start3A_40 = arith.constant 0 : i32
        %dma_start3A_41 = arith.constant 0 : i32
        %dma_start3A_42 = tpu.memref_slice %dma_start3A_39[%arg1, %dma_start3A_40, %dma_start3A_41] : memref<16x49x128xi32, #tpu.memory_space<hbm>> -> memref<1x49x128xi32, #tpu.memory_space<hbm>>
        %dma_start3A_43 = tpu.memref_squeeze %dma_start3A_42 : memref<1x49x128xi32, #tpu.memory_space<hbm>> -> memref<49x128xi32, #tpu.memory_space<hbm>>
        %dma_start3A_44 = arith.constant 0 : i32
        %dma_start3A_45 = arith.constant 0 : i32
        %dma_start3A_46 = arith.constant 0 : i32
        %dma_start3A_47 = tpu.memref_slice %arg4[%run_scoped3A_11, %dma_start3A_44, %dma_start3A_45, %dma_start3A_46] : memref<2x16x49x128xi32, #tpu.memory_space<hbm>> -> memref<1x16x49x128xi32, #tpu.memory_space<hbm>>
        %dma_start3A_48 = tpu.memref_squeeze %dma_start3A_47 : memref<1x16x49x128xi32, #tpu.memory_space<hbm>> -> memref<16x49x128xi32, #tpu.memory_space<hbm>>
        %dma_start3A_49 = arith.constant 0 : i32
        %dma_start3A_50 = arith.constant 0 : i32
        %dma_start3A_51 = tpu.memref_slice %dma_start3A_48[%arg1, %dma_start3A_49, %dma_start3A_50] : memref<16x49x128xi32, #tpu.memory_space<hbm>> -> memref<1x49x128xi32, #tpu.memory_space<hbm>>
        %dma_start3A_52 = tpu.memref_squeeze %dma_start3A_51 : memref<1x49x128xi32, #tpu.memory_space<hbm>> -> memref<49x128xi32, #tpu.memory_space<hbm>>
        tpu.enqueue_dma source(%dma_start3A_52 : memref<49x128xi32, #tpu.memory_space<hbm>>) target(%arg9 : memref<49x128xi32, #tpu.memory_space<vmem>>) target_semaphore(%run_scoped3A_35 : memref<!tpu.dma_semaphore, #tpu.memory_space<semaphore_mem>>)
        %dma_wait3A = arith.constant 0 : i32
        %dma_wait3A_53 = arith.constant 0 : i32
        %dma_wait3A_54 = arith.constant 0 : i32
        %dma_wait3A_55 = tpu.memref_slice %arg4[%run_scoped3A_11, %dma_wait3A, %dma_wait3A_53, %dma_wait3A_54] : memref<2x16x49x128xi32, #tpu.memory_space<hbm>> -> memref<1x16x49x128xi32, #tpu.memory_space<hbm>>
        %dma_wait3A_56 = tpu.memref_squeeze %dma_wait3A_55 : memref<1x16x49x128xi32, #tpu.memory_space<hbm>> -> memref<16x49x128xi32, #tpu.memory_space<hbm>>
        %dma_wait3A_57 = arith.constant 0 : i32
        %dma_wait3A_58 = arith.constant 0 : i32
        %dma_wait3A_59 = tpu.memref_slice %dma_wait3A_56[%arg1, %dma_wait3A_57, %dma_wait3A_58] : memref<16x49x128xi32, #tpu.memory_space<hbm>> -> memref<1x49x128xi32, #tpu.memory_space<hbm>>
        %dma_wait3A_60 = tpu.memref_squeeze %dma_wait3A_59 : memref<1x49x128xi32, #tpu.memory_space<hbm>> -> memref<49x128xi32, #tpu.memory_space<hbm>>
        %dma_wait3A_61 = arith.constant 0 : i32
        %dma_wait3A_62 = arith.constant 0 : i32
        %dma_wait3A_63 = arith.constant 0 : i32
        %dma_wait3A_64 = tpu.memref_slice %arg4[%run_scoped3A_11, %dma_wait3A_61, %dma_wait3A_62, %dma_wait3A_63] : memref<2x16x49x128xi32, #tpu.memory_space<hbm>> -> memref<1x16x49x128xi32, #tpu.memory_space<hbm>>
        %dma_wait3A_65 = tpu.memref_squeeze %dma_wait3A_64 : memref<1x16x49x128xi32, #tpu.memory_space<hbm>> -> memref<16x49x128xi32, #tpu.memory_space<hbm>>
        %dma_wait3A_66 = arith.constant 0 : i32
        %dma_wait3A_67 = arith.constant 0 : i32
        %dma_wait3A_68 = tpu.memref_slice %dma_wait3A_65[%arg1, %dma_wait3A_66, %dma_wait3A_67] : memref<16x49x128xi32, #tpu.memory_space<hbm>> -> memref<1x49x128xi32, #tpu.memory_space<hbm>>
        %dma_wait3A_69 = tpu.memref_squeeze %dma_wait3A_68 : memref<1x49x128xi32, #tpu.memory_space<hbm>> -> memref<49x128xi32, #tpu.memory_space<hbm>>
        tpu.wait_dma2 semaphore(%run_scoped3A_35 : memref<!tpu.dma_semaphore, #tpu.memory_space<semaphore_mem>>) src(%dma_wait3A_69 : memref<49x128xi32, #tpu.memory_space<hbm>>) dst(%arg9 : memref<49x128xi32, #tpu.memory_space<vmem>>)
        tpu.yield
      }) : () -> ()
      %run_scoped3A_12 = arith.constant 1 : i32
      "tpu.region"() ({
        %run_scoped3A_35 = tpu.sem_alloc : memref<!tpu.dma_semaphore, #tpu.memory_space<semaphore_mem>>
        %dma_start3A = arith.constant 0 : i32
        %dma_start3A_36 = arith.constant 0 : i32
        %dma_start3A_37 = arith.constant 0 : i32
        %dma_start3A_38 = tpu.memref_slice %arg5[%run_scoped3A_12, %dma_start3A, %dma_start3A_36, %dma_start3A_37] : memref<2x16x49x128xi32, #tpu.memory_space<hbm>> -> memref<1x16x49x128xi32, #tpu.memory_space<hbm>>
        %dma_start3A_39 = tpu.memref_squeeze %dma_start3A_38 : memref<1x16x49x128xi32, #tpu.memory_space<hbm>> -> memref<16x49x128xi32, #tpu.memory_space<hbm>>
        %dma_start3A_40 = arith.constant 0 : i32
        %dma_start3A_41 = arith.constant 0 : i32
        %dma_start3A_42 = tpu.memref_slice %dma_start3A_39[%arg1, %dma_start3A_40, %dma_start3A_41] : memref<16x49x128xi32, #tpu.memory_space<hbm>> -> memref<1x49x128xi32, #tpu.memory_space<hbm>>
        %dma_start3A_43 = tpu.memref_squeeze %dma_start3A_42 : memref<1x49x128xi32, #tpu.memory_space<hbm>> -> memref<49x128xi32, #tpu.memory_space<hbm>>
        %dma_start3A_44 = arith.constant 0 : i32
        %dma_start3A_45 = arith.constant 0 : i32
        %dma_start3A_46 = arith.constant 0 : i32
        %dma_start3A_47 = tpu.memref_slice %arg5[%run_scoped3A_12, %dma_start3A_44, %dma_start3A_45, %dma_start3A_46] : memref<2x16x49x128xi32, #tpu.memory_space<hbm>> -> memref<1x16x49x128xi32, #tpu.memory_space<hbm>>
        %dma_start3A_48 = tpu.memref_squeeze %dma_start3A_47 : memref<1x16x49x128xi32, #tpu.memory_space<hbm>> -> memref<16x49x128xi32, #tpu.memory_space<hbm>>
        %dma_start3A_49 = arith.constant 0 : i32
        %dma_start3A_50 = arith.constant 0 : i32
        %dma_start3A_51 = tpu.memref_slice %dma_start3A_48[%arg1, %dma_start3A_49, %dma_start3A_50] : memref<16x49x128xi32, #tpu.memory_space<hbm>> -> memref<1x49x128xi32, #tpu.memory_space<hbm>>
        %dma_start3A_52 = tpu.memref_squeeze %dma_start3A_51 : memref<1x49x128xi32, #tpu.memory_space<hbm>> -> memref<49x128xi32, #tpu.memory_space<hbm>>
        tpu.enqueue_dma source(%dma_start3A_52 : memref<49x128xi32, #tpu.memory_space<hbm>>) target(%arg10 : memref<49x128xi32, #tpu.memory_space<vmem>>) target_semaphore(%run_scoped3A_35 : memref<!tpu.dma_semaphore, #tpu.memory_space<semaphore_mem>>)
        %dma_wait3A = arith.constant 0 : i32
        %dma_wait3A_53 = arith.constant 0 : i32
        %dma_wait3A_54 = arith.constant 0 : i32
        %dma_wait3A_55 = tpu.memref_slice %arg5[%run_scoped3A_12, %dma_wait3A, %dma_wait3A_53, %dma_wait3A_54] : memref<2x16x49x128xi32, #tpu.memory_space<hbm>> -> memref<1x16x49x128xi32, #tpu.memory_space<hbm>>
        %dma_wait3A_56 = tpu.memref_squeeze %dma_wait3A_55 : memref<1x16x49x128xi32, #tpu.memory_space<hbm>> -> memref<16x49x128xi32, #tpu.memory_space<hbm>>
        %dma_wait3A_57 = arith.constant 0 : i32
        %dma_wait3A_58 = arith.constant 0 : i32
        %dma_wait3A_59 = tpu.memref_slice %dma_wait3A_56[%arg1, %dma_wait3A_57, %dma_wait3A_58] : memref<16x49x128xi32, #tpu.memory_space<hbm>> -> memref<1x49x128xi32, #tpu.memory_space<hbm>>
        %dma_wait3A_60 = tpu.memref_squeeze %dma_wait3A_59 : memref<1x49x128xi32, #tpu.memory_space<hbm>> -> memref<49x128xi32, #tpu.memory_space<hbm>>
        %dma_wait3A_61 = arith.constant 0 : i32
        %dma_wait3A_62 = arith.constant 0 : i32
        %dma_wait3A_63 = arith.constant 0 : i32
        %dma_wait3A_64 = tpu.memref_slice %arg5[%run_scoped3A_12, %dma_wait3A_61, %dma_wait3A_62, %dma_wait3A_63] : memref<2x16x49x128xi32, #tpu.memory_space<hbm>> -> memref<1x16x49x128xi32, #tpu.memory_space<hbm>>
        %dma_wait3A_65 = tpu.memref_squeeze %dma_wait3A_64 : memref<1x16x49x128xi32, #tpu.memory_space<hbm>> -> memref<16x49x128xi32, #tpu.memory_space<hbm>>
        %dma_wait3A_66 = arith.constant 0 : i32
        %dma_wait3A_67 = arith.constant 0 : i32
        %dma_wait3A_68 = tpu.memref_slice %dma_wait3A_65[%arg1, %dma_wait3A_66, %dma_wait3A_67] : memref<16x49x128xi32, #tpu.memory_space<hbm>> -> memref<1x49x128xi32, #tpu.memory_space<hbm>>
        %dma_wait3A_69 = tpu.memref_squeeze %dma_wait3A_68 : memref<1x49x128xi32, #tpu.memory_space<hbm>> -> memref<49x128xi32, #tpu.memory_space<hbm>>
        tpu.wait_dma2 semaphore(%run_scoped3A_35 : memref<!tpu.dma_semaphore, #tpu.memory_space<semaphore_mem>>) src(%dma_wait3A_69 : memref<49x128xi32, #tpu.memory_space<hbm>>) dst(%arg10 : memref<49x128xi32, #tpu.memory_space<vmem>>)
        tpu.yield
      }) : () -> ()
      %scan3A_13 = arith.constant 0 : i32
      %scan3A_14 = arith.constant 5 : i32
      %scan3A_15 = arith.addi %scan3A_13, %scan3A_14 : i32
      %scan3A_16 = arith.constant 1 : i32
      scf.for %scan3A_35 = %scan3A_13 to %scan3A_15 step %scan3A_16  : i32 {
        %mul3A_36 = arith.constant 128 : i32
        %mul3A_37 = arith.muli %scan3A_35, %mul3A_36 : i32
        %add3A = arith.constant 0 : i32
        %add3A_38 = arith.addi %add3A, %mul3A_37 : i32
        %mul3A_39 = arith.constant 640 : i32
        %mul3A_40 = arith.muli %arg1, %mul3A_39 : i32
        %add3A_41 = arith.addi %mul3A_40, %add3A_38 : i32
        "tpu.region"() ({
          %run_scoped3A_42 = tpu.sem_alloc : memref<!tpu.dma_semaphore, #tpu.memory_space<semaphore_mem>>
          %dma_start3A = arith.constant 0 : i32
          %dma_start3A_43 = tpu.memref_slice %arg14[%add3A_41, %dma_start3A] : memref<10240x64xf32, #tpu.memory_space<vmem_shared>> -> memref<128x64xf32, #tpu.memory_space<vmem_shared>>
          %dma_start3A_44 = arith.constant 0 : i32
          %dma_start3A_45 = tpu.memref_slice %arg14[%add3A_41, %dma_start3A_44] : memref<10240x64xf32, #tpu.memory_space<vmem_shared>> -> memref<128x64xf32, #tpu.memory_space<vmem_shared>>
          tpu.enqueue_dma source(%arg12 : memref<128x64xf32, #tpu.memory_space<vmem>>) target(%dma_start3A_45 : memref<128x64xf32, #tpu.memory_space<vmem_shared>>) target_semaphore(%run_scoped3A_42 : memref<!tpu.dma_semaphore, #tpu.memory_space<semaphore_mem>>)
          %dma_wait3A = arith.constant 0 : i32
          %dma_wait3A_46 = tpu.memref_slice %arg14[%add3A_41, %dma_wait3A] : memref<10240x64xf32, #tpu.memory_space<vmem_shared>> -> memref<128x64xf32, #tpu.memory_space<vmem_shared>>
          %dma_wait3A_47 = arith.constant 0 : i32
          %dma_wait3A_48 = tpu.memref_slice %arg14[%add3A_41, %dma_wait3A_47] : memref<10240x64xf32, #tpu.memory_space<vmem_shared>> -> memref<128x64xf32, #tpu.memory_space<vmem_shared>>
          tpu.wait_dma2 semaphore(%run_scoped3A_42 : memref<!tpu.dma_semaphore, #tpu.memory_space<semaphore_mem>>) src(%arg12 : memref<128x64xf32, #tpu.memory_space<vmem>>) dst(%dma_wait3A_48 : memref<128x64xf32, #tpu.memory_space<vmem_shared>>)
          tpu.yield
        }) : () -> ()
      }
      %scan3A_17 = arith.constant 5 : i32
      %barrier3A = arith.constant 0 : index
      tpu.barrier barrier_id(%barrier3A)
      %scan3A_18 = arith.constant 0 : i32
      %scan3A_19 = arith.constant 49 : i32
      %scan3A_20 = arith.addi %scan3A_18, %scan3A_19 : i32
      %scan3A_21 = arith.constant 1 : i32
      scf.for %scan3A_35 = %scan3A_18 to %scan3A_20 step %scan3A_21  : i32 {
        %mul3A_36 = arith.constant 1 : i32
        %mul3A_37 = arith.muli %scan3A_35, %mul3A_36 : i32
        %add3A = arith.constant 0 : i32
        %add3A_38 = arith.addi %add3A, %mul3A_37 : i32
        "tpu.region"() ({
          %run_scoped3A_39 = tpu.sem_alloc : memref<!tpu.dma_semaphore, #tpu.memory_space<semaphore_mem>>
          %dma_start3A = arith.constant 0 : i32
          %dma_start3A_40 = tpu.memref_slice %arg10[%add3A_38, %dma_start3A] : memref<49x128xi32, #tpu.memory_space<vmem>> -> memref<1x128xi32, #tpu.memory_space<vmem>>
          %dma_start3A_41 = tpu.memref_squeeze %dma_start3A_40 : memref<1x128xi32, #tpu.memory_space<vmem>> -> memref<128xi32, #tpu.memory_space<vmem>>
          %dma_start3A_42 = arith.constant 0 : i32
          %dma_start3A_43 = arith.constant 0 : i32
          %dma_start3A_44 = tpu.memref_slice %arg14[%dma_start3A_42, %dma_start3A_43] : memref<10240x64xf32, #tpu.memory_space<vmem_shared>> -> memref<10240x64xf32, #tpu.memory_space<vmem_shared>>
          tpu.enqueue_indirect_dma source(%arg13 : memref<128x64xf32, #tpu.memory_space<vmem>>) target(%dma_start3A_44 : memref<10240x64xf32, #tpu.memory_space<vmem_shared>>) offsets(%dma_start3A_41 : memref<128xi32, #tpu.memory_space<vmem>>) semaphore(%run_scoped3A_39 : memref<!tpu.dma_semaphore, #tpu.memory_space<semaphore_mem>>) {add = true}
          %dma_wait3A = arith.constant 0 : i32
          %dma_wait3A_45 = tpu.memref_slice %arg10[%add3A_38, %dma_wait3A] : memref<49x128xi32, #tpu.memory_space<vmem>> -> memref<1x128xi32, #tpu.memory_space<vmem>>
          %dma_wait3A_46 = tpu.memref_squeeze %dma_wait3A_45 : memref<1x128xi32, #tpu.memory_space<vmem>> -> memref<128xi32, #tpu.memory_space<vmem>>
          %dma_wait3A_47 = arith.constant 0 : i32
          %dma_wait3A_48 = arith.constant 0 : i32
          %dma_wait3A_49 = tpu.memref_slice %arg14[%dma_wait3A_47, %dma_wait3A_48] : memref<10240x64xf32, #tpu.memory_space<vmem_shared>> -> memref<10240x64xf32, #tpu.memory_space<vmem_shared>>
          tpu.wait_indirect_dma semaphore(%run_scoped3A_39 : memref<!tpu.dma_semaphore, #tpu.memory_space<semaphore_mem>>) src(%arg13 : memref<128x64xf32, #tpu.memory_space<vmem>>) dst(%dma_wait3A_49 : memref<10240x64xf32, #tpu.memory_space<vmem_shared>>)
          tpu.yield
        }) : () -> ()
      }
      %scan3A_22 = arith.constant 49 : i32
      %barrier3A_23 = arith.constant 0 : index
      tpu.barrier barrier_id(%barrier3A_23)
      %mul3A = arith.constant 640 : i32
      %mul3A_24 = arith.muli %arg1, %mul3A : i32
      %mul3A_25 = arith.constant 640 : i32
      %mul3A_26 = arith.muli %arg1, %mul3A_25 : i32
      %run_scoped3A_27 = arith.constant 1 : i32
      "tpu.region"() ({
        %run_scoped3A_35 = tpu.sem_alloc : memref<!tpu.dma_semaphore, #tpu.memory_space<semaphore_mem>>
        %dma_start3A = arith.constant 0 : i32
        %dma_start3A_36 = arith.constant 0 : i32
        %dma_start3A_37 = tpu.memref_slice %arg7[%run_scoped3A_27, %dma_start3A, %dma_start3A_36] : memref<2x10240x64xf32, #tpu.memory_space<hbm>> -> memref<1x10240x64xf32, #tpu.memory_space<hbm>>
        %dma_start3A_38 = tpu.memref_squeeze %dma_start3A_37 : memref<1x10240x64xf32, #tpu.memory_space<hbm>> -> memref<10240x64xf32, #tpu.memory_space<hbm>>
        %dma_start3A_39 = arith.constant 0 : i32
        %dma_start3A_40 = tpu.memref_slice %dma_start3A_38[%mul3A_26, %dma_start3A_39] : memref<10240x64xf32, #tpu.memory_space<hbm>> -> memref<640x64xf32, #tpu.memory_space<hbm>>
        %dma_start3A_41 = arith.constant 0 : i32
        %dma_start3A_42 = tpu.memref_slice %arg14[%mul3A_24, %dma_start3A_41] : memref<10240x64xf32, #tpu.memory_space<vmem_shared>> -> memref<640x64xf32, #tpu.memory_space<vmem_shared>>
        tpu.enqueue_dma source(%dma_start3A_42 : memref<640x64xf32, #tpu.memory_space<vmem_shared>>) target(%dma_start3A_40 : memref<640x64xf32, #tpu.memory_space<hbm>>) target_semaphore(%run_scoped3A_35 : memref<!tpu.dma_semaphore, #tpu.memory_space<semaphore_mem>>)
        %dma_wait3A = arith.constant 0 : i32
        %dma_wait3A_43 = arith.constant 0 : i32
        %dma_wait3A_44 = tpu.memref_slice %arg7[%run_scoped3A_27, %dma_wait3A, %dma_wait3A_43] : memref<2x10240x64xf32, #tpu.memory_space<hbm>> -> memref<1x10240x64xf32, #tpu.memory_space<hbm>>
        %dma_wait3A_45 = tpu.memref_squeeze %dma_wait3A_44 : memref<1x10240x64xf32, #tpu.memory_space<hbm>> -> memref<10240x64xf32, #tpu.memory_space<hbm>>
        %dma_wait3A_46 = arith.constant 0 : i32
        %dma_wait3A_47 = tpu.memref_slice %dma_wait3A_45[%mul3A_26, %dma_wait3A_46] : memref<10240x64xf32, #tpu.memory_space<hbm>> -> memref<640x64xf32, #tpu.memory_space<hbm>>
        %dma_wait3A_48 = arith.constant 0 : i32
        %dma_wait3A_49 = tpu.memref_slice %arg14[%mul3A_24, %dma_wait3A_48] : memref<10240x64xf32, #tpu.memory_space<vmem_shared>> -> memref<640x64xf32, #tpu.memory_space<vmem_shared>>
        tpu.wait_dma2 semaphore(%run_scoped3A_35 : memref<!tpu.dma_semaphore, #tpu.memory_space<semaphore_mem>>) src(%dma_wait3A_49 : memref<640x64xf32, #tpu.memory_space<vmem_shared>>) dst(%dma_wait3A_47 : memref<640x64xf32, #tpu.memory_space<hbm>>)
        tpu.yield
      }) : () -> ()
      %scan3A_28 = arith.constant 1 : i32
      %scan3A_29 = arith.constant 1 : i32
      %scan3A_30 = arith.constant 0 : i32
      %scan3A_31 = arith.constant 12 : i32
      %scan3A_32 = arith.addi %scan3A_30, %scan3A_31 : i32
      %scan3A_33 = arith.constant 1 : i32
      scf.for %scan3A_35 = %scan3A_30 to %scan3A_32 step %scan3A_33  : i32 {
        %mul3A_36 = arith.constant 1 : i32
        %mul3A_37 = arith.muli %scan3A_35, %mul3A_36 : i32
        %add3A = arith.constant 0 : i32
        %add3A_38 = arith.addi %add3A, %mul3A_37 : i32
        %scan3A_39 = arith.constant 0 : i32
        %scan3A_40 = arith.constant 5 : i32
        %scan3A_41 = arith.addi %scan3A_39, %scan3A_40 : i32
        %scan3A_42 = arith.constant 1 : i32
        scf.for %scan3A_276 = %scan3A_39 to %scan3A_41 step %scan3A_42  : i32 {
          %mul3A_277 = arith.constant 128 : i32
          %mul3A_278 = arith.muli %scan3A_276, %mul3A_277 : i32
          %add3A_279 = arith.constant 0 : i32
          %add3A_280 = arith.addi %add3A_279, %mul3A_278 : i32
          %mul3A_281 = arith.constant 640 : i32
          %mul3A_282 = arith.muli %arg1, %mul3A_281 : i32
          %add3A_283 = arith.addi %mul3A_282, %add3A_280 : i32
          "tpu.region"() ({
            %run_scoped3A_284 = tpu.sem_alloc : memref<!tpu.dma_semaphore, #tpu.memory_space<semaphore_mem>>
            %dma_start3A_285 = arith.constant 0 : i32
            %dma_start3A_286 = tpu.memref_slice %arg14[%add3A_283, %dma_start3A_285] : memref<10240x64xf32, #tpu.memory_space<vmem_shared>> -> memref<128x64xf32, #tpu.memory_space<vmem_shared>>
            %dma_start3A_287 = arith.constant 0 : i32
            %dma_start3A_288 = tpu.memref_slice %arg14[%add3A_283, %dma_start3A_287] : memref<10240x64xf32, #tpu.memory_space<vmem_shared>> -> memref<128x64xf32, #tpu.memory_space<vmem_shared>>
            tpu.enqueue_dma source(%arg12 : memref<128x64xf32, #tpu.memory_space<vmem>>) target(%dma_start3A_288 : memref<128x64xf32, #tpu.memory_space<vmem_shared>>) target_semaphore(%run_scoped3A_284 : memref<!tpu.dma_semaphore, #tpu.memory_space<semaphore_mem>>)
            %dma_wait3A_289 = arith.constant 0 : i32
            %dma_wait3A_290 = tpu.memref_slice %arg14[%add3A_283, %dma_wait3A_289] : memref<10240x64xf32, #tpu.memory_space<vmem_shared>> -> memref<128x64xf32, #tpu.memory_space<vmem_shared>>
            %dma_wait3A_291 = arith.constant 0 : i32
            %dma_wait3A_292 = tpu.memref_slice %arg14[%add3A_283, %dma_wait3A_291] : memref<10240x64xf32, #tpu.memory_space<vmem_shared>> -> memref<128x64xf32, #tpu.memory_space<vmem_shared>>
            tpu.wait_dma2 semaphore(%run_scoped3A_284 : memref<!tpu.dma_semaphore, #tpu.memory_space<semaphore_mem>>) src(%arg12 : memref<128x64xf32, #tpu.memory_space<vmem>>) dst(%dma_wait3A_292 : memref<128x64xf32, #tpu.memory_space<vmem_shared>>)
            tpu.yield
          }) : () -> ()
        }
        %scan3A_43 = arith.constant 5 : i32
        %barrier3A_44 = arith.constant 0 : index
        tpu.barrier barrier_id(%barrier3A_44)
        %dma_start3A = arith.constant 0 : i32
        %dma_start3A_45 = arith.constant 0 : i32
        %dma_start3A_46 = arith.constant 0 : i32
        %dma_start3A_47 = arith.constant 0 : i32
        %dma_start3A_48 = tpu.memref_slice %arg11[%dma_start3A_45, %dma_start3A_46, %dma_start3A_47] : memref<4x128x64xf32, #tpu.memory_space<vmem>> -> memref<1x128x64xf32, #tpu.memory_space<vmem>>
        %dma_start3A_49 = tpu.memref_squeeze %dma_start3A_48 : memref<1x128x64xf32, #tpu.memory_space<vmem>> -> memref<128x64xf32, #tpu.memory_space<vmem>>
        %dma_start3A_50 = arith.constant 0 : i32
        %dma_start3A_51 = tpu.memref_slice %arg8[%dma_start3A, %dma_start3A_50] : memref<49x128xi32, #tpu.memory_space<vmem>> -> memref<1x128xi32, #tpu.memory_space<vmem>>
        %dma_start3A_52 = tpu.memref_squeeze %dma_start3A_51 : memref<1x128xi32, #tpu.memory_space<vmem>> -> memref<128xi32, #tpu.memory_space<vmem>>
        %dma_start3A_53 = arith.constant 0 : i32
        %dma_start3A_54 = arith.constant 0 : i32
        %dma_start3A_55 = arith.constant 0 : i32
        %dma_start3A_56 = tpu.memref_slice %arg2[%scan3A_28, %dma_start3A_53, %dma_start3A_54, %dma_start3A_55] : memref<2x12x10000x64xf32, #tpu.memory_space<hbm>> -> memref<1x12x10000x64xf32, #tpu.memory_space<hbm>>
        %dma_start3A_57 = tpu.memref_squeeze %dma_start3A_56 : memref<1x12x10000x64xf32, #tpu.memory_space<hbm>> -> memref<12x10000x64xf32, #tpu.memory_space<hbm>>
        %dma_start3A_58 = arith.constant 0 : i32
        %dma_start3A_59 = arith.constant 0 : i32
        %dma_start3A_60 = tpu.memref_slice %dma_start3A_57[%add3A_38, %dma_start3A_58, %dma_start3A_59] : memref<12x10000x64xf32, #tpu.memory_space<hbm>> -> memref<1x10000x64xf32, #tpu.memory_space<hbm>>
        %dma_start3A_61 = tpu.memref_squeeze %dma_start3A_60 : memref<1x10000x64xf32, #tpu.memory_space<hbm>> -> memref<10000x64xf32, #tpu.memory_space<hbm>>
        %dma_start3A_62 = arith.constant 0 : i32
        %dma_start3A_63 = arith.constant 0 : i32
        %dma_start3A_64 = tpu.memref_slice %dma_start3A_61[%dma_start3A_62, %dma_start3A_63] : memref<10000x64xf32, #tpu.memory_space<hbm>> -> memref<10000x64xf32, #tpu.memory_space<hbm>>
        tpu.enqueue_indirect_dma source(%dma_start3A_64 : memref<10000x64xf32, #tpu.memory_space<hbm>>) target(%dma_start3A_49 : memref<128x64xf32, #tpu.memory_space<vmem>>) offsets(%dma_start3A_52 : memref<128xi32, #tpu.memory_space<vmem>>) semaphore(%arg15 : memref<!tpu.dma_semaphore, #tpu.memory_space<semaphore_mem>>)
        %dma_start3A_65 = arith.constant 1 : i32
        %dma_start3A_66 = arith.constant 1 : i32
        %dma_start3A_67 = arith.constant 0 : i32
        %dma_start3A_68 = arith.constant 0 : i32
        %dma_start3A_69 = tpu.memref_slice %arg11[%dma_start3A_66, %dma_start3A_67, %dma_start3A_68] : memref<4x128x64xf32, #tpu.memory_space<vmem>> -> memref<1x128x64xf32, #tpu.memory_space<vmem>>
        %dma_start3A_70 = tpu.memref_squeeze %dma_start3A_69 : memref<1x128x64xf32, #tpu.memory_space<vmem>> -> memref<128x64xf32, #tpu.memory_space<vmem>>
        %dma_start3A_71 = arith.constant 0 : i32
        %dma_start3A_72 = tpu.memref_slice %arg8[%dma_start3A_65, %dma_start3A_71] : memref<49x128xi32, #tpu.memory_space<vmem>> -> memref<1x128xi32, #tpu.memory_space<vmem>>
        %dma_start3A_73 = tpu.memref_squeeze %dma_start3A_72 : memref<1x128xi32, #tpu.memory_space<vmem>> -> memref<128xi32, #tpu.memory_space<vmem>>
        %dma_start3A_74 = arith.constant 0 : i32
        %dma_start3A_75 = arith.constant 0 : i32
        %dma_start3A_76 = arith.constant 0 : i32
        %dma_start3A_77 = tpu.memref_slice %arg2[%scan3A_28, %dma_start3A_74, %dma_start3A_75, %dma_start3A_76] : memref<2x12x10000x64xf32, #tpu.memory_space<hbm>> -> memref<1x12x10000x64xf32, #tpu.memory_space<hbm>>
        %dma_start3A_78 = tpu.memref_squeeze %dma_start3A_77 : memref<1x12x10000x64xf32, #tpu.memory_space<hbm>> -> memref<12x10000x64xf32, #tpu.memory_space<hbm>>
        %dma_start3A_79 = arith.constant 0 : i32
        %dma_start3A_80 = arith.constant 0 : i32
        %dma_start3A_81 = tpu.memref_slice %dma_start3A_78[%add3A_38, %dma_start3A_79, %dma_start3A_80] : memref<12x10000x64xf32, #tpu.memory_space<hbm>> -> memref<1x10000x64xf32, #tpu.memory_space<hbm>>
        %dma_start3A_82 = tpu.memref_squeeze %dma_start3A_81 : memref<1x10000x64xf32, #tpu.memory_space<hbm>> -> memref<10000x64xf32, #tpu.memory_space<hbm>>
        %dma_start3A_83 = arith.constant 0 : i32
        %dma_start3A_84 = arith.constant 0 : i32
        %dma_start3A_85 = tpu.memref_slice %dma_start3A_82[%dma_start3A_83, %dma_start3A_84] : memref<10000x64xf32, #tpu.memory_space<hbm>> -> memref<10000x64xf32, #tpu.memory_space<hbm>>
        tpu.enqueue_indirect_dma source(%dma_start3A_85 : memref<10000x64xf32, #tpu.memory_space<hbm>>) target(%dma_start3A_70 : memref<128x64xf32, #tpu.memory_space<vmem>>) offsets(%dma_start3A_73 : memref<128xi32, #tpu.memory_space<vmem>>) semaphore(%arg16 : memref<!tpu.dma_semaphore, #tpu.memory_space<semaphore_mem>>)
        %dma_start3A_86 = arith.constant 2 : i32
        %dma_start3A_87 = arith.constant 2 : i32
        %dma_start3A_88 = arith.constant 0 : i32
        %dma_start3A_89 = arith.constant 0 : i32
        %dma_start3A_90 = tpu.memref_slice %arg11[%dma_start3A_87, %dma_start3A_88, %dma_start3A_89] : memref<4x128x64xf32, #tpu.memory_space<vmem>> -> memref<1x128x64xf32, #tpu.memory_space<vmem>>
        %dma_start3A_91 = tpu.memref_squeeze %dma_start3A_90 : memref<1x128x64xf32, #tpu.memory_space<vmem>> -> memref<128x64xf32, #tpu.memory_space<vmem>>
        %dma_start3A_92 = arith.constant 0 : i32
        %dma_start3A_93 = tpu.memref_slice %arg8[%dma_start3A_86, %dma_start3A_92] : memref<49x128xi32, #tpu.memory_space<vmem>> -> memref<1x128xi32, #tpu.memory_space<vmem>>
        %dma_start3A_94 = tpu.memref_squeeze %dma_start3A_93 : memref<1x128xi32, #tpu.memory_space<vmem>> -> memref<128xi32, #tpu.memory_space<vmem>>
        %dma_start3A_95 = arith.constant 0 : i32
        %dma_start3A_96 = arith.constant 0 : i32
        %dma_start3A_97 = arith.constant 0 : i32
        %dma_start3A_98 = tpu.memref_slice %arg2[%scan3A_28, %dma_start3A_95, %dma_start3A_96, %dma_start3A_97] : memref<2x12x10000x64xf32, #tpu.memory_space<hbm>> -> memref<1x12x10000x64xf32, #tpu.memory_space<hbm>>
        %dma_start3A_99 = tpu.memref_squeeze %dma_start3A_98 : memref<1x12x10000x64xf32, #tpu.memory_space<hbm>> -> memref<12x10000x64xf32, #tpu.memory_space<hbm>>
        %dma_start3A_100 = arith.constant 0 : i32
        %dma_start3A_101 = arith.constant 0 : i32
        %dma_start3A_102 = tpu.memref_slice %dma_start3A_99[%add3A_38, %dma_start3A_100, %dma_start3A_101] : memref<12x10000x64xf32, #tpu.memory_space<hbm>> -> memref<1x10000x64xf32, #tpu.memory_space<hbm>>
        %dma_start3A_103 = tpu.memref_squeeze %dma_start3A_102 : memref<1x10000x64xf32, #tpu.memory_space<hbm>> -> memref<10000x64xf32, #tpu.memory_space<hbm>>
        %dma_start3A_104 = arith.constant 0 : i32
        %dma_start3A_105 = arith.constant 0 : i32
        %dma_start3A_106 = tpu.memref_slice %dma_start3A_103[%dma_start3A_104, %dma_start3A_105] : memref<10000x64xf32, #tpu.memory_space<hbm>> -> memref<10000x64xf32, #tpu.memory_space<hbm>>
        tpu.enqueue_indirect_dma source(%dma_start3A_106 : memref<10000x64xf32, #tpu.memory_space<hbm>>) target(%dma_start3A_91 : memref<128x64xf32, #tpu.memory_space<vmem>>) offsets(%dma_start3A_94 : memref<128xi32, #tpu.memory_space<vmem>>) semaphore(%arg17 : memref<!tpu.dma_semaphore, #tpu.memory_space<semaphore_mem>>)
        %dma_start3A_107 = arith.constant 3 : i32
        %dma_start3A_108 = arith.constant 3 : i32
        %dma_start3A_109 = arith.constant 0 : i32
        %dma_start3A_110 = arith.constant 0 : i32
        %dma_start3A_111 = tpu.memref_slice %arg11[%dma_start3A_108, %dma_start3A_109, %dma_start3A_110] : memref<4x128x64xf32, #tpu.memory_space<vmem>> -> memref<1x128x64xf32, #tpu.memory_space<vmem>>
        %dma_start3A_112 = tpu.memref_squeeze %dma_start3A_111 : memref<1x128x64xf32, #tpu.memory_space<vmem>> -> memref<128x64xf32, #tpu.memory_space<vmem>>
        %dma_start3A_113 = arith.constant 0 : i32
        %dma_start3A_114 = tpu.memref_slice %arg8[%dma_start3A_107, %dma_start3A_113] : memref<49x128xi32, #tpu.memory_space<vmem>> -> memref<1x128xi32, #tpu.memory_space<vmem>>
        %dma_start3A_115 = tpu.memref_squeeze %dma_start3A_114 : memref<1x128xi32, #tpu.memory_space<vmem>> -> memref<128xi32, #tpu.memory_space<vmem>>
        %dma_start3A_116 = arith.constant 0 : i32
        %dma_start3A_117 = arith.constant 0 : i32
        %dma_start3A_118 = arith.constant 0 : i32
        %dma_start3A_119 = tpu.memref_slice %arg2[%scan3A_28, %dma_start3A_116, %dma_start3A_117, %dma_start3A_118] : memref<2x12x10000x64xf32, #tpu.memory_space<hbm>> -> memref<1x12x10000x64xf32, #tpu.memory_space<hbm>>
        %dma_start3A_120 = tpu.memref_squeeze %dma_start3A_119 : memref<1x12x10000x64xf32, #tpu.memory_space<hbm>> -> memref<12x10000x64xf32, #tpu.memory_space<hbm>>
        %dma_start3A_121 = arith.constant 0 : i32
        %dma_start3A_122 = arith.constant 0 : i32
        %dma_start3A_123 = tpu.memref_slice %dma_start3A_120[%add3A_38, %dma_start3A_121, %dma_start3A_122] : memref<12x10000x64xf32, #tpu.memory_space<hbm>> -> memref<1x10000x64xf32, #tpu.memory_space<hbm>>
        %dma_start3A_124 = tpu.memref_squeeze %dma_start3A_123 : memref<1x10000x64xf32, #tpu.memory_space<hbm>> -> memref<10000x64xf32, #tpu.memory_space<hbm>>
        %dma_start3A_125 = arith.constant 0 : i32
        %dma_start3A_126 = arith.constant 0 : i32
        %dma_start3A_127 = tpu.memref_slice %dma_start3A_124[%dma_start3A_125, %dma_start3A_126] : memref<10000x64xf32, #tpu.memory_space<hbm>> -> memref<10000x64xf32, #tpu.memory_space<hbm>>
        tpu.enqueue_indirect_dma source(%dma_start3A_127 : memref<10000x64xf32, #tpu.memory_space<hbm>>) target(%dma_start3A_112 : memref<128x64xf32, #tpu.memory_space<vmem>>) offsets(%dma_start3A_115 : memref<128xi32, #tpu.memory_space<vmem>>) semaphore(%arg18 : memref<!tpu.dma_semaphore, #tpu.memory_space<semaphore_mem>>)
        %scan3A_128 = arith.constant 0 : i32
        %scan3A_129 = arith.constant 11 : i32
        %scan3A_130 = arith.addi %scan3A_128, %scan3A_129 : i32
        %scan3A_131 = arith.constant 1 : i32
        scf.for %scan3A_276 = %scan3A_128 to %scan3A_130 step %scan3A_131  : i32 {
          %mul3A_277 = arith.constant 4 : i32
          %mul3A_278 = arith.muli %scan3A_276, %mul3A_277 : i32
          %add3A_279 = arith.constant 0 : i32
          %add3A_280 = arith.addi %add3A_279, %mul3A_278 : i32
          %add3A_281 = arith.constant 0 : i32
          %add3A_282 = arith.addi %add3A_280, %add3A_281 : i32
          %dma_wait3A_283 = arith.constant 0 : i32
          %dma_wait3A_284 = arith.constant 0 : i32
          %dma_wait3A_285 = arith.constant 0 : i32
          %dma_wait3A_286 = tpu.memref_slice %arg11[%dma_wait3A_283, %dma_wait3A_284, %dma_wait3A_285] : memref<4x128x64xf32, #tpu.memory_space<vmem>> -> memref<1x128x64xf32, #tpu.memory_space<vmem>>
          %dma_wait3A_287 = tpu.memref_squeeze %dma_wait3A_286 : memref<1x128x64xf32, #tpu.memory_space<vmem>> -> memref<128x64xf32, #tpu.memory_space<vmem>>
          %dma_wait3A_288 = arith.constant 0 : i32
          %dma_wait3A_289 = tpu.memref_slice %arg8[%add3A_282, %dma_wait3A_288] : memref<49x128xi32, #tpu.memory_space<vmem>> -> memref<1x128xi32, #tpu.memory_space<vmem>>
          %dma_wait3A_290 = tpu.memref_squeeze %dma_wait3A_289 : memref<1x128xi32, #tpu.memory_space<vmem>> -> memref<128xi32, #tpu.memory_space<vmem>>
          %dma_wait3A_291 = arith.constant 0 : i32
          %dma_wait3A_292 = arith.constant 0 : i32
          %dma_wait3A_293 = arith.constant 0 : i32
          %dma_wait3A_294 = tpu.memref_slice %arg2[%scan3A_28, %dma_wait3A_291, %dma_wait3A_292, %dma_wait3A_293] : memref<2x12x10000x64xf32, #tpu.memory_space<hbm>> -> memref<1x12x10000x64xf32, #tpu.memory_space<hbm>>
          %dma_wait3A_295 = tpu.memref_squeeze %dma_wait3A_294 : memref<1x12x10000x64xf32, #tpu.memory_space<hbm>> -> memref<12x10000x64xf32, #tpu.memory_space<hbm>>
          %dma_wait3A_296 = arith.constant 0 : i32
          %dma_wait3A_297 = arith.constant 0 : i32
          %dma_wait3A_298 = tpu.memref_slice %dma_wait3A_295[%add3A_38, %dma_wait3A_296, %dma_wait3A_297] : memref<12x10000x64xf32, #tpu.memory_space<hbm>> -> memref<1x10000x64xf32, #tpu.memory_space<hbm>>
          %dma_wait3A_299 = tpu.memref_squeeze %dma_wait3A_298 : memref<1x10000x64xf32, #tpu.memory_space<hbm>> -> memref<10000x64xf32, #tpu.memory_space<hbm>>
          %dma_wait3A_300 = arith.constant 0 : i32
          %dma_wait3A_301 = arith.constant 0 : i32
          %dma_wait3A_302 = tpu.memref_slice %dma_wait3A_299[%dma_wait3A_300, %dma_wait3A_301] : memref<10000x64xf32, #tpu.memory_space<hbm>> -> memref<10000x64xf32, #tpu.memory_space<hbm>>
          tpu.wait_indirect_dma semaphore(%arg15 : memref<!tpu.dma_semaphore, #tpu.memory_space<semaphore_mem>>) src(%dma_wait3A_302 : memref<10000x64xf32, #tpu.memory_space<hbm>>) dst(%dma_wait3A_287 : memref<128x64xf32, #tpu.memory_space<vmem>>)
          %add3A_303 = arith.constant 0 : i32
          %add3A_304 = arith.addi %add3A_280, %add3A_303 : i32
          %dma_start3A_305 = arith.constant 0 : i32
          %dma_start3A_306 = arith.constant 0 : i32
          %dma_start3A_307 = arith.constant 0 : i32
          %dma_start3A_308 = tpu.memref_slice %arg11[%dma_start3A_305, %dma_start3A_306, %dma_start3A_307] : memref<4x128x64xf32, #tpu.memory_space<vmem>> -> memref<1x128x64xf32, #tpu.memory_space<vmem>>
          %dma_start3A_309 = tpu.memref_squeeze %dma_start3A_308 : memref<1x128x64xf32, #tpu.memory_space<vmem>> -> memref<128x64xf32, #tpu.memory_space<vmem>>
          %dma_start3A_310 = arith.constant 0 : i32
          %dma_start3A_311 = tpu.memref_slice %arg9[%add3A_304, %dma_start3A_310] : memref<49x128xi32, #tpu.memory_space<vmem>> -> memref<1x128xi32, #tpu.memory_space<vmem>>
          %dma_start3A_312 = tpu.memref_squeeze %dma_start3A_311 : memref<1x128xi32, #tpu.memory_space<vmem>> -> memref<128xi32, #tpu.memory_space<vmem>>
          %dma_start3A_313 = arith.constant 0 : i32
          %dma_start3A_314 = arith.constant 0 : i32
          %dma_start3A_315 = tpu.memref_slice %arg14[%dma_start3A_313, %dma_start3A_314] : memref<10240x64xf32, #tpu.memory_space<vmem_shared>> -> memref<10240x64xf32, #tpu.memory_space<vmem_shared>>
          tpu.enqueue_indirect_dma source(%dma_start3A_309 : memref<128x64xf32, #tpu.memory_space<vmem>>) target(%dma_start3A_315 : memref<10240x64xf32, #tpu.memory_space<vmem_shared>>) offsets(%dma_start3A_312 : memref<128xi32, #tpu.memory_space<vmem>>) semaphore(%arg19 : memref<!tpu.dma_semaphore, #tpu.memory_space<semaphore_mem>>) {add = true}
          %add3A_316 = arith.constant 1 : i32
          %add3A_317 = arith.addi %add3A_280, %add3A_316 : i32
          %dma_wait3A_318 = arith.constant 1 : i32
          %dma_wait3A_319 = arith.constant 0 : i32
          %dma_wait3A_320 = arith.constant 0 : i32
          %dma_wait3A_321 = tpu.memref_slice %arg11[%dma_wait3A_318, %dma_wait3A_319, %dma_wait3A_320] : memref<4x128x64xf32, #tpu.memory_space<vmem>> -> memref<1x128x64xf32, #tpu.memory_space<vmem>>
          %dma_wait3A_322 = tpu.memref_squeeze %dma_wait3A_321 : memref<1x128x64xf32, #tpu.memory_space<vmem>> -> memref<128x64xf32, #tpu.memory_space<vmem>>
          %dma_wait3A_323 = arith.constant 0 : i32
          %dma_wait3A_324 = tpu.memref_slice %arg8[%add3A_317, %dma_wait3A_323] : memref<49x128xi32, #tpu.memory_space<vmem>> -> memref<1x128xi32, #tpu.memory_space<vmem>>
          %dma_wait3A_325 = tpu.memref_squeeze %dma_wait3A_324 : memref<1x128xi32, #tpu.memory_space<vmem>> -> memref<128xi32, #tpu.memory_space<vmem>>
          %dma_wait3A_326 = arith.constant 0 : i32
          %dma_wait3A_327 = arith.constant 0 : i32
          %dma_wait3A_328 = arith.constant 0 : i32
          %dma_wait3A_329 = tpu.memref_slice %arg2[%scan3A_28, %dma_wait3A_326, %dma_wait3A_327, %dma_wait3A_328] : memref<2x12x10000x64xf32, #tpu.memory_space<hbm>> -> memref<1x12x10000x64xf32, #tpu.memory_space<hbm>>
          %dma_wait3A_330 = tpu.memref_squeeze %dma_wait3A_329 : memref<1x12x10000x64xf32, #tpu.memory_space<hbm>> -> memref<12x10000x64xf32, #tpu.memory_space<hbm>>
          %dma_wait3A_331 = arith.constant 0 : i32
          %dma_wait3A_332 = arith.constant 0 : i32
          %dma_wait3A_333 = tpu.memref_slice %dma_wait3A_330[%add3A_38, %dma_wait3A_331, %dma_wait3A_332] : memref<12x10000x64xf32, #tpu.memory_space<hbm>> -> memref<1x10000x64xf32, #tpu.memory_space<hbm>>
          %dma_wait3A_334 = tpu.memref_squeeze %dma_wait3A_333 : memref<1x10000x64xf32, #tpu.memory_space<hbm>> -> memref<10000x64xf32, #tpu.memory_space<hbm>>
          %dma_wait3A_335 = arith.constant 0 : i32
          %dma_wait3A_336 = arith.constant 0 : i32
          %dma_wait3A_337 = tpu.memref_slice %dma_wait3A_334[%dma_wait3A_335, %dma_wait3A_336] : memref<10000x64xf32, #tpu.memory_space<hbm>> -> memref<10000x64xf32, #tpu.memory_space<hbm>>
          tpu.wait_indirect_dma semaphore(%arg16 : memref<!tpu.dma_semaphore, #tpu.memory_space<semaphore_mem>>) src(%dma_wait3A_337 : memref<10000x64xf32, #tpu.memory_space<hbm>>) dst(%dma_wait3A_322 : memref<128x64xf32, #tpu.memory_space<vmem>>)
          %add3A_338 = arith.constant 1 : i32
          %add3A_339 = arith.addi %add3A_280, %add3A_338 : i32
          %dma_start3A_340 = arith.constant 1 : i32
          %dma_start3A_341 = arith.constant 0 : i32
          %dma_start3A_342 = arith.constant 0 : i32
          %dma_start3A_343 = tpu.memref_slice %arg11[%dma_start3A_340, %dma_start3A_341, %dma_start3A_342] : memref<4x128x64xf32, #tpu.memory_space<vmem>> -> memref<1x128x64xf32, #tpu.memory_space<vmem>>
          %dma_start3A_344 = tpu.memref_squeeze %dma_start3A_343 : memref<1x128x64xf32, #tpu.memory_space<vmem>> -> memref<128x64xf32, #tpu.memory_space<vmem>>
          %dma_start3A_345 = arith.constant 0 : i32
          %dma_start3A_346 = tpu.memref_slice %arg9[%add3A_339, %dma_start3A_345] : memref<49x128xi32, #tpu.memory_space<vmem>> -> memref<1x128xi32, #tpu.memory_space<vmem>>
          %dma_start3A_347 = tpu.memref_squeeze %dma_start3A_346 : memref<1x128xi32, #tpu.memory_space<vmem>> -> memref<128xi32, #tpu.memory_space<vmem>>
          %dma_start3A_348 = arith.constant 0 : i32
          %dma_start3A_349 = arith.constant 0 : i32
          %dma_start3A_350 = tpu.memref_slice %arg14[%dma_start3A_348, %dma_start3A_349] : memref<10240x64xf32, #tpu.memory_space<vmem_shared>> -> memref<10240x64xf32, #tpu.memory_space<vmem_shared>>
          tpu.enqueue_indirect_dma source(%dma_start3A_344 : memref<128x64xf32, #tpu.memory_space<vmem>>) target(%dma_start3A_350 : memref<10240x64xf32, #tpu.memory_space<vmem_shared>>) offsets(%dma_start3A_347 : memref<128xi32, #tpu.memory_space<vmem>>) semaphore(%arg20 : memref<!tpu.dma_semaphore, #tpu.memory_space<semaphore_mem>>) {add = true}
          %add3A_351 = arith.constant 2 : i32
          %add3A_352 = arith.addi %add3A_280, %add3A_351 : i32
          %add3A_353 = arith.constant 0 : i32
          %add3A_354 = arith.addi %add3A_352, %add3A_353 : i32
          %dma_wait3A_355 = arith.constant 2 : i32
          %dma_wait3A_356 = arith.constant 0 : i32
          %dma_wait3A_357 = arith.constant 0 : i32
          %dma_wait3A_358 = tpu.memref_slice %arg11[%dma_wait3A_355, %dma_wait3A_356, %dma_wait3A_357] : memref<4x128x64xf32, #tpu.memory_space<vmem>> -> memref<1x128x64xf32, #tpu.memory_space<vmem>>
          %dma_wait3A_359 = tpu.memref_squeeze %dma_wait3A_358 : memref<1x128x64xf32, #tpu.memory_space<vmem>> -> memref<128x64xf32, #tpu.memory_space<vmem>>
          %dma_wait3A_360 = arith.constant 0 : i32
          %dma_wait3A_361 = tpu.memref_slice %arg8[%add3A_354, %dma_wait3A_360] : memref<49x128xi32, #tpu.memory_space<vmem>> -> memref<1x128xi32, #tpu.memory_space<vmem>>
          %dma_wait3A_362 = tpu.memref_squeeze %dma_wait3A_361 : memref<1x128xi32, #tpu.memory_space<vmem>> -> memref<128xi32, #tpu.memory_space<vmem>>
          %dma_wait3A_363 = arith.constant 0 : i32
          %dma_wait3A_364 = arith.constant 0 : i32
          %dma_wait3A_365 = arith.constant 0 : i32
          %dma_wait3A_366 = tpu.memref_slice %arg2[%scan3A_28, %dma_wait3A_363, %dma_wait3A_364, %dma_wait3A_365] : memref<2x12x10000x64xf32, #tpu.memory_space<hbm>> -> memref<1x12x10000x64xf32, #tpu.memory_space<hbm>>
          %dma_wait3A_367 = tpu.memref_squeeze %dma_wait3A_366 : memref<1x12x10000x64xf32, #tpu.memory_space<hbm>> -> memref<12x10000x64xf32, #tpu.memory_space<hbm>>
          %dma_wait3A_368 = arith.constant 0 : i32
          %dma_wait3A_369 = arith.constant 0 : i32
          %dma_wait3A_370 = tpu.memref_slice %dma_wait3A_367[%add3A_38, %dma_wait3A_368, %dma_wait3A_369] : memref<12x10000x64xf32, #tpu.memory_space<hbm>> -> memref<1x10000x64xf32, #tpu.memory_space<hbm>>
          %dma_wait3A_371 = tpu.memref_squeeze %dma_wait3A_370 : memref<1x10000x64xf32, #tpu.memory_space<hbm>> -> memref<10000x64xf32, #tpu.memory_space<hbm>>
          %dma_wait3A_372 = arith.constant 0 : i32
          %dma_wait3A_373 = arith.constant 0 : i32
          %dma_wait3A_374 = tpu.memref_slice %dma_wait3A_371[%dma_wait3A_372, %dma_wait3A_373] : memref<10000x64xf32, #tpu.memory_space<hbm>> -> memref<10000x64xf32, #tpu.memory_space<hbm>>
          tpu.wait_indirect_dma semaphore(%arg17 : memref<!tpu.dma_semaphore, #tpu.memory_space<semaphore_mem>>) src(%dma_wait3A_374 : memref<10000x64xf32, #tpu.memory_space<hbm>>) dst(%dma_wait3A_359 : memref<128x64xf32, #tpu.memory_space<vmem>>)
          %add3A_375 = arith.constant 2 : i32
          %add3A_376 = arith.addi %add3A_280, %add3A_375 : i32
          %add3A_377 = arith.constant 0 : i32
          %add3A_378 = arith.addi %add3A_376, %add3A_377 : i32
          %dma_start3A_379 = arith.constant 2 : i32
          %dma_start3A_380 = arith.constant 0 : i32
          %dma_start3A_381 = arith.constant 0 : i32
          %dma_start3A_382 = tpu.memref_slice %arg11[%dma_start3A_379, %dma_start3A_380, %dma_start3A_381] : memref<4x128x64xf32, #tpu.memory_space<vmem>> -> memref<1x128x64xf32, #tpu.memory_space<vmem>>
          %dma_start3A_383 = tpu.memref_squeeze %dma_start3A_382 : memref<1x128x64xf32, #tpu.memory_space<vmem>> -> memref<128x64xf32, #tpu.memory_space<vmem>>
          %dma_start3A_384 = arith.constant 0 : i32
          %dma_start3A_385 = tpu.memref_slice %arg9[%add3A_378, %dma_start3A_384] : memref<49x128xi32, #tpu.memory_space<vmem>> -> memref<1x128xi32, #tpu.memory_space<vmem>>
          %dma_start3A_386 = tpu.memref_squeeze %dma_start3A_385 : memref<1x128xi32, #tpu.memory_space<vmem>> -> memref<128xi32, #tpu.memory_space<vmem>>
          %dma_start3A_387 = arith.constant 0 : i32
          %dma_start3A_388 = arith.constant 0 : i32
          %dma_start3A_389 = tpu.memref_slice %arg14[%dma_start3A_387, %dma_start3A_388] : memref<10240x64xf32, #tpu.memory_space<vmem_shared>> -> memref<10240x64xf32, #tpu.memory_space<vmem_shared>>
          tpu.enqueue_indirect_dma source(%dma_start3A_383 : memref<128x64xf32, #tpu.memory_space<vmem>>) target(%dma_start3A_389 : memref<10240x64xf32, #tpu.memory_space<vmem_shared>>) offsets(%dma_start3A_386 : memref<128xi32, #tpu.memory_space<vmem>>) semaphore(%arg21 : memref<!tpu.dma_semaphore, #tpu.memory_space<semaphore_mem>>) {add = true}
          %add3A_390 = arith.constant 2 : i32
          %add3A_391 = arith.addi %add3A_280, %add3A_390 : i32
          %add3A_392 = arith.constant 1 : i32
          %add3A_393 = arith.addi %add3A_391, %add3A_392 : i32
          %dma_wait3A_394 = arith.constant 3 : i32
          %dma_wait3A_395 = arith.constant 0 : i32
          %dma_wait3A_396 = arith.constant 0 : i32
          %dma_wait3A_397 = tpu.memref_slice %arg11[%dma_wait3A_394, %dma_wait3A_395, %dma_wait3A_396] : memref<4x128x64xf32, #tpu.memory_space<vmem>> -> memref<1x128x64xf32, #tpu.memory_space<vmem>>
          %dma_wait3A_398 = tpu.memref_squeeze %dma_wait3A_397 : memref<1x128x64xf32, #tpu.memory_space<vmem>> -> memref<128x64xf32, #tpu.memory_space<vmem>>
          %dma_wait3A_399 = arith.constant 0 : i32
          %dma_wait3A_400 = tpu.memref_slice %arg8[%add3A_393, %dma_wait3A_399] : memref<49x128xi32, #tpu.memory_space<vmem>> -> memref<1x128xi32, #tpu.memory_space<vmem>>
          %dma_wait3A_401 = tpu.memref_squeeze %dma_wait3A_400 : memref<1x128xi32, #tpu.memory_space<vmem>> -> memref<128xi32, #tpu.memory_space<vmem>>
          %dma_wait3A_402 = arith.constant 0 : i32
          %dma_wait3A_403 = arith.constant 0 : i32
          %dma_wait3A_404 = arith.constant 0 : i32
          %dma_wait3A_405 = tpu.memref_slice %arg2[%scan3A_28, %dma_wait3A_402, %dma_wait3A_403, %dma_wait3A_404] : memref<2x12x10000x64xf32, #tpu.memory_space<hbm>> -> memref<1x12x10000x64xf32, #tpu.memory_space<hbm>>
          %dma_wait3A_406 = tpu.memref_squeeze %dma_wait3A_405 : memref<1x12x10000x64xf32, #tpu.memory_space<hbm>> -> memref<12x10000x64xf32, #tpu.memory_space<hbm>>
          %dma_wait3A_407 = arith.constant 0 : i32
          %dma_wait3A_408 = arith.constant 0 : i32
          %dma_wait3A_409 = tpu.memref_slice %dma_wait3A_406[%add3A_38, %dma_wait3A_407, %dma_wait3A_408] : memref<12x10000x64xf32, #tpu.memory_space<hbm>> -> memref<1x10000x64xf32, #tpu.memory_space<hbm>>
          %dma_wait3A_410 = tpu.memref_squeeze %dma_wait3A_409 : memref<1x10000x64xf32, #tpu.memory_space<hbm>> -> memref<10000x64xf32, #tpu.memory_space<hbm>>
          %dma_wait3A_411 = arith.constant 0 : i32
          %dma_wait3A_412 = arith.constant 0 : i32
          %dma_wait3A_413 = tpu.memref_slice %dma_wait3A_410[%dma_wait3A_411, %dma_wait3A_412] : memref<10000x64xf32, #tpu.memory_space<hbm>> -> memref<10000x64xf32, #tpu.memory_space<hbm>>
          tpu.wait_indirect_dma semaphore(%arg18 : memref<!tpu.dma_semaphore, #tpu.memory_space<semaphore_mem>>) src(%dma_wait3A_413 : memref<10000x64xf32, #tpu.memory_space<hbm>>) dst(%dma_wait3A_398 : memref<128x64xf32, #tpu.memory_space<vmem>>)
          %add3A_414 = arith.constant 2 : i32
          %add3A_415 = arith.addi %add3A_280, %add3A_414 : i32
          %add3A_416 = arith.constant 1 : i32
          %add3A_417 = arith.addi %add3A_415, %add3A_416 : i32
          %dma_start3A_418 = arith.constant 3 : i32
          %dma_start3A_419 = arith.constant 0 : i32
          %dma_start3A_420 = arith.constant 0 : i32
          %dma_start3A_421 = tpu.memref_slice %arg11[%dma_start3A_418, %dma_start3A_419, %dma_start3A_420] : memref<4x128x64xf32, #tpu.memory_space<vmem>> -> memref<1x128x64xf32, #tpu.memory_space<vmem>>
          %dma_start3A_422 = tpu.memref_squeeze %dma_start3A_421 : memref<1x128x64xf32, #tpu.memory_space<vmem>> -> memref<128x64xf32, #tpu.memory_space<vmem>>
          %dma_start3A_423 = arith.constant 0 : i32
          %dma_start3A_424 = tpu.memref_slice %arg9[%add3A_417, %dma_start3A_423] : memref<49x128xi32, #tpu.memory_space<vmem>> -> memref<1x128xi32, #tpu.memory_space<vmem>>
          %dma_start3A_425 = tpu.memref_squeeze %dma_start3A_424 : memref<1x128xi32, #tpu.memory_space<vmem>> -> memref<128xi32, #tpu.memory_space<vmem>>
          %dma_start3A_426 = arith.constant 0 : i32
          %dma_start3A_427 = arith.constant 0 : i32
          %dma_start3A_428 = tpu.memref_slice %arg14[%dma_start3A_426, %dma_start3A_427] : memref<10240x64xf32, #tpu.memory_space<vmem_shared>> -> memref<10240x64xf32, #tpu.memory_space<vmem_shared>>
          tpu.enqueue_indirect_dma source(%dma_start3A_422 : memref<128x64xf32, #tpu.memory_space<vmem>>) target(%dma_start3A_428 : memref<10240x64xf32, #tpu.memory_space<vmem_shared>>) offsets(%dma_start3A_425 : memref<128xi32, #tpu.memory_space<vmem>>) semaphore(%arg22 : memref<!tpu.dma_semaphore, #tpu.memory_space<semaphore_mem>>) {add = true}
          %add3A_429 = arith.constant 0 : i32
          %add3A_430 = arith.addi %add3A_280, %add3A_429 : i32
          %dma_wait3A_431 = arith.constant 0 : i32
          %dma_wait3A_432 = arith.constant 0 : i32
          %dma_wait3A_433 = arith.constant 0 : i32
          %dma_wait3A_434 = tpu.memref_slice %arg11[%dma_wait3A_431, %dma_wait3A_432, %dma_wait3A_433] : memref<4x128x64xf32, #tpu.memory_space<vmem>> -> memref<1x128x64xf32, #tpu.memory_space<vmem>>
          %dma_wait3A_435 = tpu.memref_squeeze %dma_wait3A_434 : memref<1x128x64xf32, #tpu.memory_space<vmem>> -> memref<128x64xf32, #tpu.memory_space<vmem>>
          %dma_wait3A_436 = arith.constant 0 : i32
          %dma_wait3A_437 = tpu.memref_slice %arg9[%add3A_430, %dma_wait3A_436] : memref<49x128xi32, #tpu.memory_space<vmem>> -> memref<1x128xi32, #tpu.memory_space<vmem>>
          %dma_wait3A_438 = tpu.memref_squeeze %dma_wait3A_437 : memref<1x128xi32, #tpu.memory_space<vmem>> -> memref<128xi32, #tpu.memory_space<vmem>>
          %dma_wait3A_439 = arith.constant 0 : i32
          %dma_wait3A_440 = arith.constant 0 : i32
          %dma_wait3A_441 = tpu.memref_slice %arg14[%dma_wait3A_439, %dma_wait3A_440] : memref<10240x64xf32, #tpu.memory_space<vmem_shared>> -> memref<10240x64xf32, #tpu.memory_space<vmem_shared>>
          tpu.wait_indirect_dma semaphore(%arg19 : memref<!tpu.dma_semaphore, #tpu.memory_space<semaphore_mem>>) src(%dma_wait3A_435 : memref<128x64xf32, #tpu.memory_space<vmem>>) dst(%dma_wait3A_441 : memref<10240x64xf32, #tpu.memory_space<vmem_shared>>)
          %add3A_442 = arith.constant 4 : i32
          %add3A_443 = arith.addi %add3A_280, %add3A_442 : i32
          %add3A_444 = arith.constant 0 : i32
          %add3A_445 = arith.addi %add3A_443, %add3A_444 : i32
          %dma_start3A_446 = arith.constant 0 : i32
          %dma_start3A_447 = arith.constant 0 : i32
          %dma_start3A_448 = arith.constant 0 : i32
          %dma_start3A_449 = tpu.memref_slice %arg11[%dma_start3A_446, %dma_start3A_447, %dma_start3A_448] : memref<4x128x64xf32, #tpu.memory_space<vmem>> -> memref<1x128x64xf32, #tpu.memory_space<vmem>>
          %dma_start3A_450 = tpu.memref_squeeze %dma_start3A_449 : memref<1x128x64xf32, #tpu.memory_space<vmem>> -> memref<128x64xf32, #tpu.memory_space<vmem>>
          %dma_start3A_451 = arith.constant 0 : i32
          %dma_start3A_452 = tpu.memref_slice %arg8[%add3A_445, %dma_start3A_451] : memref<49x128xi32, #tpu.memory_space<vmem>> -> memref<1x128xi32, #tpu.memory_space<vmem>>
          %dma_start3A_453 = tpu.memref_squeeze %dma_start3A_452 : memref<1x128xi32, #tpu.memory_space<vmem>> -> memref<128xi32, #tpu.memory_space<vmem>>
          %dma_start3A_454 = arith.constant 0 : i32
          %dma_start3A_455 = arith.constant 0 : i32
          %dma_start3A_456 = arith.constant 0 : i32
          %dma_start3A_457 = tpu.memref_slice %arg2[%scan3A_28, %dma_start3A_454, %dma_start3A_455, %dma_start3A_456] : memref<2x12x10000x64xf32, #tpu.memory_space<hbm>> -> memref<1x12x10000x64xf32, #tpu.memory_space<hbm>>
          %dma_start3A_458 = tpu.memref_squeeze %dma_start3A_457 : memref<1x12x10000x64xf32, #tpu.memory_space<hbm>> -> memref<12x10000x64xf32, #tpu.memory_space<hbm>>
          %dma_start3A_459 = arith.constant 0 : i32
          %dma_start3A_460 = arith.constant 0 : i32
          %dma_start3A_461 = tpu.memref_slice %dma_start3A_458[%add3A_38, %dma_start3A_459, %dma_start3A_460] : memref<12x10000x64xf32, #tpu.memory_space<hbm>> -> memref<1x10000x64xf32, #tpu.memory_space<hbm>>
          %dma_start3A_462 = tpu.memref_squeeze %dma_start3A_461 : memref<1x10000x64xf32, #tpu.memory_space<hbm>> -> memref<10000x64xf32, #tpu.memory_space<hbm>>
          %dma_start3A_463 = arith.constant 0 : i32
          %dma_start3A_464 = arith.constant 0 : i32
          %dma_start3A_465 = tpu.memref_slice %dma_start3A_462[%dma_start3A_463, %dma_start3A_464] : memref<10000x64xf32, #tpu.memory_space<hbm>> -> memref<10000x64xf32, #tpu.memory_space<hbm>>
          tpu.enqueue_indirect_dma source(%dma_start3A_465 : memref<10000x64xf32, #tpu.memory_space<hbm>>) target(%dma_start3A_450 : memref<128x64xf32, #tpu.memory_space<vmem>>) offsets(%dma_start3A_453 : memref<128xi32, #tpu.memory_space<vmem>>) semaphore(%arg15 : memref<!tpu.dma_semaphore, #tpu.memory_space<semaphore_mem>>)
          %add3A_466 = arith.constant 1 : i32
          %add3A_467 = arith.addi %add3A_280, %add3A_466 : i32
          %dma_wait3A_468 = arith.constant 1 : i32
          %dma_wait3A_469 = arith.constant 0 : i32
          %dma_wait3A_470 = arith.constant 0 : i32
          %dma_wait3A_471 = tpu.memref_slice %arg11[%dma_wait3A_468, %dma_wait3A_469, %dma_wait3A_470] : memref<4x128x64xf32, #tpu.memory_space<vmem>> -> memref<1x128x64xf32, #tpu.memory_space<vmem>>
          %dma_wait3A_472 = tpu.memref_squeeze %dma_wait3A_471 : memref<1x128x64xf32, #tpu.memory_space<vmem>> -> memref<128x64xf32, #tpu.memory_space<vmem>>
          %dma_wait3A_473 = arith.constant 0 : i32
          %dma_wait3A_474 = tpu.memref_slice %arg9[%add3A_467, %dma_wait3A_473] : memref<49x128xi32, #tpu.memory_space<vmem>> -> memref<1x128xi32, #tpu.memory_space<vmem>>
          %dma_wait3A_475 = tpu.memref_squeeze %dma_wait3A_474 : memref<1x128xi32, #tpu.memory_space<vmem>> -> memref<128xi32, #tpu.memory_space<vmem>>
          %dma_wait3A_476 = arith.constant 0 : i32
          %dma_wait3A_477 = arith.constant 0 : i32
          %dma_wait3A_478 = tpu.memref_slice %arg14[%dma_wait3A_476, %dma_wait3A_477] : memref<10240x64xf32, #tpu.memory_space<vmem_shared>> -> memref<10240x64xf32, #tpu.memory_space<vmem_shared>>
          tpu.wait_indirect_dma semaphore(%arg20 : memref<!tpu.dma_semaphore, #tpu.memory_space<semaphore_mem>>) src(%dma_wait3A_472 : memref<128x64xf32, #tpu.memory_space<vmem>>) dst(%dma_wait3A_478 : memref<10240x64xf32, #tpu.memory_space<vmem_shared>>)
          %add3A_479 = arith.constant 4 : i32
          %add3A_480 = arith.addi %add3A_280, %add3A_479 : i32
          %add3A_481 = arith.constant 1 : i32
          %add3A_482 = arith.addi %add3A_480, %add3A_481 : i32
          %dma_start3A_483 = arith.constant 1 : i32
          %dma_start3A_484 = arith.constant 0 : i32
          %dma_start3A_485 = arith.constant 0 : i32
          %dma_start3A_486 = tpu.memref_slice %arg11[%dma_start3A_483, %dma_start3A_484, %dma_start3A_485] : memref<4x128x64xf32, #tpu.memory_space<vmem>> -> memref<1x128x64xf32, #tpu.memory_space<vmem>>
          %dma_start3A_487 = tpu.memref_squeeze %dma_start3A_486 : memref<1x128x64xf32, #tpu.memory_space<vmem>> -> memref<128x64xf32, #tpu.memory_space<vmem>>
          %dma_start3A_488 = arith.constant 0 : i32
          %dma_start3A_489 = tpu.memref_slice %arg8[%add3A_482, %dma_start3A_488] : memref<49x128xi32, #tpu.memory_space<vmem>> -> memref<1x128xi32, #tpu.memory_space<vmem>>
          %dma_start3A_490 = tpu.memref_squeeze %dma_start3A_489 : memref<1x128xi32, #tpu.memory_space<vmem>> -> memref<128xi32, #tpu.memory_space<vmem>>
          %dma_start3A_491 = arith.constant 0 : i32
          %dma_start3A_492 = arith.constant 0 : i32
          %dma_start3A_493 = arith.constant 0 : i32
          %dma_start3A_494 = tpu.memref_slice %arg2[%scan3A_28, %dma_start3A_491, %dma_start3A_492, %dma_start3A_493] : memref<2x12x10000x64xf32, #tpu.memory_space<hbm>> -> memref<1x12x10000x64xf32, #tpu.memory_space<hbm>>
          %dma_start3A_495 = tpu.memref_squeeze %dma_start3A_494 : memref<1x12x10000x64xf32, #tpu.memory_space<hbm>> -> memref<12x10000x64xf32, #tpu.memory_space<hbm>>
          %dma_start3A_496 = arith.constant 0 : i32
          %dma_start3A_497 = arith.constant 0 : i32
          %dma_start3A_498 = tpu.memref_slice %dma_start3A_495[%add3A_38, %dma_start3A_496, %dma_start3A_497] : memref<12x10000x64xf32, #tpu.memory_space<hbm>> -> memref<1x10000x64xf32, #tpu.memory_space<hbm>>
          %dma_start3A_499 = tpu.memref_squeeze %dma_start3A_498 : memref<1x10000x64xf32, #tpu.memory_space<hbm>> -> memref<10000x64xf32, #tpu.memory_space<hbm>>
          %dma_start3A_500 = arith.constant 0 : i32
          %dma_start3A_501 = arith.constant 0 : i32
          %dma_start3A_502 = tpu.memref_slice %dma_start3A_499[%dma_start3A_500, %dma_start3A_501] : memref<10000x64xf32, #tpu.memory_space<hbm>> -> memref<10000x64xf32, #tpu.memory_space<hbm>>
          tpu.enqueue_indirect_dma source(%dma_start3A_502 : memref<10000x64xf32, #tpu.memory_space<hbm>>) target(%dma_start3A_487 : memref<128x64xf32, #tpu.memory_space<vmem>>) offsets(%dma_start3A_490 : memref<128xi32, #tpu.memory_space<vmem>>) semaphore(%arg16 : memref<!tpu.dma_semaphore, #tpu.memory_space<semaphore_mem>>)
          %add3A_503 = arith.constant 2 : i32
          %add3A_504 = arith.addi %add3A_280, %add3A_503 : i32
          %add3A_505 = arith.constant 0 : i32
          %add3A_506 = arith.addi %add3A_504, %add3A_505 : i32
          %dma_wait3A_507 = arith.constant 2 : i32
          %dma_wait3A_508 = arith.constant 0 : i32
          %dma_wait3A_509 = arith.constant 0 : i32
          %dma_wait3A_510 = tpu.memref_slice %arg11[%dma_wait3A_507, %dma_wait3A_508, %dma_wait3A_509] : memref<4x128x64xf32, #tpu.memory_space<vmem>> -> memref<1x128x64xf32, #tpu.memory_space<vmem>>
          %dma_wait3A_511 = tpu.memref_squeeze %dma_wait3A_510 : memref<1x128x64xf32, #tpu.memory_space<vmem>> -> memref<128x64xf32, #tpu.memory_space<vmem>>
          %dma_wait3A_512 = arith.constant 0 : i32
          %dma_wait3A_513 = tpu.memref_slice %arg9[%add3A_506, %dma_wait3A_512] : memref<49x128xi32, #tpu.memory_space<vmem>> -> memref<1x128xi32, #tpu.memory_space<vmem>>
          %dma_wait3A_514 = tpu.memref_squeeze %dma_wait3A_513 : memref<1x128xi32, #tpu.memory_space<vmem>> -> memref<128xi32, #tpu.memory_space<vmem>>
          %dma_wait3A_515 = arith.constant 0 : i32
          %dma_wait3A_516 = arith.constant 0 : i32
          %dma_wait3A_517 = tpu.memref_slice %arg14[%dma_wait3A_515, %dma_wait3A_516] : memref<10240x64xf32, #tpu.memory_space<vmem_shared>> -> memref<10240x64xf32, #tpu.memory_space<vmem_shared>>
          tpu.wait_indirect_dma semaphore(%arg21 : memref<!tpu.dma_semaphore, #tpu.memory_space<semaphore_mem>>) src(%dma_wait3A_511 : memref<128x64xf32, #tpu.memory_space<vmem>>) dst(%dma_wait3A_517 : memref<10240x64xf32, #tpu.memory_space<vmem_shared>>)
          %add3A_518 = arith.constant 6 : i32
          %add3A_519 = arith.addi %add3A_280, %add3A_518 : i32
          %add3A_520 = arith.constant 0 : i32
          %add3A_521 = arith.addi %add3A_519, %add3A_520 : i32
          %dma_start3A_522 = arith.constant 2 : i32
          %dma_start3A_523 = arith.constant 0 : i32
          %dma_start3A_524 = arith.constant 0 : i32
          %dma_start3A_525 = tpu.memref_slice %arg11[%dma_start3A_522, %dma_start3A_523, %dma_start3A_524] : memref<4x128x64xf32, #tpu.memory_space<vmem>> -> memref<1x128x64xf32, #tpu.memory_space<vmem>>
          %dma_start3A_526 = tpu.memref_squeeze %dma_start3A_525 : memref<1x128x64xf32, #tpu.memory_space<vmem>> -> memref<128x64xf32, #tpu.memory_space<vmem>>
          %dma_start3A_527 = arith.constant 0 : i32
          %dma_start3A_528 = tpu.memref_slice %arg8[%add3A_521, %dma_start3A_527] : memref<49x128xi32, #tpu.memory_space<vmem>> -> memref<1x128xi32, #tpu.memory_space<vmem>>
          %dma_start3A_529 = tpu.memref_squeeze %dma_start3A_528 : memref<1x128xi32, #tpu.memory_space<vmem>> -> memref<128xi32, #tpu.memory_space<vmem>>
          %dma_start3A_530 = arith.constant 0 : i32
          %dma_start3A_531 = arith.constant 0 : i32
          %dma_start3A_532 = arith.constant 0 : i32
          %dma_start3A_533 = tpu.memref_slice %arg2[%scan3A_28, %dma_start3A_530, %dma_start3A_531, %dma_start3A_532] : memref<2x12x10000x64xf32, #tpu.memory_space<hbm>> -> memref<1x12x10000x64xf32, #tpu.memory_space<hbm>>
          %dma_start3A_534 = tpu.memref_squeeze %dma_start3A_533 : memref<1x12x10000x64xf32, #tpu.memory_space<hbm>> -> memref<12x10000x64xf32, #tpu.memory_space<hbm>>
          %dma_start3A_535 = arith.constant 0 : i32
          %dma_start3A_536 = arith.constant 0 : i32
          %dma_start3A_537 = tpu.memref_slice %dma_start3A_534[%add3A_38, %dma_start3A_535, %dma_start3A_536] : memref<12x10000x64xf32, #tpu.memory_space<hbm>> -> memref<1x10000x64xf32, #tpu.memory_space<hbm>>
          %dma_start3A_538 = tpu.memref_squeeze %dma_start3A_537 : memref<1x10000x64xf32, #tpu.memory_space<hbm>> -> memref<10000x64xf32, #tpu.memory_space<hbm>>
          %dma_start3A_539 = arith.constant 0 : i32
          %dma_start3A_540 = arith.constant 0 : i32
          %dma_start3A_541 = tpu.memref_slice %dma_start3A_538[%dma_start3A_539, %dma_start3A_540] : memref<10000x64xf32, #tpu.memory_space<hbm>> -> memref<10000x64xf32, #tpu.memory_space<hbm>>
          tpu.enqueue_indirect_dma source(%dma_start3A_541 : memref<10000x64xf32, #tpu.memory_space<hbm>>) target(%dma_start3A_526 : memref<128x64xf32, #tpu.memory_space<vmem>>) offsets(%dma_start3A_529 : memref<128xi32, #tpu.memory_space<vmem>>) semaphore(%arg17 : memref<!tpu.dma_semaphore, #tpu.memory_space<semaphore_mem>>)
          %add3A_542 = arith.constant 2 : i32
          %add3A_543 = arith.addi %add3A_280, %add3A_542 : i32
          %add3A_544 = arith.constant 1 : i32
          %add3A_545 = arith.addi %add3A_543, %add3A_544 : i32
          %dma_wait3A_546 = arith.constant 3 : i32
          %dma_wait3A_547 = arith.constant 0 : i32
          %dma_wait3A_548 = arith.constant 0 : i32
          %dma_wait3A_549 = tpu.memref_slice %arg11[%dma_wait3A_546, %dma_wait3A_547, %dma_wait3A_548] : memref<4x128x64xf32, #tpu.memory_space<vmem>> -> memref<1x128x64xf32, #tpu.memory_space<vmem>>
          %dma_wait3A_550 = tpu.memref_squeeze %dma_wait3A_549 : memref<1x128x64xf32, #tpu.memory_space<vmem>> -> memref<128x64xf32, #tpu.memory_space<vmem>>
          %dma_wait3A_551 = arith.constant 0 : i32
          %dma_wait3A_552 = tpu.memref_slice %arg9[%add3A_545, %dma_wait3A_551] : memref<49x128xi32, #tpu.memory_space<vmem>> -> memref<1x128xi32, #tpu.memory_space<vmem>>
          %dma_wait3A_553 = tpu.memref_squeeze %dma_wait3A_552 : memref<1x128xi32, #tpu.memory_space<vmem>> -> memref<128xi32, #tpu.memory_space<vmem>>
          %dma_wait3A_554 = arith.constant 0 : i32
          %dma_wait3A_555 = arith.constant 0 : i32
          %dma_wait3A_556 = tpu.memref_slice %arg14[%dma_wait3A_554, %dma_wait3A_555] : memref<10240x64xf32, #tpu.memory_space<vmem_shared>> -> memref<10240x64xf32, #tpu.memory_space<vmem_shared>>
          tpu.wait_indirect_dma semaphore(%arg22 : memref<!tpu.dma_semaphore, #tpu.memory_space<semaphore_mem>>) src(%dma_wait3A_550 : memref<128x64xf32, #tpu.memory_space<vmem>>) dst(%dma_wait3A_556 : memref<10240x64xf32, #tpu.memory_space<vmem_shared>>)
          %add3A_557 = arith.constant 6 : i32
          %add3A_558 = arith.addi %add3A_280, %add3A_557 : i32
          %add3A_559 = arith.constant 1 : i32
          %add3A_560 = arith.addi %add3A_558, %add3A_559 : i32
          %dma_start3A_561 = arith.constant 3 : i32
          %dma_start3A_562 = arith.constant 0 : i32
          %dma_start3A_563 = arith.constant 0 : i32
          %dma_start3A_564 = tpu.memref_slice %arg11[%dma_start3A_561, %dma_start3A_562, %dma_start3A_563] : memref<4x128x64xf32, #tpu.memory_space<vmem>> -> memref<1x128x64xf32, #tpu.memory_space<vmem>>
          %dma_start3A_565 = tpu.memref_squeeze %dma_start3A_564 : memref<1x128x64xf32, #tpu.memory_space<vmem>> -> memref<128x64xf32, #tpu.memory_space<vmem>>
          %dma_start3A_566 = arith.constant 0 : i32
          %dma_start3A_567 = tpu.memref_slice %arg8[%add3A_560, %dma_start3A_566] : memref<49x128xi32, #tpu.memory_space<vmem>> -> memref<1x128xi32, #tpu.memory_space<vmem>>
          %dma_start3A_568 = tpu.memref_squeeze %dma_start3A_567 : memref<1x128xi32, #tpu.memory_space<vmem>> -> memref<128xi32, #tpu.memory_space<vmem>>
          %dma_start3A_569 = arith.constant 0 : i32
          %dma_start3A_570 = arith.constant 0 : i32
          %dma_start3A_571 = arith.constant 0 : i32
          %dma_start3A_572 = tpu.memref_slice %arg2[%scan3A_28, %dma_start3A_569, %dma_start3A_570, %dma_start3A_571] : memref<2x12x10000x64xf32, #tpu.memory_space<hbm>> -> memref<1x12x10000x64xf32, #tpu.memory_space<hbm>>
          %dma_start3A_573 = tpu.memref_squeeze %dma_start3A_572 : memref<1x12x10000x64xf32, #tpu.memory_space<hbm>> -> memref<12x10000x64xf32, #tpu.memory_space<hbm>>
          %dma_start3A_574 = arith.constant 0 : i32
          %dma_start3A_575 = arith.constant 0 : i32
          %dma_start3A_576 = tpu.memref_slice %dma_start3A_573[%add3A_38, %dma_start3A_574, %dma_start3A_575] : memref<12x10000x64xf32, #tpu.memory_space<hbm>> -> memref<1x10000x64xf32, #tpu.memory_space<hbm>>
          %dma_start3A_577 = tpu.memref_squeeze %dma_start3A_576 : memref<1x10000x64xf32, #tpu.memory_space<hbm>> -> memref<10000x64xf32, #tpu.memory_space<hbm>>
          %dma_start3A_578 = arith.constant 0 : i32
          %dma_start3A_579 = arith.constant 0 : i32
          %dma_start3A_580 = tpu.memref_slice %dma_start3A_577[%dma_start3A_578, %dma_start3A_579] : memref<10000x64xf32, #tpu.memory_space<hbm>> -> memref<10000x64xf32, #tpu.memory_space<hbm>>
          tpu.enqueue_indirect_dma source(%dma_start3A_580 : memref<10000x64xf32, #tpu.memory_space<hbm>>) target(%dma_start3A_565 : memref<128x64xf32, #tpu.memory_space<vmem>>) offsets(%dma_start3A_568 : memref<128xi32, #tpu.memory_space<vmem>>) semaphore(%arg18 : memref<!tpu.dma_semaphore, #tpu.memory_space<semaphore_mem>>)
        }
        %scan3A_132 = arith.constant 11 : i32
        %dma_wait3A = arith.constant 44 : i32
        %dma_wait3A_133 = arith.constant 0 : i32
        %dma_wait3A_134 = arith.constant 0 : i32
        %dma_wait3A_135 = arith.constant 0 : i32
        %dma_wait3A_136 = tpu.memref_slice %arg11[%dma_wait3A_133, %dma_wait3A_134, %dma_wait3A_135] : memref<4x128x64xf32, #tpu.memory_space<vmem>> -> memref<1x128x64xf32, #tpu.memory_space<vmem>>
        %dma_wait3A_137 = tpu.memref_squeeze %dma_wait3A_136 : memref<1x128x64xf32, #tpu.memory_space<vmem>> -> memref<128x64xf32, #tpu.memory_space<vmem>>
        %dma_wait3A_138 = arith.constant 0 : i32
        %dma_wait3A_139 = tpu.memref_slice %arg8[%dma_wait3A, %dma_wait3A_138] : memref<49x128xi32, #tpu.memory_space<vmem>> -> memref<1x128xi32, #tpu.memory_space<vmem>>
        %dma_wait3A_140 = tpu.memref_squeeze %dma_wait3A_139 : memref<1x128xi32, #tpu.memory_space<vmem>> -> memref<128xi32, #tpu.memory_space<vmem>>
        %dma_wait3A_141 = arith.constant 0 : i32
        %dma_wait3A_142 = arith.constant 0 : i32
        %dma_wait3A_143 = arith.constant 0 : i32
        %dma_wait3A_144 = tpu.memref_slice %arg2[%scan3A_28, %dma_wait3A_141, %dma_wait3A_142, %dma_wait3A_143] : memref<2x12x10000x64xf32, #tpu.memory_space<hbm>> -> memref<1x12x10000x64xf32, #tpu.memory_space<hbm>>
        %dma_wait3A_145 = tpu.memref_squeeze %dma_wait3A_144 : memref<1x12x10000x64xf32, #tpu.memory_space<hbm>> -> memref<12x10000x64xf32, #tpu.memory_space<hbm>>
        %dma_wait3A_146 = arith.constant 0 : i32
        %dma_wait3A_147 = arith.constant 0 : i32
        %dma_wait3A_148 = tpu.memref_slice %dma_wait3A_145[%add3A_38, %dma_wait3A_146, %dma_wait3A_147] : memref<12x10000x64xf32, #tpu.memory_space<hbm>> -> memref<1x10000x64xf32, #tpu.memory_space<hbm>>
        %dma_wait3A_149 = tpu.memref_squeeze %dma_wait3A_148 : memref<1x10000x64xf32, #tpu.memory_space<hbm>> -> memref<10000x64xf32, #tpu.memory_space<hbm>>
        %dma_wait3A_150 = arith.constant 0 : i32
        %dma_wait3A_151 = arith.constant 0 : i32
        %dma_wait3A_152 = tpu.memref_slice %dma_wait3A_149[%dma_wait3A_150, %dma_wait3A_151] : memref<10000x64xf32, #tpu.memory_space<hbm>> -> memref<10000x64xf32, #tpu.memory_space<hbm>>
        tpu.wait_indirect_dma semaphore(%arg15 : memref<!tpu.dma_semaphore, #tpu.memory_space<semaphore_mem>>) src(%dma_wait3A_152 : memref<10000x64xf32, #tpu.memory_space<hbm>>) dst(%dma_wait3A_137 : memref<128x64xf32, #tpu.memory_space<vmem>>)
        %run_scoped3A_153 = arith.constant 0 : i32
        %run_scoped3A_154 = arith.constant 44 : i32
        "tpu.region"() ({
          %run_scoped3A_276 = tpu.sem_alloc : memref<!tpu.dma_semaphore, #tpu.memory_space<semaphore_mem>>
          %dma_start3A_277 = arith.constant 0 : i32
          %dma_start3A_278 = arith.constant 0 : i32
          %dma_start3A_279 = tpu.memref_slice %arg11[%run_scoped3A_153, %dma_start3A_277, %dma_start3A_278] : memref<4x128x64xf32, #tpu.memory_space<vmem>> -> memref<1x128x64xf32, #tpu.memory_space<vmem>>
          %dma_start3A_280 = tpu.memref_squeeze %dma_start3A_279 : memref<1x128x64xf32, #tpu.memory_space<vmem>> -> memref<128x64xf32, #tpu.memory_space<vmem>>
          %dma_start3A_281 = arith.constant 0 : i32
          %dma_start3A_282 = tpu.memref_slice %arg9[%run_scoped3A_154, %dma_start3A_281] : memref<49x128xi32, #tpu.memory_space<vmem>> -> memref<1x128xi32, #tpu.memory_space<vmem>>
          %dma_start3A_283 = tpu.memref_squeeze %dma_start3A_282 : memref<1x128xi32, #tpu.memory_space<vmem>> -> memref<128xi32, #tpu.memory_space<vmem>>
          %dma_start3A_284 = arith.constant 0 : i32
          %dma_start3A_285 = arith.constant 0 : i32
          %dma_start3A_286 = tpu.memref_slice %arg14[%dma_start3A_284, %dma_start3A_285] : memref<10240x64xf32, #tpu.memory_space<vmem_shared>> -> memref<10240x64xf32, #tpu.memory_space<vmem_shared>>
          tpu.enqueue_indirect_dma source(%dma_start3A_280 : memref<128x64xf32, #tpu.memory_space<vmem>>) target(%dma_start3A_286 : memref<10240x64xf32, #tpu.memory_space<vmem_shared>>) offsets(%dma_start3A_283 : memref<128xi32, #tpu.memory_space<vmem>>) semaphore(%run_scoped3A_276 : memref<!tpu.dma_semaphore, #tpu.memory_space<semaphore_mem>>) {add = true}
          %dma_wait3A_287 = arith.constant 0 : i32
          %dma_wait3A_288 = arith.constant 0 : i32
          %dma_wait3A_289 = tpu.memref_slice %arg11[%run_scoped3A_153, %dma_wait3A_287, %dma_wait3A_288] : memref<4x128x64xf32, #tpu.memory_space<vmem>> -> memref<1x128x64xf32, #tpu.memory_space<vmem>>
          %dma_wait3A_290 = tpu.memref_squeeze %dma_wait3A_289 : memref<1x128x64xf32, #tpu.memory_space<vmem>> -> memref<128x64xf32, #tpu.memory_space<vmem>>
          %dma_wait3A_291 = arith.constant 0 : i32
          %dma_wait3A_292 = tpu.memref_slice %arg9[%run_scoped3A_154, %dma_wait3A_291] : memref<49x128xi32, #tpu.memory_space<vmem>> -> memref<1x128xi32, #tpu.memory_space<vmem>>
          %dma_wait3A_293 = tpu.memref_squeeze %dma_wait3A_292 : memref<1x128xi32, #tpu.memory_space<vmem>> -> memref<128xi32, #tpu.memory_space<vmem>>
          %dma_wait3A_294 = arith.constant 0 : i32
          %dma_wait3A_295 = arith.constant 0 : i32
          %dma_wait3A_296 = tpu.memref_slice %arg14[%dma_wait3A_294, %dma_wait3A_295] : memref<10240x64xf32, #tpu.memory_space<vmem_shared>> -> memref<10240x64xf32, #tpu.memory_space<vmem_shared>>
          tpu.wait_indirect_dma semaphore(%run_scoped3A_276 : memref<!tpu.dma_semaphore, #tpu.memory_space<semaphore_mem>>) src(%dma_wait3A_290 : memref<128x64xf32, #tpu.memory_space<vmem>>) dst(%dma_wait3A_296 : memref<10240x64xf32, #tpu.memory_space<vmem_shared>>)
          tpu.yield
        }) : () -> ()
        %dma_wait3A_155 = arith.constant 45 : i32
        %dma_wait3A_156 = arith.constant 1 : i32
        %dma_wait3A_157 = arith.constant 0 : i32
        %dma_wait3A_158 = arith.constant 0 : i32
        %dma_wait3A_159 = tpu.memref_slice %arg11[%dma_wait3A_156, %dma_wait3A_157, %dma_wait3A_158] : memref<4x128x64xf32, #tpu.memory_space<vmem>> -> memref<1x128x64xf32, #tpu.memory_space<vmem>>
        %dma_wait3A_160 = tpu.memref_squeeze %dma_wait3A_159 : memref<1x128x64xf32, #tpu.memory_space<vmem>> -> memref<128x64xf32, #tpu.memory_space<vmem>>
        %dma_wait3A_161 = arith.constant 0 : i32
        %dma_wait3A_162 = tpu.memref_slice %arg8[%dma_wait3A_155, %dma_wait3A_161] : memref<49x128xi32, #tpu.memory_space<vmem>> -> memref<1x128xi32, #tpu.memory_space<vmem>>
        %dma_wait3A_163 = tpu.memref_squeeze %dma_wait3A_162 : memref<1x128xi32, #tpu.memory_space<vmem>> -> memref<128xi32, #tpu.memory_space<vmem>>
        %dma_wait3A_164 = arith.constant 0 : i32
        %dma_wait3A_165 = arith.constant 0 : i32
        %dma_wait3A_166 = arith.constant 0 : i32
        %dma_wait3A_167 = tpu.memref_slice %arg2[%scan3A_28, %dma_wait3A_164, %dma_wait3A_165, %dma_wait3A_166] : memref<2x12x10000x64xf32, #tpu.memory_space<hbm>> -> memref<1x12x10000x64xf32, #tpu.memory_space<hbm>>
        %dma_wait3A_168 = tpu.memref_squeeze %dma_wait3A_167 : memref<1x12x10000x64xf32, #tpu.memory_space<hbm>> -> memref<12x10000x64xf32, #tpu.memory_space<hbm>>
        %dma_wait3A_169 = arith.constant 0 : i32
        %dma_wait3A_170 = arith.constant 0 : i32
        %dma_wait3A_171 = tpu.memref_slice %dma_wait3A_168[%add3A_38, %dma_wait3A_169, %dma_wait3A_170] : memref<12x10000x64xf32, #tpu.memory_space<hbm>> -> memref<1x10000x64xf32, #tpu.memory_space<hbm>>
        %dma_wait3A_172 = tpu.memref_squeeze %dma_wait3A_171 : memref<1x10000x64xf32, #tpu.memory_space<hbm>> -> memref<10000x64xf32, #tpu.memory_space<hbm>>
        %dma_wait3A_173 = arith.constant 0 : i32
        %dma_wait3A_174 = arith.constant 0 : i32
        %dma_wait3A_175 = tpu.memref_slice %dma_wait3A_172[%dma_wait3A_173, %dma_wait3A_174] : memref<10000x64xf32, #tpu.memory_space<hbm>> -> memref<10000x64xf32, #tpu.memory_space<hbm>>
        tpu.wait_indirect_dma semaphore(%arg16 : memref<!tpu.dma_semaphore, #tpu.memory_space<semaphore_mem>>) src(%dma_wait3A_175 : memref<10000x64xf32, #tpu.memory_space<hbm>>) dst(%dma_wait3A_160 : memref<128x64xf32, #tpu.memory_space<vmem>>)
        %run_scoped3A_176 = arith.constant 1 : i32
        %run_scoped3A_177 = arith.constant 45 : i32
        "tpu.region"() ({
          %run_scoped3A_276 = tpu.sem_alloc : memref<!tpu.dma_semaphore, #tpu.memory_space<semaphore_mem>>
          %dma_start3A_277 = arith.constant 0 : i32
          %dma_start3A_278 = arith.constant 0 : i32
          %dma_start3A_279 = tpu.memref_slice %arg11[%run_scoped3A_176, %dma_start3A_277, %dma_start3A_278] : memref<4x128x64xf32, #tpu.memory_space<vmem>> -> memref<1x128x64xf32, #tpu.memory_space<vmem>>
          %dma_start3A_280 = tpu.memref_squeeze %dma_start3A_279 : memref<1x128x64xf32, #tpu.memory_space<vmem>> -> memref<128x64xf32, #tpu.memory_space<vmem>>
          %dma_start3A_281 = arith.constant 0 : i32
          %dma_start3A_282 = tpu.memref_slice %arg9[%run_scoped3A_177, %dma_start3A_281] : memref<49x128xi32, #tpu.memory_space<vmem>> -> memref<1x128xi32, #tpu.memory_space<vmem>>
          %dma_start3A_283 = tpu.memref_squeeze %dma_start3A_282 : memref<1x128xi32, #tpu.memory_space<vmem>> -> memref<128xi32, #tpu.memory_space<vmem>>
          %dma_start3A_284 = arith.constant 0 : i32
          %dma_start3A_285 = arith.constant 0 : i32
          %dma_start3A_286 = tpu.memref_slice %arg14[%dma_start3A_284, %dma_start3A_285] : memref<10240x64xf32, #tpu.memory_space<vmem_shared>> -> memref<10240x64xf32, #tpu.memory_space<vmem_shared>>
          tpu.enqueue_indirect_dma source(%dma_start3A_280 : memref<128x64xf32, #tpu.memory_space<vmem>>) target(%dma_start3A_286 : memref<10240x64xf32, #tpu.memory_space<vmem_shared>>) offsets(%dma_start3A_283 : memref<128xi32, #tpu.memory_space<vmem>>) semaphore(%run_scoped3A_276 : memref<!tpu.dma_semaphore, #tpu.memory_space<semaphore_mem>>) {add = true}
          %dma_wait3A_287 = arith.constant 0 : i32
          %dma_wait3A_288 = arith.constant 0 : i32
          %dma_wait3A_289 = tpu.memref_slice %arg11[%run_scoped3A_176, %dma_wait3A_287, %dma_wait3A_288] : memref<4x128x64xf32, #tpu.memory_space<vmem>> -> memref<1x128x64xf32, #tpu.memory_space<vmem>>
          %dma_wait3A_290 = tpu.memref_squeeze %dma_wait3A_289 : memref<1x128x64xf32, #tpu.memory_space<vmem>> -> memref<128x64xf32, #tpu.memory_space<vmem>>
          %dma_wait3A_291 = arith.constant 0 : i32
          %dma_wait3A_292 = tpu.memref_slice %arg9[%run_scoped3A_177, %dma_wait3A_291] : memref<49x128xi32, #tpu.memory_space<vmem>> -> memref<1x128xi32, #tpu.memory_space<vmem>>
          %dma_wait3A_293 = tpu.memref_squeeze %dma_wait3A_292 : memref<1x128xi32, #tpu.memory_space<vmem>> -> memref<128xi32, #tpu.memory_space<vmem>>
          %dma_wait3A_294 = arith.constant 0 : i32
          %dma_wait3A_295 = arith.constant 0 : i32
          %dma_wait3A_296 = tpu.memref_slice %arg14[%dma_wait3A_294, %dma_wait3A_295] : memref<10240x64xf32, #tpu.memory_space<vmem_shared>> -> memref<10240x64xf32, #tpu.memory_space<vmem_shared>>
          tpu.wait_indirect_dma semaphore(%run_scoped3A_276 : memref<!tpu.dma_semaphore, #tpu.memory_space<semaphore_mem>>) src(%dma_wait3A_290 : memref<128x64xf32, #tpu.memory_space<vmem>>) dst(%dma_wait3A_296 : memref<10240x64xf32, #tpu.memory_space<vmem_shared>>)
          tpu.yield
        }) : () -> ()
        %dma_wait3A_178 = arith.constant 46 : i32
        %dma_wait3A_179 = arith.constant 2 : i32
        %dma_wait3A_180 = arith.constant 0 : i32
        %dma_wait3A_181 = arith.constant 0 : i32
        %dma_wait3A_182 = tpu.memref_slice %arg11[%dma_wait3A_179, %dma_wait3A_180, %dma_wait3A_181] : memref<4x128x64xf32, #tpu.memory_space<vmem>> -> memref<1x128x64xf32, #tpu.memory_space<vmem>>
        %dma_wait3A_183 = tpu.memref_squeeze %dma_wait3A_182 : memref<1x128x64xf32, #tpu.memory_space<vmem>> -> memref<128x64xf32, #tpu.memory_space<vmem>>
        %dma_wait3A_184 = arith.constant 0 : i32
        %dma_wait3A_185 = tpu.memref_slice %arg8[%dma_wait3A_178, %dma_wait3A_184] : memref<49x128xi32, #tpu.memory_space<vmem>> -> memref<1x128xi32, #tpu.memory_space<vmem>>
        %dma_wait3A_186 = tpu.memref_squeeze %dma_wait3A_185 : memref<1x128xi32, #tpu.memory_space<vmem>> -> memref<128xi32, #tpu.memory_space<vmem>>
        %dma_wait3A_187 = arith.constant 0 : i32
        %dma_wait3A_188 = arith.constant 0 : i32
        %dma_wait3A_189 = arith.constant 0 : i32
        %dma_wait3A_190 = tpu.memref_slice %arg2[%scan3A_28, %dma_wait3A_187, %dma_wait3A_188, %dma_wait3A_189] : memref<2x12x10000x64xf32, #tpu.memory_space<hbm>> -> memref<1x12x10000x64xf32, #tpu.memory_space<hbm>>
        %dma_wait3A_191 = tpu.memref_squeeze %dma_wait3A_190 : memref<1x12x10000x64xf32, #tpu.memory_space<hbm>> -> memref<12x10000x64xf32, #tpu.memory_space<hbm>>
        %dma_wait3A_192 = arith.constant 0 : i32
        %dma_wait3A_193 = arith.constant 0 : i32
        %dma_wait3A_194 = tpu.memref_slice %dma_wait3A_191[%add3A_38, %dma_wait3A_192, %dma_wait3A_193] : memref<12x10000x64xf32, #tpu.memory_space<hbm>> -> memref<1x10000x64xf32, #tpu.memory_space<hbm>>
        %dma_wait3A_195 = tpu.memref_squeeze %dma_wait3A_194 : memref<1x10000x64xf32, #tpu.memory_space<hbm>> -> memref<10000x64xf32, #tpu.memory_space<hbm>>
        %dma_wait3A_196 = arith.constant 0 : i32
        %dma_wait3A_197 = arith.constant 0 : i32
        %dma_wait3A_198 = tpu.memref_slice %dma_wait3A_195[%dma_wait3A_196, %dma_wait3A_197] : memref<10000x64xf32, #tpu.memory_space<hbm>> -> memref<10000x64xf32, #tpu.memory_space<hbm>>
        tpu.wait_indirect_dma semaphore(%arg17 : memref<!tpu.dma_semaphore, #tpu.memory_space<semaphore_mem>>) src(%dma_wait3A_198 : memref<10000x64xf32, #tpu.memory_space<hbm>>) dst(%dma_wait3A_183 : memref<128x64xf32, #tpu.memory_space<vmem>>)
        %run_scoped3A_199 = arith.constant 2 : i32
        %run_scoped3A_200 = arith.constant 46 : i32
        "tpu.region"() ({
          %run_scoped3A_276 = tpu.sem_alloc : memref<!tpu.dma_semaphore, #tpu.memory_space<semaphore_mem>>
          %dma_start3A_277 = arith.constant 0 : i32
          %dma_start3A_278 = arith.constant 0 : i32
          %dma_start3A_279 = tpu.memref_slice %arg11[%run_scoped3A_199, %dma_start3A_277, %dma_start3A_278] : memref<4x128x64xf32, #tpu.memory_space<vmem>> -> memref<1x128x64xf32, #tpu.memory_space<vmem>>
          %dma_start3A_280 = tpu.memref_squeeze %dma_start3A_279 : memref<1x128x64xf32, #tpu.memory_space<vmem>> -> memref<128x64xf32, #tpu.memory_space<vmem>>
          %dma_start3A_281 = arith.constant 0 : i32
          %dma_start3A_282 = tpu.memref_slice %arg9[%run_scoped3A_200, %dma_start3A_281] : memref<49x128xi32, #tpu.memory_space<vmem>> -> memref<1x128xi32, #tpu.memory_space<vmem>>
          %dma_start3A_283 = tpu.memref_squeeze %dma_start3A_282 : memref<1x128xi32, #tpu.memory_space<vmem>> -> memref<128xi32, #tpu.memory_space<vmem>>
          %dma_start3A_284 = arith.constant 0 : i32
          %dma_start3A_285 = arith.constant 0 : i32
          %dma_start3A_286 = tpu.memref_slice %arg14[%dma_start3A_284, %dma_start3A_285] : memref<10240x64xf32, #tpu.memory_space<vmem_shared>> -> memref<10240x64xf32, #tpu.memory_space<vmem_shared>>
          tpu.enqueue_indirect_dma source(%dma_start3A_280 : memref<128x64xf32, #tpu.memory_space<vmem>>) target(%dma_start3A_286 : memref<10240x64xf32, #tpu.memory_space<vmem_shared>>) offsets(%dma_start3A_283 : memref<128xi32, #tpu.memory_space<vmem>>) semaphore(%run_scoped3A_276 : memref<!tpu.dma_semaphore, #tpu.memory_space<semaphore_mem>>) {add = true}
          %dma_wait3A_287 = arith.constant 0 : i32
          %dma_wait3A_288 = arith.constant 0 : i32
          %dma_wait3A_289 = tpu.memref_slice %arg11[%run_scoped3A_199, %dma_wait3A_287, %dma_wait3A_288] : memref<4x128x64xf32, #tpu.memory_space<vmem>> -> memref<1x128x64xf32, #tpu.memory_space<vmem>>
          %dma_wait3A_290 = tpu.memref_squeeze %dma_wait3A_289 : memref<1x128x64xf32, #tpu.memory_space<vmem>> -> memref<128x64xf32, #tpu.memory_space<vmem>>
          %dma_wait3A_291 = arith.constant 0 : i32
          %dma_wait3A_292 = tpu.memref_slice %arg9[%run_scoped3A_200, %dma_wait3A_291] : memref<49x128xi32, #tpu.memory_space<vmem>> -> memref<1x128xi32, #tpu.memory_space<vmem>>
          %dma_wait3A_293 = tpu.memref_squeeze %dma_wait3A_292 : memref<1x128xi32, #tpu.memory_space<vmem>> -> memref<128xi32, #tpu.memory_space<vmem>>
          %dma_wait3A_294 = arith.constant 0 : i32
          %dma_wait3A_295 = arith.constant 0 : i32
          %dma_wait3A_296 = tpu.memref_slice %arg14[%dma_wait3A_294, %dma_wait3A_295] : memref<10240x64xf32, #tpu.memory_space<vmem_shared>> -> memref<10240x64xf32, #tpu.memory_space<vmem_shared>>
          tpu.wait_indirect_dma semaphore(%run_scoped3A_276 : memref<!tpu.dma_semaphore, #tpu.memory_space<semaphore_mem>>) src(%dma_wait3A_290 : memref<128x64xf32, #tpu.memory_space<vmem>>) dst(%dma_wait3A_296 : memref<10240x64xf32, #tpu.memory_space<vmem_shared>>)
          tpu.yield
        }) : () -> ()
        %dma_wait3A_201 = arith.constant 47 : i32
        %dma_wait3A_202 = arith.constant 3 : i32
        %dma_wait3A_203 = arith.constant 0 : i32
        %dma_wait3A_204 = arith.constant 0 : i32
        %dma_wait3A_205 = tpu.memref_slice %arg11[%dma_wait3A_202, %dma_wait3A_203, %dma_wait3A_204] : memref<4x128x64xf32, #tpu.memory_space<vmem>> -> memref<1x128x64xf32, #tpu.memory_space<vmem>>
        %dma_wait3A_206 = tpu.memref_squeeze %dma_wait3A_205 : memref<1x128x64xf32, #tpu.memory_space<vmem>> -> memref<128x64xf32, #tpu.memory_space<vmem>>
        %dma_wait3A_207 = arith.constant 0 : i32
        %dma_wait3A_208 = tpu.memref_slice %arg8[%dma_wait3A_201, %dma_wait3A_207] : memref<49x128xi32, #tpu.memory_space<vmem>> -> memref<1x128xi32, #tpu.memory_space<vmem>>
        %dma_wait3A_209 = tpu.memref_squeeze %dma_wait3A_208 : memref<1x128xi32, #tpu.memory_space<vmem>> -> memref<128xi32, #tpu.memory_space<vmem>>
        %dma_wait3A_210 = arith.constant 0 : i32
        %dma_wait3A_211 = arith.constant 0 : i32
        %dma_wait3A_212 = arith.constant 0 : i32
        %dma_wait3A_213 = tpu.memref_slice %arg2[%scan3A_28, %dma_wait3A_210, %dma_wait3A_211, %dma_wait3A_212] : memref<2x12x10000x64xf32, #tpu.memory_space<hbm>> -> memref<1x12x10000x64xf32, #tpu.memory_space<hbm>>
        %dma_wait3A_214 = tpu.memref_squeeze %dma_wait3A_213 : memref<1x12x10000x64xf32, #tpu.memory_space<hbm>> -> memref<12x10000x64xf32, #tpu.memory_space<hbm>>
        %dma_wait3A_215 = arith.constant 0 : i32
        %dma_wait3A_216 = arith.constant 0 : i32
        %dma_wait3A_217 = tpu.memref_slice %dma_wait3A_214[%add3A_38, %dma_wait3A_215, %dma_wait3A_216] : memref<12x10000x64xf32, #tpu.memory_space<hbm>> -> memref<1x10000x64xf32, #tpu.memory_space<hbm>>
        %dma_wait3A_218 = tpu.memref_squeeze %dma_wait3A_217 : memref<1x10000x64xf32, #tpu.memory_space<hbm>> -> memref<10000x64xf32, #tpu.memory_space<hbm>>
        %dma_wait3A_219 = arith.constant 0 : i32
        %dma_wait3A_220 = arith.constant 0 : i32
        %dma_wait3A_221 = tpu.memref_slice %dma_wait3A_218[%dma_wait3A_219, %dma_wait3A_220] : memref<10000x64xf32, #tpu.memory_space<hbm>> -> memref<10000x64xf32, #tpu.memory_space<hbm>>
        tpu.wait_indirect_dma semaphore(%arg18 : memref<!tpu.dma_semaphore, #tpu.memory_space<semaphore_mem>>) src(%dma_wait3A_221 : memref<10000x64xf32, #tpu.memory_space<hbm>>) dst(%dma_wait3A_206 : memref<128x64xf32, #tpu.memory_space<vmem>>)
        %run_scoped3A_222 = arith.constant 3 : i32
        %run_scoped3A_223 = arith.constant 47 : i32
        "tpu.region"() ({
          %run_scoped3A_276 = tpu.sem_alloc : memref<!tpu.dma_semaphore, #tpu.memory_space<semaphore_mem>>
          %dma_start3A_277 = arith.constant 0 : i32
          %dma_start3A_278 = arith.constant 0 : i32
          %dma_start3A_279 = tpu.memref_slice %arg11[%run_scoped3A_222, %dma_start3A_277, %dma_start3A_278] : memref<4x128x64xf32, #tpu.memory_space<vmem>> -> memref<1x128x64xf32, #tpu.memory_space<vmem>>
          %dma_start3A_280 = tpu.memref_squeeze %dma_start3A_279 : memref<1x128x64xf32, #tpu.memory_space<vmem>> -> memref<128x64xf32, #tpu.memory_space<vmem>>
          %dma_start3A_281 = arith.constant 0 : i32
          %dma_start3A_282 = tpu.memref_slice %arg9[%run_scoped3A_223, %dma_start3A_281] : memref<49x128xi32, #tpu.memory_space<vmem>> -> memref<1x128xi32, #tpu.memory_space<vmem>>
          %dma_start3A_283 = tpu.memref_squeeze %dma_start3A_282 : memref<1x128xi32, #tpu.memory_space<vmem>> -> memref<128xi32, #tpu.memory_space<vmem>>
          %dma_start3A_284 = arith.constant 0 : i32
          %dma_start3A_285 = arith.constant 0 : i32
          %dma_start3A_286 = tpu.memref_slice %arg14[%dma_start3A_284, %dma_start3A_285] : memref<10240x64xf32, #tpu.memory_space<vmem_shared>> -> memref<10240x64xf32, #tpu.memory_space<vmem_shared>>
          tpu.enqueue_indirect_dma source(%dma_start3A_280 : memref<128x64xf32, #tpu.memory_space<vmem>>) target(%dma_start3A_286 : memref<10240x64xf32, #tpu.memory_space<vmem_shared>>) offsets(%dma_start3A_283 : memref<128xi32, #tpu.memory_space<vmem>>) semaphore(%run_scoped3A_276 : memref<!tpu.dma_semaphore, #tpu.memory_space<semaphore_mem>>) {add = true}
          %dma_wait3A_287 = arith.constant 0 : i32
          %dma_wait3A_288 = arith.constant 0 : i32
          %dma_wait3A_289 = tpu.memref_slice %arg11[%run_scoped3A_222, %dma_wait3A_287, %dma_wait3A_288] : memref<4x128x64xf32, #tpu.memory_space<vmem>> -> memref<1x128x64xf32, #tpu.memory_space<vmem>>
          %dma_wait3A_290 = tpu.memref_squeeze %dma_wait3A_289 : memref<1x128x64xf32, #tpu.memory_space<vmem>> -> memref<128x64xf32, #tpu.memory_space<vmem>>
          %dma_wait3A_291 = arith.constant 0 : i32
          %dma_wait3A_292 = tpu.memref_slice %arg9[%run_scoped3A_223, %dma_wait3A_291] : memref<49x128xi32, #tpu.memory_space<vmem>> -> memref<1x128xi32, #tpu.memory_space<vmem>>
          %dma_wait3A_293 = tpu.memref_squeeze %dma_wait3A_292 : memref<1x128xi32, #tpu.memory_space<vmem>> -> memref<128xi32, #tpu.memory_space<vmem>>
          %dma_wait3A_294 = arith.constant 0 : i32
          %dma_wait3A_295 = arith.constant 0 : i32
          %dma_wait3A_296 = tpu.memref_slice %arg14[%dma_wait3A_294, %dma_wait3A_295] : memref<10240x64xf32, #tpu.memory_space<vmem_shared>> -> memref<10240x64xf32, #tpu.memory_space<vmem_shared>>
          tpu.wait_indirect_dma semaphore(%run_scoped3A_276 : memref<!tpu.dma_semaphore, #tpu.memory_space<semaphore_mem>>) src(%dma_wait3A_290 : memref<128x64xf32, #tpu.memory_space<vmem>>) dst(%dma_wait3A_296 : memref<10240x64xf32, #tpu.memory_space<vmem_shared>>)
          tpu.yield
        }) : () -> ()
        %scan3A_224 = arith.constant 0 : i32
        %mul3A_225 = arith.constant 1 : i32
        %mul3A_226 = arith.muli %scan3A_224, %mul3A_225 : i32
        %add3A_227 = arith.constant 48 : i32
        %add3A_228 = arith.addi %add3A_227, %mul3A_226 : i32
        %dma_start3A_229 = arith.constant 0 : i32
        %dma_start3A_230 = arith.constant 0 : i32
        %dma_start3A_231 = arith.constant 0 : i32
        %dma_start3A_232 = tpu.memref_slice %arg11[%dma_start3A_229, %dma_start3A_230, %dma_start3A_231] : memref<4x128x64xf32, #tpu.memory_space<vmem>> -> memref<1x128x64xf32, #tpu.memory_space<vmem>>
        %dma_start3A_233 = tpu.memref_squeeze %dma_start3A_232 : memref<1x128x64xf32, #tpu.memory_space<vmem>> -> memref<128x64xf32, #tpu.memory_space<vmem>>
        %dma_start3A_234 = arith.constant 0 : i32
        %dma_start3A_235 = tpu.memref_slice %arg8[%add3A_228, %dma_start3A_234] : memref<49x128xi32, #tpu.memory_space<vmem>> -> memref<1x128xi32, #tpu.memory_space<vmem>>
        %dma_start3A_236 = tpu.memref_squeeze %dma_start3A_235 : memref<1x128xi32, #tpu.memory_space<vmem>> -> memref<128xi32, #tpu.memory_space<vmem>>
        %dma_start3A_237 = arith.constant 0 : i32
        %dma_start3A_238 = arith.constant 0 : i32
        %dma_start3A_239 = arith.constant 0 : i32
        %dma_start3A_240 = tpu.memref_slice %arg2[%scan3A_28, %dma_start3A_237, %dma_start3A_238, %dma_start3A_239] : memref<2x12x10000x64xf32, #tpu.memory_space<hbm>> -> memref<1x12x10000x64xf32, #tpu.memory_space<hbm>>
        %dma_start3A_241 = tpu.memref_squeeze %dma_start3A_240 : memref<1x12x10000x64xf32, #tpu.memory_space<hbm>> -> memref<12x10000x64xf32, #tpu.memory_space<hbm>>
        %dma_start3A_242 = arith.constant 0 : i32
        %dma_start3A_243 = arith.constant 0 : i32
        %dma_start3A_244 = tpu.memref_slice %dma_start3A_241[%add3A_38, %dma_start3A_242, %dma_start3A_243] : memref<12x10000x64xf32, #tpu.memory_space<hbm>> -> memref<1x10000x64xf32, #tpu.memory_space<hbm>>
        %dma_start3A_245 = tpu.memref_squeeze %dma_start3A_244 : memref<1x10000x64xf32, #tpu.memory_space<hbm>> -> memref<10000x64xf32, #tpu.memory_space<hbm>>
        %dma_start3A_246 = arith.constant 0 : i32
        %dma_start3A_247 = arith.constant 0 : i32
        %dma_start3A_248 = tpu.memref_slice %dma_start3A_245[%dma_start3A_246, %dma_start3A_247] : memref<10000x64xf32, #tpu.memory_space<hbm>> -> memref<10000x64xf32, #tpu.memory_space<hbm>>
        tpu.enqueue_indirect_dma source(%dma_start3A_248 : memref<10000x64xf32, #tpu.memory_space<hbm>>) target(%dma_start3A_233 : memref<128x64xf32, #tpu.memory_space<vmem>>) offsets(%dma_start3A_236 : memref<128xi32, #tpu.memory_space<vmem>>) semaphore(%arg15 : memref<!tpu.dma_semaphore, #tpu.memory_space<semaphore_mem>>)
        %dma_wait3A_249 = arith.constant 0 : i32
        %dma_wait3A_250 = arith.constant 0 : i32
        %dma_wait3A_251 = arith.constant 0 : i32
        %dma_wait3A_252 = tpu.memref_slice %arg11[%dma_wait3A_249, %dma_wait3A_250, %dma_wait3A_251] : memref<4x128x64xf32, #tpu.memory_space<vmem>> -> memref<1x128x64xf32, #tpu.memory_space<vmem>>
        %dma_wait3A_253 = tpu.memref_squeeze %dma_wait3A_252 : memref<1x128x64xf32, #tpu.memory_space<vmem>> -> memref<128x64xf32, #tpu.memory_space<vmem>>
        %dma_wait3A_254 = arith.constant 0 : i32
        %dma_wait3A_255 = tpu.memref_slice %arg8[%add3A_228, %dma_wait3A_254] : memref<49x128xi32, #tpu.memory_space<vmem>> -> memref<1x128xi32, #tpu.memory_space<vmem>>
        %dma_wait3A_256 = tpu.memref_squeeze %dma_wait3A_255 : memref<1x128xi32, #tpu.memory_space<vmem>> -> memref<128xi32, #tpu.memory_space<vmem>>
        %dma_wait3A_257 = arith.constant 0 : i32
        %dma_wait3A_258 = arith.constant 0 : i32
        %dma_wait3A_259 = arith.constant 0 : i32
        %dma_wait3A_260 = tpu.memref_slice %arg2[%scan3A_28, %dma_wait3A_257, %dma_wait3A_258, %dma_wait3A_259] : memref<2x12x10000x64xf32, #tpu.memory_space<hbm>> -> memref<1x12x10000x64xf32, #tpu.memory_space<hbm>>
        %dma_wait3A_261 = tpu.memref_squeeze %dma_wait3A_260 : memref<1x12x10000x64xf32, #tpu.memory_space<hbm>> -> memref<12x10000x64xf32, #tpu.memory_space<hbm>>
        %dma_wait3A_262 = arith.constant 0 : i32
        %dma_wait3A_263 = arith.constant 0 : i32
        %dma_wait3A_264 = tpu.memref_slice %dma_wait3A_261[%add3A_38, %dma_wait3A_262, %dma_wait3A_263] : memref<12x10000x64xf32, #tpu.memory_space<hbm>> -> memref<1x10000x64xf32, #tpu.memory_space<hbm>>
        %dma_wait3A_265 = tpu.memref_squeeze %dma_wait3A_264 : memref<1x10000x64xf32, #tpu.memory_space<hbm>> -> memref<10000x64xf32, #tpu.memory_space<hbm>>
        %dma_wait3A_266 = arith.constant 0 : i32
        %dma_wait3A_267 = arith.constant 0 : i32
        %dma_wait3A_268 = tpu.memref_slice %dma_wait3A_265[%dma_wait3A_266, %dma_wait3A_267] : memref<10000x64xf32, #tpu.memory_space<hbm>> -> memref<10000x64xf32, #tpu.memory_space<hbm>>
        tpu.wait_indirect_dma semaphore(%arg15 : memref<!tpu.dma_semaphore, #tpu.memory_space<semaphore_mem>>) src(%dma_wait3A_268 : memref<10000x64xf32, #tpu.memory_space<hbm>>) dst(%dma_wait3A_253 : memref<128x64xf32, #tpu.memory_space<vmem>>)
        %run_scoped3A_269 = arith.constant 0 : i32
        "tpu.region"() ({
          %run_scoped3A_276 = tpu.sem_alloc : memref<!tpu.dma_semaphore, #tpu.memory_space<semaphore_mem>>
          %dma_start3A_277 = arith.constant 0 : i32
          %dma_start3A_278 = arith.constant 0 : i32
          %dma_start3A_279 = tpu.memref_slice %arg11[%run_scoped3A_269, %dma_start3A_277, %dma_start3A_278] : memref<4x128x64xf32, #tpu.memory_space<vmem>> -> memref<1x128x64xf32, #tpu.memory_space<vmem>>
          %dma_start3A_280 = tpu.memref_squeeze %dma_start3A_279 : memref<1x128x64xf32, #tpu.memory_space<vmem>> -> memref<128x64xf32, #tpu.memory_space<vmem>>
          %dma_start3A_281 = arith.constant 0 : i32
          %dma_start3A_282 = tpu.memref_slice %arg9[%add3A_228, %dma_start3A_281] : memref<49x128xi32, #tpu.memory_space<vmem>> -> memref<1x128xi32, #tpu.memory_space<vmem>>
          %dma_start3A_283 = tpu.memref_squeeze %dma_start3A_282 : memref<1x128xi32, #tpu.memory_space<vmem>> -> memref<128xi32, #tpu.memory_space<vmem>>
          %dma_start3A_284 = arith.constant 0 : i32
          %dma_start3A_285 = arith.constant 0 : i32
          %dma_start3A_286 = tpu.memref_slice %arg14[%dma_start3A_284, %dma_start3A_285] : memref<10240x64xf32, #tpu.memory_space<vmem_shared>> -> memref<10240x64xf32, #tpu.memory_space<vmem_shared>>
          tpu.enqueue_indirect_dma source(%dma_start3A_280 : memref<128x64xf32, #tpu.memory_space<vmem>>) target(%dma_start3A_286 : memref<10240x64xf32, #tpu.memory_space<vmem_shared>>) offsets(%dma_start3A_283 : memref<128xi32, #tpu.memory_space<vmem>>) semaphore(%run_scoped3A_276 : memref<!tpu.dma_semaphore, #tpu.memory_space<semaphore_mem>>) {add = true}
          %dma_wait3A_287 = arith.constant 0 : i32
          %dma_wait3A_288 = arith.constant 0 : i32
          %dma_wait3A_289 = tpu.memref_slice %arg11[%run_scoped3A_269, %dma_wait3A_287, %dma_wait3A_288] : memref<4x128x64xf32, #tpu.memory_space<vmem>> -> memref<1x128x64xf32, #tpu.memory_space<vmem>>
          %dma_wait3A_290 = tpu.memref_squeeze %dma_wait3A_289 : memref<1x128x64xf32, #tpu.memory_space<vmem>> -> memref<128x64xf32, #tpu.memory_space<vmem>>
          %dma_wait3A_291 = arith.constant 0 : i32
          %dma_wait3A_292 = tpu.memref_slice %arg9[%add3A_228, %dma_wait3A_291] : memref<49x128xi32, #tpu.memory_space<vmem>> -> memref<1x128xi32, #tpu.memory_space<vmem>>
          %dma_wait3A_293 = tpu.memref_squeeze %dma_wait3A_292 : memref<1x128xi32, #tpu.memory_space<vmem>> -> memref<128xi32, #tpu.memory_space<vmem>>
          %dma_wait3A_294 = arith.constant 0 : i32
          %dma_wait3A_295 = arith.constant 0 : i32
          %dma_wait3A_296 = tpu.memref_slice %arg14[%dma_wait3A_294, %dma_wait3A_295] : memref<10240x64xf32, #tpu.memory_space<vmem_shared>> -> memref<10240x64xf32, #tpu.memory_space<vmem_shared>>
          tpu.wait_indirect_dma semaphore(%run_scoped3A_276 : memref<!tpu.dma_semaphore, #tpu.memory_space<semaphore_mem>>) src(%dma_wait3A_290 : memref<128x64xf32, #tpu.memory_space<vmem>>) dst(%dma_wait3A_296 : memref<10240x64xf32, #tpu.memory_space<vmem_shared>>)
          tpu.yield
        }) : () -> ()
        %scan3A_270 = arith.constant 1 : i32
        %barrier3A_271 = arith.constant 0 : index
        tpu.barrier barrier_id(%barrier3A_271)
        %mul3A_272 = arith.constant 640 : i32
        %mul3A_273 = arith.muli %arg1, %mul3A_272 : i32
        %mul3A_274 = arith.constant 640 : i32
        %mul3A_275 = arith.muli %arg1, %mul3A_274 : i32
        "tpu.region"() ({
          %run_scoped3A_276 = tpu.sem_alloc : memref<!tpu.dma_semaphore, #tpu.memory_space<semaphore_mem>>
          %dma_start3A_277 = arith.constant 0 : i32
          %dma_start3A_278 = arith.constant 0 : i32
          %dma_start3A_279 = arith.constant 0 : i32
          %dma_start3A_280 = tpu.memref_slice %arg6[%scan3A_29, %dma_start3A_277, %dma_start3A_278, %dma_start3A_279] : memref<2x12x10240x64xf32, #tpu.memory_space<hbm>> -> memref<1x12x10240x64xf32, #tpu.memory_space<hbm>>
          %dma_start3A_281 = tpu.memref_squeeze %dma_start3A_280 : memref<1x12x10240x64xf32, #tpu.memory_space<hbm>> -> memref<12x10240x64xf32, #tpu.memory_space<hbm>>
          %dma_start3A_282 = arith.constant 0 : i32
          %dma_start3A_283 = arith.constant 0 : i32
          %dma_start3A_284 = tpu.memref_slice %dma_start3A_281[%add3A_38, %dma_start3A_282, %dma_start3A_283] : memref<12x10240x64xf32, #tpu.memory_space<hbm>> -> memref<1x10240x64xf32, #tpu.memory_space<hbm>>
          %dma_start3A_285 = tpu.memref_squeeze %dma_start3A_284 : memref<1x10240x64xf32, #tpu.memory_space<hbm>> -> memref<10240x64xf32, #tpu.memory_space<hbm>>
          %dma_start3A_286 = arith.constant 0 : i32
          %dma_start3A_287 = tpu.memref_slice %dma_start3A_285[%mul3A_275, %dma_start3A_286] : memref<10240x64xf32, #tpu.memory_space<hbm>> -> memref<640x64xf32, #tpu.memory_space<hbm>>
          %dma_start3A_288 = arith.constant 0 : i32
          %dma_start3A_289 = tpu.memref_slice %arg14[%mul3A_273, %dma_start3A_288] : memref<10240x64xf32, #tpu.memory_space<vmem_shared>> -> memref<640x64xf32, #tpu.memory_space<vmem_shared>>
          tpu.enqueue_dma source(%dma_start3A_289 : memref<640x64xf32, #tpu.memory_space<vmem_shared>>) target(%dma_start3A_287 : memref<640x64xf32, #tpu.memory_space<hbm>>) target_semaphore(%run_scoped3A_276 : memref<!tpu.dma_semaphore, #tpu.memory_space<semaphore_mem>>)
          %dma_wait3A_290 = arith.constant 0 : i32
          %dma_wait3A_291 = arith.constant 0 : i32
          %dma_wait3A_292 = arith.constant 0 : i32
          %dma_wait3A_293 = tpu.memref_slice %arg6[%scan3A_29, %dma_wait3A_290, %dma_wait3A_291, %dma_wait3A_292] : memref<2x12x10240x64xf32, #tpu.memory_space<hbm>> -> memref<1x12x10240x64xf32, #tpu.memory_space<hbm>>
          %dma_wait3A_294 = tpu.memref_squeeze %dma_wait3A_293 : memref<1x12x10240x64xf32, #tpu.memory_space<hbm>> -> memref<12x10240x64xf32, #tpu.memory_space<hbm>>
          %dma_wait3A_295 = arith.constant 0 : i32
          %dma_wait3A_296 = arith.constant 0 : i32
          %dma_wait3A_297 = tpu.memref_slice %dma_wait3A_294[%add3A_38, %dma_wait3A_295, %dma_wait3A_296] : memref<12x10240x64xf32, #tpu.memory_space<hbm>> -> memref<1x10240x64xf32, #tpu.memory_space<hbm>>
          %dma_wait3A_298 = tpu.memref_squeeze %dma_wait3A_297 : memref<1x10240x64xf32, #tpu.memory_space<hbm>> -> memref<10240x64xf32, #tpu.memory_space<hbm>>
          %dma_wait3A_299 = arith.constant 0 : i32
          %dma_wait3A_300 = tpu.memref_slice %dma_wait3A_298[%mul3A_275, %dma_wait3A_299] : memref<10240x64xf32, #tpu.memory_space<hbm>> -> memref<640x64xf32, #tpu.memory_space<hbm>>
          %dma_wait3A_301 = arith.constant 0 : i32
          %dma_wait3A_302 = tpu.memref_slice %arg14[%mul3A_273, %dma_wait3A_301] : memref<10240x64xf32, #tpu.memory_space<vmem_shared>> -> memref<640x64xf32, #tpu.memory_space<vmem_shared>>
          tpu.wait_dma2 semaphore(%run_scoped3A_276 : memref<!tpu.dma_semaphore, #tpu.memory_space<semaphore_mem>>) src(%dma_wait3A_302 : memref<640x64xf32, #tpu.memory_space<vmem_shared>>) dst(%dma_wait3A_300 : memref<640x64xf32, #tpu.memory_space<hbm>>)
          tpu.yield
        }) : () -> ()
      }
      %scan3A_34 = arith.constant 12 : i32
    } else {
    }
    return
  }
}

module attributes {stable_mosaic.version = 14 : i64} {
  func.func @_mm_body(%arg0: i32, %arg1: i32, %arg2: memref<400x768xf32, #tpu.memory_space<vmem>>, %arg3: memref<1x768x768xf32, #tpu.memory_space<vmem>>, %arg4: memref<1x12x400x64xf32, #tpu.memory_space<vmem>>) attributes {dimension_semantics = [#tpu.dimension_semantics<arbitrary>, #tpu.dimension_semantics<arbitrary>], iteration_bounds = array<i64: 2, 25>, scalar_prefetch = 0 : i64, scratch_operands = 0 : i64, tpu.core_type = #tpu.core_type<tc>, window_params = [{transform_indices = @transform_0, window_bounds = array<i64: 400, 768>}, {transform_indices = @transform_1, window_bounds = array<i64: 1, 768, 768>}, {transform_indices = @transform_2, window_bounds = array<i64: 1, 12, 400, 64>}]} {
    %get3A = arith.constant 0 : index
    %get3A_0 = arith.constant 0 : index
    %get3A_1 = vector.load %arg2[%get3A, %get3A_0] : memref<400x768xf32, #tpu.memory_space<vmem>>, vector<400x768xf32>
    %get3A_2 = arith.constant 0 : index
    %get3A_3 = arith.constant 0 : index
    %get3A_4 = arith.constant 0 : index
    %get3A_5 = vector.load %arg3[%get3A_2, %get3A_3, %get3A_4] : memref<1x768x768xf32, #tpu.memory_space<vmem>>, vector<1x768x768xf32>
    %get3A_6 = vector.shape_cast %get3A_5 : vector<1x768x768xf32> to vector<768x768xf32>
    %dot_general3A = arith.constant dense<0.000000e+00> : vector<400x768xf32>
    %dot_general3A_7 = tpu.matmul %get3A_1, %get3A_6, %dot_general3A {dimension_numbers = #tpu.dot_dimension_numbers<[1], [0], [0], [1], [0, 0, 1, 1], [], []>, transpose_lhs_hint = false} : vector<400x768xf32>, vector<768x768xf32>, vector<400x768xf32> -> vector<400x768xf32>
    %slice3A = vector.extract_strided_slice %dot_general3A_7 {offsets = [0, 0], sizes = [400, 64], strides = [1, 1]} : vector<400x768xf32> to vector<400x64xf32>
    %swap3A = arith.constant 0 : index
    %swap3A_8 = arith.constant 0 : index
    %swap3A_9 = arith.constant 0 : index
    %swap3A_10 = arith.constant 0 : index
    %swap3A_11 = vector.load %arg4[%swap3A, %swap3A_8, %swap3A_9, %swap3A_10] : memref<1x12x400x64xf32, #tpu.memory_space<vmem>>, vector<1x1x400x64xf32>
    %swap3A_12 = vector.shape_cast %swap3A_11 : vector<1x1x400x64xf32> to vector<400x64xf32>
    %swap3A_13 = vector.shape_cast %slice3A : vector<400x64xf32> to vector<1x1x400x64xf32>
    tpu.vector_store %arg4[%swap3A, %swap3A_8, %swap3A_9, %swap3A_10], %swap3A_13 {strides = array<i32>} : memref<1x12x400x64xf32, #tpu.memory_space<vmem>>, vector<1x1x400x64xf32>,
    %slice3A_14 = vector.extract_strided_slice %dot_general3A_7 {offsets = [0, 64], sizes = [400, 64], strides = [1, 1]} : vector<400x768xf32> to vector<400x64xf32>
    %swap3A_15 = arith.constant 0 : index
    %swap3A_16 = arith.constant 1 : index
    %swap3A_17 = arith.constant 0 : index
    %swap3A_18 = arith.constant 0 : index
    %swap3A_19 = vector.load %arg4[%swap3A_15, %swap3A_16, %swap3A_17, %swap3A_18] : memref<1x12x400x64xf32, #tpu.memory_space<vmem>>, vector<1x1x400x64xf32>
    %swap3A_20 = vector.shape_cast %swap3A_19 : vector<1x1x400x64xf32> to vector<400x64xf32>
    %swap3A_21 = vector.shape_cast %slice3A_14 : vector<400x64xf32> to vector<1x1x400x64xf32>
    tpu.vector_store %arg4[%swap3A_15, %swap3A_16, %swap3A_17, %swap3A_18], %swap3A_21 {strides = array<i32>} : memref<1x12x400x64xf32, #tpu.memory_space<vmem>>, vector<1x1x400x64xf32>,
    %slice3A_22 = vector.extract_strided_slice %dot_general3A_7 {offsets = [0, 128], sizes = [400, 64], strides = [1, 1]} : vector<400x768xf32> to vector<400x64xf32>
    %swap3A_23 = arith.constant 0 : index
    %swap3A_24 = arith.constant 2 : index
    %swap3A_25 = arith.constant 0 : index
    %swap3A_26 = arith.constant 0 : index
    %swap3A_27 = vector.load %arg4[%swap3A_23, %swap3A_24, %swap3A_25, %swap3A_26] : memref<1x12x400x64xf32, #tpu.memory_space<vmem>>, vector<1x1x400x64xf32>
    %swap3A_28 = vector.shape_cast %swap3A_27 : vector<1x1x400x64xf32> to vector<400x64xf32>
    %swap3A_29 = vector.shape_cast %slice3A_22 : vector<400x64xf32> to vector<1x1x400x64xf32>
    tpu.vector_store %arg4[%swap3A_23, %swap3A_24, %swap3A_25, %swap3A_26], %swap3A_29 {strides = array<i32>} : memref<1x12x400x64xf32, #tpu.memory_space<vmem>>, vector<1x1x400x64xf32>,
    %slice3A_30 = vector.extract_strided_slice %dot_general3A_7 {offsets = [0, 192], sizes = [400, 64], strides = [1, 1]} : vector<400x768xf32> to vector<400x64xf32>
    %swap3A_31 = arith.constant 0 : index
    %swap3A_32 = arith.constant 3 : index
    %swap3A_33 = arith.constant 0 : index
    %swap3A_34 = arith.constant 0 : index
    %swap3A_35 = vector.load %arg4[%swap3A_31, %swap3A_32, %swap3A_33, %swap3A_34] : memref<1x12x400x64xf32, #tpu.memory_space<vmem>>, vector<1x1x400x64xf32>
    %swap3A_36 = vector.shape_cast %swap3A_35 : vector<1x1x400x64xf32> to vector<400x64xf32>
    %swap3A_37 = vector.shape_cast %slice3A_30 : vector<400x64xf32> to vector<1x1x400x64xf32>
    tpu.vector_store %arg4[%swap3A_31, %swap3A_32, %swap3A_33, %swap3A_34], %swap3A_37 {strides = array<i32>} : memref<1x12x400x64xf32, #tpu.memory_space<vmem>>, vector<1x1x400x64xf32>,
    %slice3A_38 = vector.extract_strided_slice %dot_general3A_7 {offsets = [0, 256], sizes = [400, 64], strides = [1, 1]} : vector<400x768xf32> to vector<400x64xf32>
    %swap3A_39 = arith.constant 0 : index
    %swap3A_40 = arith.constant 4 : index
    %swap3A_41 = arith.constant 0 : index
    %swap3A_42 = arith.constant 0 : index
    %swap3A_43 = vector.load %arg4[%swap3A_39, %swap3A_40, %swap3A_41, %swap3A_42] : memref<1x12x400x64xf32, #tpu.memory_space<vmem>>, vector<1x1x400x64xf32>
    %swap3A_44 = vector.shape_cast %swap3A_43 : vector<1x1x400x64xf32> to vector<400x64xf32>
    %swap3A_45 = vector.shape_cast %slice3A_38 : vector<400x64xf32> to vector<1x1x400x64xf32>
    tpu.vector_store %arg4[%swap3A_39, %swap3A_40, %swap3A_41, %swap3A_42], %swap3A_45 {strides = array<i32>} : memref<1x12x400x64xf32, #tpu.memory_space<vmem>>, vector<1x1x400x64xf32>,
    %slice3A_46 = vector.extract_strided_slice %dot_general3A_7 {offsets = [0, 320], sizes = [400, 64], strides = [1, 1]} : vector<400x768xf32> to vector<400x64xf32>
    %swap3A_47 = arith.constant 0 : index
    %swap3A_48 = arith.constant 5 : index
    %swap3A_49 = arith.constant 0 : index
    %swap3A_50 = arith.constant 0 : index
    %swap3A_51 = vector.load %arg4[%swap3A_47, %swap3A_48, %swap3A_49, %swap3A_50] : memref<1x12x400x64xf32, #tpu.memory_space<vmem>>, vector<1x1x400x64xf32>
    %swap3A_52 = vector.shape_cast %swap3A_51 : vector<1x1x400x64xf32> to vector<400x64xf32>
    %swap3A_53 = vector.shape_cast %slice3A_46 : vector<400x64xf32> to vector<1x1x400x64xf32>
    tpu.vector_store %arg4[%swap3A_47, %swap3A_48, %swap3A_49, %swap3A_50], %swap3A_53 {strides = array<i32>} : memref<1x12x400x64xf32, #tpu.memory_space<vmem>>, vector<1x1x400x64xf32>,
    %slice3A_54 = vector.extract_strided_slice %dot_general3A_7 {offsets = [0, 384], sizes = [400, 64], strides = [1, 1]} : vector<400x768xf32> to vector<400x64xf32>
    %swap3A_55 = arith.constant 0 : index
    %swap3A_56 = arith.constant 6 : index
    %swap3A_57 = arith.constant 0 : index
    %swap3A_58 = arith.constant 0 : index
    %swap3A_59 = vector.load %arg4[%swap3A_55, %swap3A_56, %swap3A_57, %swap3A_58] : memref<1x12x400x64xf32, #tpu.memory_space<vmem>>, vector<1x1x400x64xf32>
    %swap3A_60 = vector.shape_cast %swap3A_59 : vector<1x1x400x64xf32> to vector<400x64xf32>
    %swap3A_61 = vector.shape_cast %slice3A_54 : vector<400x64xf32> to vector<1x1x400x64xf32>
    tpu.vector_store %arg4[%swap3A_55, %swap3A_56, %swap3A_57, %swap3A_58], %swap3A_61 {strides = array<i32>} : memref<1x12x400x64xf32, #tpu.memory_space<vmem>>, vector<1x1x400x64xf32>,
    %slice3A_62 = vector.extract_strided_slice %dot_general3A_7 {offsets = [0, 448], sizes = [400, 64], strides = [1, 1]} : vector<400x768xf32> to vector<400x64xf32>
    %swap3A_63 = arith.constant 0 : index
    %swap3A_64 = arith.constant 7 : index
    %swap3A_65 = arith.constant 0 : index
    %swap3A_66 = arith.constant 0 : index
    %swap3A_67 = vector.load %arg4[%swap3A_63, %swap3A_64, %swap3A_65, %swap3A_66] : memref<1x12x400x64xf32, #tpu.memory_space<vmem>>, vector<1x1x400x64xf32>
    %swap3A_68 = vector.shape_cast %swap3A_67 : vector<1x1x400x64xf32> to vector<400x64xf32>
    %swap3A_69 = vector.shape_cast %slice3A_62 : vector<400x64xf32> to vector<1x1x400x64xf32>
    tpu.vector_store %arg4[%swap3A_63, %swap3A_64, %swap3A_65, %swap3A_66], %swap3A_69 {strides = array<i32>} : memref<1x12x400x64xf32, #tpu.memory_space<vmem>>, vector<1x1x400x64xf32>,
    %slice3A_70 = vector.extract_strided_slice %dot_general3A_7 {offsets = [0, 512], sizes = [400, 64], strides = [1, 1]} : vector<400x768xf32> to vector<400x64xf32>
    %swap3A_71 = arith.constant 0 : index
    %swap3A_72 = arith.constant 8 : index
    %swap3A_73 = arith.constant 0 : index
    %swap3A_74 = arith.constant 0 : index
    %swap3A_75 = vector.load %arg4[%swap3A_71, %swap3A_72, %swap3A_73, %swap3A_74] : memref<1x12x400x64xf32, #tpu.memory_space<vmem>>, vector<1x1x400x64xf32>
    %swap3A_76 = vector.shape_cast %swap3A_75 : vector<1x1x400x64xf32> to vector<400x64xf32>
    %swap3A_77 = vector.shape_cast %slice3A_70 : vector<400x64xf32> to vector<1x1x400x64xf32>
    tpu.vector_store %arg4[%swap3A_71, %swap3A_72, %swap3A_73, %swap3A_74], %swap3A_77 {strides = array<i32>} : memref<1x12x400x64xf32, #tpu.memory_space<vmem>>, vector<1x1x400x64xf32>,
    %slice3A_78 = vector.extract_strided_slice %dot_general3A_7 {offsets = [0, 576], sizes = [400, 64], strides = [1, 1]} : vector<400x768xf32> to vector<400x64xf32>
    %swap3A_79 = arith.constant 0 : index
    %swap3A_80 = arith.constant 9 : index
    %swap3A_81 = arith.constant 0 : index
    %swap3A_82 = arith.constant 0 : index
    %swap3A_83 = vector.load %arg4[%swap3A_79, %swap3A_80, %swap3A_81, %swap3A_82] : memref<1x12x400x64xf32, #tpu.memory_space<vmem>>, vector<1x1x400x64xf32>
    %swap3A_84 = vector.shape_cast %swap3A_83 : vector<1x1x400x64xf32> to vector<400x64xf32>
    %swap3A_85 = vector.shape_cast %slice3A_78 : vector<400x64xf32> to vector<1x1x400x64xf32>
    tpu.vector_store %arg4[%swap3A_79, %swap3A_80, %swap3A_81, %swap3A_82], %swap3A_85 {strides = array<i32>} : memref<1x12x400x64xf32, #tpu.memory_space<vmem>>, vector<1x1x400x64xf32>,
    %slice3A_86 = vector.extract_strided_slice %dot_general3A_7 {offsets = [0, 640], sizes = [400, 64], strides = [1, 1]} : vector<400x768xf32> to vector<400x64xf32>
    %swap3A_87 = arith.constant 0 : index
    %swap3A_88 = arith.constant 10 : index
    %swap3A_89 = arith.constant 0 : index
    %swap3A_90 = arith.constant 0 : index
    %swap3A_91 = vector.load %arg4[%swap3A_87, %swap3A_88, %swap3A_89, %swap3A_90] : memref<1x12x400x64xf32, #tpu.memory_space<vmem>>, vector<1x1x400x64xf32>
    %swap3A_92 = vector.shape_cast %swap3A_91 : vector<1x1x400x64xf32> to vector<400x64xf32>
    %swap3A_93 = vector.shape_cast %slice3A_86 : vector<400x64xf32> to vector<1x1x400x64xf32>
    tpu.vector_store %arg4[%swap3A_87, %swap3A_88, %swap3A_89, %swap3A_90], %swap3A_93 {strides = array<i32>} : memref<1x12x400x64xf32, #tpu.memory_space<vmem>>, vector<1x1x400x64xf32>,
    %slice3A_94 = vector.extract_strided_slice %dot_general3A_7 {offsets = [0, 704], sizes = [400, 64], strides = [1, 1]} : vector<400x768xf32> to vector<400x64xf32>
    %swap3A_95 = arith.constant 0 : index
    %swap3A_96 = arith.constant 11 : index
    %swap3A_97 = arith.constant 0 : index
    %swap3A_98 = arith.constant 0 : index
    %swap3A_99 = vector.load %arg4[%swap3A_95, %swap3A_96, %swap3A_97, %swap3A_98] : memref<1x12x400x64xf32, #tpu.memory_space<vmem>>, vector<1x1x400x64xf32>
    %swap3A_100 = vector.shape_cast %swap3A_99 : vector<1x1x400x64xf32> to vector<400x64xf32>
    %swap3A_101 = vector.shape_cast %slice3A_94 : vector<400x64xf32> to vector<1x1x400x64xf32>
    tpu.vector_store %arg4[%swap3A_95, %swap3A_96, %swap3A_97, %swap3A_98], %swap3A_101 {strides = array<i32>} : memref<1x12x400x64xf32, #tpu.memory_space<vmem>>, vector<1x1x400x64xf32>,
    return
  }
  func.func @transform_0(%arg0: i32, %arg1: i32) -> (i32, i32) {
    %c0_i32 = arith.constant 0 : i32
    %c0_i32_0 = arith.constant 0 : i32
    return %arg1, %c0_i32 : i32, i32
  }
  func.func @transform_1(%arg0: i32, %arg1: i32) -> (i32, i32, i32) {
    %c0_i32 = arith.constant 0 : i32
    %c0_i32_0 = arith.constant 0 : i32
    %c0_i32_1 = arith.constant 0 : i32
    return %arg0, %c0_i32, %c0_i32_0 : i32, i32, i32
  }
  func.func @transform_2(%arg0: i32, %arg1: i32) -> (i32, i32, i32, i32) {
    %c0_i32 = arith.constant 0 : i32
    %c0_i32_0 = arith.constant 0 : i32
    %c0_i32_1 = arith.constant 0 : i32
    return %arg0, %c0_i32, %arg1, %c0_i32_0 : i32, i32, i32, i32
  }
}

module attributes {stable_mosaic.version = 14 : i64} {
  func.func @_combine_body(%arg0: i32, %arg1: i32, %arg2: memref<1x2x400x64xf32, #tpu.memory_space<vmem>>, %arg3: memref<1x2x400x64xf32, #tpu.memory_space<vmem>>, %arg4: memref<1x400x64xf32, #tpu.memory_space<vmem>>, %arg5: memref<1x1x128xf32, #tpu.memory_space<vmem>>, %arg6: memref<400x128xf32, #tpu.memory_space<vmem>>) attributes {dimension_semantics = [#tpu.dimension_semantics<arbitrary>, #tpu.dimension_semantics<arbitrary>], iteration_bounds = array<i64: 25, 6>, scalar_prefetch = 0 : i64, scratch_operands = 0 : i64, tpu.core_type = #tpu.core_type<tc>, window_params = [{transform_indices = @transform_0, window_bounds = array<i64: 1, 2, 400, 64>}, {transform_indices = @transform_1, window_bounds = array<i64: 1, 2, 400, 64>}, {transform_indices = @transform_2, window_bounds = array<i64: 1, 400, 64>}, {transform_indices = @transform_3, window_bounds = array<i64: 1, 1, 128>}, {transform_indices = @transform_4, window_bounds = array<i64: 400, 128>}]} {
    %get3A = arith.constant 0 : index
    %get3A_0 = arith.constant 0 : index
    %get3A_1 = arith.constant 0 : index
    %get3A_2 = vector.load %arg4[%get3A, %get3A_0, %get3A_1] : memref<1x400x64xf32, #tpu.memory_space<vmem>>, vector<1x400x64xf32>
    %get3A_3 = vector.shape_cast %get3A_2 : vector<1x400x64xf32> to vector<400x64xf32>
    %slice3A = vector.extract_strided_slice %get3A_3 {offsets = [0, 0], sizes = [400, 1], strides = [1, 1]} : vector<400x64xf32> to vector<400x1xf32>
    %eq3A = arith.constant 0.000000e+00 : f32
    %eq3A_4 = vector.broadcast %eq3A : f32 to vector<400x1xf32>
    %eq3A_5 = arith.cmpf oeq, %slice3A, %eq3A_4 : vector<400x1xf32>
    %convert_element_type3A = arith.extui %eq3A_5 : vector<400x1xi1> to vector<400x1xi32>
    %convert_element_type3A_6 = arith.sitofp %convert_element_type3A : vector<400x1xi32> to vector<400x1xf32>
    %get3A_7 = arith.constant 0 : index
    %get3A_8 = arith.constant 0 : index
    %get3A_9 = arith.constant 0 : index
    %get3A_10 = arith.constant 0 : index
    %get3A_11 = vector.load %arg2[%get3A_7, %get3A_8, %get3A_9, %get3A_10] : memref<1x2x400x64xf32, #tpu.memory_space<vmem>>, vector<1x1x400x64xf32>
    %get3A_12 = vector.shape_cast %get3A_11 : vector<1x1x400x64xf32> to vector<400x64xf32>
    %get3A_13 = arith.constant 0 : index
    %get3A_14 = arith.constant 1 : index
    %get3A_15 = arith.constant 0 : index
    %get3A_16 = arith.constant 0 : index
    %get3A_17 = vector.load %arg2[%get3A_13, %get3A_14, %get3A_15, %get3A_16] : memref<1x2x400x64xf32, #tpu.memory_space<vmem>>, vector<1x1x400x64xf32>
    %get3A_18 = vector.shape_cast %get3A_17 : vector<1x1x400x64xf32> to vector<400x64xf32>
    %concatenate3A = tpu.concatenate %get3A_12, %get3A_18 in 1 : vector<400x64xf32>, vector<400x64xf32> -> vector<400x128xf32>
    %get3A_19 = arith.constant 0 : index
    %get3A_20 = arith.constant 0 : index
    %get3A_21 = arith.constant 0 : index
    %get3A_22 = arith.constant 0 : index
    %get3A_23 = vector.load %arg3[%get3A_19, %get3A_20, %get3A_21, %get3A_22] : memref<1x2x400x64xf32, #tpu.memory_space<vmem>>, vector<1x1x400x64xf32>
    %get3A_24 = vector.shape_cast %get3A_23 : vector<1x1x400x64xf32> to vector<400x64xf32>
    %get3A_25 = arith.constant 0 : index
    %get3A_26 = arith.constant 1 : index
    %get3A_27 = arith.constant 0 : index
    %get3A_28 = arith.constant 0 : index
    %get3A_29 = vector.load %arg3[%get3A_25, %get3A_26, %get3A_27, %get3A_28] : memref<1x2x400x64xf32, #tpu.memory_space<vmem>>, vector<1x1x400x64xf32>
    %get3A_30 = vector.shape_cast %get3A_29 : vector<1x1x400x64xf32> to vector<400x64xf32>
    %concatenate3A_31 = tpu.concatenate %get3A_24, %get3A_30 in 1 : vector<400x64xf32>, vector<400x64xf32> -> vector<400x128xf32>
    %mul3A = vector.broadcast %convert_element_type3A_6 : vector<400x1xf32> to vector<400x128xf32>
    %mul3A_32 = arith.mulf %concatenate3A, %mul3A : vector<400x128xf32>
    %add3A = arith.addf %mul3A_32, %concatenate3A_31 : vector<400x128xf32>
    %get3A_33 = arith.constant 0 : index
    %get3A_34 = arith.constant 0 : index
    %get3A_35 = arith.constant 0 : index
    %get3A_36 = vector.load %arg5[%get3A_33, %get3A_34, %get3A_35] : memref<1x1x128xf32, #tpu.memory_space<vmem>>, vector<1x1x128xf32>
    %get3A_37 = vector.shape_cast %get3A_36 : vector<1x1x128xf32> to vector<1x128xf32>
    %add3A_38 = vector.broadcast %get3A_37 : vector<1x128xf32> to vector<400x128xf32>
    %add3A_39 = arith.addf %add3A, %add3A_38 : vector<400x128xf32>
    %max3A = arith.constant 0.000000e+00 : f32
    %max3A_40 = vector.broadcast %max3A : f32 to vector<400x128xf32>
    %max3A_41 = arith.maximumf %add3A_39, %max3A_40 : vector<400x128xf32>
    %swap3A = arith.constant 0 : index
    %swap3A_42 = arith.constant 0 : index
    %swap3A_43 = vector.load %arg6[%swap3A, %swap3A_42] : memref<400x128xf32, #tpu.memory_space<vmem>>, vector<400x128xf32>
    tpu.vector_store %arg6[%swap3A, %swap3A_42], %max3A_41 {strides = array<i32>} : memref<400x128xf32, #tpu.memory_space<vmem>>, vector<400x128xf32>,
    return
  }
  func.func @transform_0(%arg0: i32, %arg1: i32) -> (i32, i32, i32, i32) {
    %c0_i32 = arith.constant 0 : i32
    %c0_i32_0 = arith.constant 0 : i32
    %c0_i32_1 = arith.constant 0 : i32
    return %c0_i32, %arg1, %arg0, %c0_i32_0 : i32, i32, i32, i32
  }
  func.func @transform_1(%arg0: i32, %arg1: i32) -> (i32, i32, i32, i32) {
    %c0_i32 = arith.constant 0 : i32
    %c0_i32_0 = arith.constant 0 : i32
    %c0_i32_1 = arith.constant 0 : i32
    return %c0_i32, %arg1, %arg0, %c0_i32_0 : i32, i32, i32, i32
  }
  func.func @transform_2(%arg0: i32, %arg1: i32) -> (i32, i32, i32) {
    %c0_i32 = arith.constant 0 : i32
    %c0_i32_0 = arith.constant 0 : i32
    %c0_i32_1 = arith.constant 0 : i32
    return %c0_i32, %arg0, %c0_i32_0 : i32, i32, i32
  }
  func.func @transform_3(%arg0: i32, %arg1: i32) -> (i32, i32, i32) {
    %c0_i32 = arith.constant 0 : i32
    %c0_i32_0 = arith.constant 0 : i32
    %c0_i32_1 = arith.constant 0 : i32
    return %arg1, %c0_i32, %c0_i32_0 : i32, i32, i32
  }
  func.func @transform_4(%arg0: i32, %arg1: i32) -> (i32, i32) {
    %c0_i32 = arith.constant 0 : i32
    return %arg0, %arg1 : i32, i32
  }
}

module attributes {stable_mosaic.version = 14 : i64} {
  func.func @_combine_body(%arg0: i32, %arg1: i32, %arg2: memref<1x2x400x64xf32, #tpu.memory_space<vmem>>, %arg3: memref<1x2x400x64xf32, #tpu.memory_space<vmem>>, %arg4: memref<1x400x64xf32, #tpu.memory_space<vmem>>, %arg5: memref<1x1x128xf32, #tpu.memory_space<vmem>>, %arg6: memref<400x128xf32, #tpu.memory_space<vmem>>) attributes {dimension_semantics = [#tpu.dimension_semantics<arbitrary>, #tpu.dimension_semantics<arbitrary>], iteration_bounds = array<i64: 25, 6>, scalar_prefetch = 0 : i64, scratch_operands = 0 : i64, tpu.core_type = #tpu.core_type<tc>, window_params = [{transform_indices = @transform_0, window_bounds = array<i64: 1, 2, 400, 64>}, {transform_indices = @transform_1, window_bounds = array<i64: 1, 2, 400, 64>}, {transform_indices = @transform_2, window_bounds = array<i64: 1, 400, 64>}, {transform_indices = @transform_3, window_bounds = array<i64: 1, 1, 128>}, {transform_indices = @transform_4, window_bounds = array<i64: 400, 128>}]} {
    %get3A = arith.constant 0 : index
    %get3A_0 = arith.constant 0 : index
    %get3A_1 = arith.constant 0 : index
    %get3A_2 = vector.load %arg4[%get3A, %get3A_0, %get3A_1] : memref<1x400x64xf32, #tpu.memory_space<vmem>>, vector<1x400x64xf32>
    %get3A_3 = vector.shape_cast %get3A_2 : vector<1x400x64xf32> to vector<400x64xf32>
    %slice3A = vector.extract_strided_slice %get3A_3 {offsets = [0, 0], sizes = [400, 1], strides = [1, 1]} : vector<400x64xf32> to vector<400x1xf32>
    %eq3A = arith.constant 0.000000e+00 : f32
    %eq3A_4 = vector.broadcast %eq3A : f32 to vector<400x1xf32>
    %eq3A_5 = arith.cmpf oeq, %slice3A, %eq3A_4 : vector<400x1xf32>
    %convert_element_type3A = arith.extui %eq3A_5 : vector<400x1xi1> to vector<400x1xi32>
    %convert_element_type3A_6 = arith.sitofp %convert_element_type3A : vector<400x1xi32> to vector<400x1xf32>
    %get3A_7 = arith.constant 0 : index
    %get3A_8 = arith.constant 0 : index
    %get3A_9 = arith.constant 0 : index
    %get3A_10 = arith.constant 0 : index
    %get3A_11 = vector.load %arg2[%get3A_7, %get3A_8, %get3A_9, %get3A_10] : memref<1x2x400x64xf32, #tpu.memory_space<vmem>>, vector<1x1x400x64xf32>
    %get3A_12 = vector.shape_cast %get3A_11 : vector<1x1x400x64xf32> to vector<400x64xf32>
    %get3A_13 = arith.constant 0 : index
    %get3A_14 = arith.constant 1 : index
    %get3A_15 = arith.constant 0 : index
    %get3A_16 = arith.constant 0 : index
    %get3A_17 = vector.load %arg2[%get3A_13, %get3A_14, %get3A_15, %get3A_16] : memref<1x2x400x64xf32, #tpu.memory_space<vmem>>, vector<1x1x400x64xf32>
    %get3A_18 = vector.shape_cast %get3A_17 : vector<1x1x400x64xf32> to vector<400x64xf32>
    %concatenate3A = tpu.concatenate %get3A_12, %get3A_18 in 1 : vector<400x64xf32>, vector<400x64xf32> -> vector<400x128xf32>
    %get3A_19 = arith.constant 0 : index
    %get3A_20 = arith.constant 0 : index
    %get3A_21 = arith.constant 0 : index
    %get3A_22 = arith.constant 0 : index
    %get3A_23 = vector.load %arg3[%get3A_19, %get3A_20, %get3A_21, %get3A_22] : memref<1x2x400x64xf32, #tpu.memory_space<vmem>>, vector<1x1x400x64xf32>
    %get3A_24 = vector.shape_cast %get3A_23 : vector<1x1x400x64xf32> to vector<400x64xf32>
    %get3A_25 = arith.constant 0 : index
    %get3A_26 = arith.constant 1 : index
    %get3A_27 = arith.constant 0 : index
    %get3A_28 = arith.constant 0 : index
    %get3A_29 = vector.load %arg3[%get3A_25, %get3A_26, %get3A_27, %get3A_28] : memref<1x2x400x64xf32, #tpu.memory_space<vmem>>, vector<1x1x400x64xf32>
    %get3A_30 = vector.shape_cast %get3A_29 : vector<1x1x400x64xf32> to vector<400x64xf32>
    %concatenate3A_31 = tpu.concatenate %get3A_24, %get3A_30 in 1 : vector<400x64xf32>, vector<400x64xf32> -> vector<400x128xf32>
    %mul3A = vector.broadcast %convert_element_type3A_6 : vector<400x1xf32> to vector<400x128xf32>
    %mul3A_32 = arith.mulf %concatenate3A, %mul3A : vector<400x128xf32>
    %add3A = arith.addf %mul3A_32, %concatenate3A_31 : vector<400x128xf32>
    %get3A_33 = arith.constant 0 : index
    %get3A_34 = arith.constant 0 : index
    %get3A_35 = arith.constant 0 : index
    %get3A_36 = vector.load %arg5[%get3A_33, %get3A_34, %get3A_35] : memref<1x1x128xf32, #tpu.memory_space<vmem>>, vector<1x1x128xf32>
    %get3A_37 = vector.shape_cast %get3A_36 : vector<1x1x128xf32> to vector<1x128xf32>
    %add3A_38 = vector.broadcast %get3A_37 : vector<1x128xf32> to vector<400x128xf32>
    %add3A_39 = arith.addf %add3A, %add3A_38 : vector<400x128xf32>
    %max3A = arith.constant 0.000000e+00 : f32
    %max3A_40 = vector.broadcast %max3A : f32 to vector<400x128xf32>
    %max3A_41 = arith.maximumf %add3A_39, %max3A_40 : vector<400x128xf32>
    %swap3A = arith.constant 0 : index
    %swap3A_42 = arith.constant 0 : index
    %swap3A_43 = vector.load %arg6[%swap3A, %swap3A_42] : memref<400x128xf32, #tpu.memory_space<vmem>>, vector<400x128xf32>
    tpu.vector_store %arg6[%swap3A, %swap3A_42], %max3A_41 {strides = array<i32>} : memref<400x128xf32, #tpu.memory_space<vmem>>, vector<400x128xf32>,
    return
  }
  func.func @transform_0(%arg0: i32, %arg1: i32) -> (i32, i32, i32, i32) {
    %c1_i32 = arith.constant 1 : i32
    %c0_i32 = arith.constant 0 : i32
    %c0_i32_0 = arith.constant 0 : i32
    return %c1_i32, %arg1, %arg0, %c0_i32 : i32, i32, i32, i32
  }
  func.func @transform_1(%arg0: i32, %arg1: i32) -> (i32, i32, i32, i32) {
    %c1_i32 = arith.constant 1 : i32
    %c0_i32 = arith.constant 0 : i32
    %c0_i32_0 = arith.constant 0 : i32
    return %c1_i32, %arg1, %arg0, %c0_i32 : i32, i32, i32, i32
  }
  func.func @transform_2(%arg0: i32, %arg1: i32) -> (i32, i32, i32) {
    %c1_i32 = arith.constant 1 : i32
    %c0_i32 = arith.constant 0 : i32
    %c0_i32_0 = arith.constant 0 : i32
    return %c1_i32, %arg0, %c0_i32 : i32, i32, i32
  }
  func.func @transform_3(%arg0: i32, %arg1: i32) -> (i32, i32, i32) {
    %c0_i32 = arith.constant 0 : i32
    %c0_i32_0 = arith.constant 0 : i32
    %c0_i32_1 = arith.constant 0 : i32
    return %arg1, %c0_i32, %c0_i32_0 : i32, i32, i32
  }
  func.func @transform_4(%arg0: i32, %arg1: i32) -> (i32, i32) {
    %c0_i32 = arith.constant 0 : i32
    return %arg0, %arg1 : i32, i32
  }
}

</mosaic_0001>

<sc_bundles>
// kernel: kernel.6.cloned.1.call-start
scs
__scs_entry_jumppad:
0x0: {  	(pc) =	sbr.rel $0x88, $3  }
0x1: {  	(tag) =	ssettag $0x0;
	lr =	simm.s32 $0x1  }
0x2: {  	[smem:$0x3F9A] =	sst lr;
	_ =	strace $0xD0000000  }
0x3: {  	_ = 	snop  }
0x4: {  	_ = 	snop  }
0x5: {  	_ = 	snop  }
0x6: {  	_ = 	snop  }
0x7: {  	_ = 	snop  }
__scs_overlays_trampoline_lowered:
0x8: {  	[smem:$0x3FA9] =	sst s0  }
0x9: {  	[smem:$0x3FAA] =	sst s1  }
0xa: {  	[smem:$0x3FAB] =	sst s2  }
0xb: {  	[smem:$0x3FAC] =	sst s3  }
0xc: {  	[smem:$0x3FAD] =	sst s4  }
0xd: {  	[smem:$0x3FAE] =	sst s5  }
0xe: {  	[smem:$0x3FAF] =	sst s6  }
0xf: {  	[smem:$0x3FB0] =	sst s7  }
0x10: {  	[smem:$0x3FB1] =	sst s8  }
0x11: {  	[smem:$0x3FB2] =	sst s9;
	s0 =	simm.s32 @!p0 $0x0  }
0x12: {  	s1 =	sld [smem:$0x3F98];
	s0 =	simm.s32 @p0 $0x1  }
0x13: {  	[smem:$0x3FB3] =	sst s0;
	s0 =	simm.s32 @!p1 $0x0  }
0x14: {  	s2 =	sld [smem:$0x3F97];
	s0 =	simm.s32 @p1 $0x1  }
0x15: {  	[smem:$0x3FB4] =	sst s0;
	s0 =	simm.s32 @!p2 $0x0  }
0x16: {  	s3 =	sld [smem:$0x3FDB];
	s0 =	simm.s32 @p2 $0x1  }
0x17: {  	s4 =	simm.s32 $0x1BF5;
	[smem:$0x3FB6] =	sst s0  }
0x18: {  	s0 =	sld [smem:$0x3F99];
	_ =	swait.ge [sflag:s4], $0x0  }
0x19: {  	s7 =	sld [smem:$0x3F9A]  }
0x1a: {  	s8 =	sadd.s32 $0xFFFFE003, lr  }
0x1b: {  	s9 =	sadd.s32 $0xFFFFFEF7, lr;
	s5 =	simm.s32 $0xFFFFFFFF;
	p2 =	slt.u32 s8, $0xFFFFF086  }
0x1c: {  	p1 =	slt.u32 s9, $0xF7A;
	s5 =	simm.s32 @!p2 $0x0  }
0x1d: {  	s5 =	simm.s32 @p1 $0x1;
	p0 =	seq.s32 s7, s2  }
0x1e: {  	s7 =	smul.u32 @!p0 $0xF7A, s2;
	p2 =	seq.s32 @!p0 s5, $0x0  }
0x1f: {  	s9 =	smul.u32 $0xF7A, s1;
	s8 =	simm.s32 @!p0 $0x1BF5;
	p2 =	por !p2, p0  }
0x20: {  	[sflag:s8] =	ssyncset.s32 @!p0 $0xFFFFF086;
	s6 =	sadd.s32 @!p0 s3, s7;
	s7 =	simm.s32 @!p0 $0x108  }
0x21: {  	s3 =	sadd.s32 s3, s9;
	s6 =	sadd.s32 @!p0 $0x88, s6;
	s7 =	simm.s32 @p2 $0x1082  }
0x22: {  	[simem:s7], [sflag:s8] =	dma.local @!p0 [hbm:s6], $0xF7A  }
0x23: {  	s9 =	sor.u32 $0xD0000000, s2;
	s6 =	simm.s32 $0x108;
	_ =	swait.ge @!p0 [sflag:s8], $0x0  }
0x24: {  	s3 =	sadd.s32 $0x88, s3;
	s6 =	simm.s32 @!p1 $0x1082;
	[sflag:s4] =	ssyncset.s32 $0xFFFFF086  }
0x25: {  	[simem:s6], [sflag:s4] =	dma.local [hbm:s3], $0xF7A  }
0x26: {  	[smem:$0x3F9A] =	sst s1;
	(tag) =	ssettag s2;
	_ =	strace s9  }
0x27: {  	s1 =	sld [smem:$0x3FAA]  }
0x28: {  	s2 =	sld [smem:$0x3FAB]  }
0x29: {  	s4 =	sld [smem:$0x3FAD]  }
0x2a: {  	p0 =	seq.s32 s5, $0x0;
	s5 =	sld [smem:$0x3FAE]  }
0x2b: {  	s6 =	sld [smem:$0x3FAF]  }
0x2c: {  	s7 =	sld [smem:$0x3FB0]  }
0x2d: {  	s3 =	simm.s32 $0x108;
	s8 =	sld [smem:$0x3FB1]  }
0x2e: {  	s3 =	simm.s32 @!p0 $0x1082;
	s9 =	sld [smem:$0x3FB2]  }
0x2f: {  	lr =	sadd.s32 s0, s3;
	s0 =	sld [smem:$0x3FA9]  }
0x30: {  	s3 =	sld [smem:$0x3FAC]  }
0x31: {  	[smem:$0x3FB5] =	sst s10  }
0x32: {  	s10 =	sld [smem:$0x3FB3];
	_ =	sdelay $0x3  }
0x33: {  	p0 =	seq.s32 s10, $0x1;
	s10 =	sld [smem:$0x3FB5];
	_ =	sdelay $0x3  }
0x34: {  	[smem:$0x3FB5] =	sst s10  }
0x35: {  	s10 =	sld [smem:$0x3FB4];
	_ =	sdelay $0x3  }
0x36: {  	p1 =	seq.s32 s10, $0x1;
	s10 =	sld [smem:$0x3FB5];
	_ =	sdelay $0x3  }
0x37: {  	[smem:$0x3FB5] =	sst s10  }
0x38: {  	s10 =	sld [smem:$0x3FB6]  }
0x39: {  	_ = 	snop;
	(pc) =	sbr.ind lr, $3  }
0x3a: {  	_ = 	snop  }
0x3b: {  	_ = 	snop  }
0x3c: {  	p2 =	seq.s32 s10, $0x1;
	s10 =	sld [smem:$0x3FB5]  }
0x3d: {  	_ =	shalt  }
0x3e: {  	_ =	shalt  }
0x3f: {  	_ =	shalt  }
0x40: {  	_ =	shalt  }
0x41: {  	_ =	shalt  }
0x42: {  	_ =	shalt  }
0x43: {  	_ =	shalt  }
0x44: {  	_ =	shalt  }
0x45: {  	_ =	shalt  }
0x46: {  	_ =	shalt  }
0x47: {  	_ =	shalt  }
0x48: {  	_ =	shalt  }
0x49: {  	_ =	shalt  }
0x4a: {  	_ =	shalt  }
0x4b: {  	_ =	shalt  }
0x4c: {  	_ =	shalt  }
0x4d: {  	_ =	shalt  }
0x4e: {  	_ =	shalt  }
0x4f: {  	_ =	shalt  }
0x50: {  	_ =	shalt  }
0x51: {  	_ =	shalt  }
0x52: {  	_ =	shalt  }
0x53: {  	_ =	shalt  }
0x54: {  	_ =	shalt  }
0x55: {  	_ =	shalt  }
0x56: {  	_ =	shalt  }
0x57: {  	_ =	shalt  }
0x58: {  	_ =	shalt  }
0x59: {  	_ =	shalt  }
0x5a: {  	_ =	shalt  }
0x5b: {  	_ =	shalt  }
0x5c: {  	_ =	shalt  }
0x5d: {  	_ =	shalt  }
0x5e: {  	_ =	shalt  }
0x5f: {  	_ =	shalt  }
0x60: {  	_ =	shalt  }
0x61: {  	_ =	shalt  }
0x62: {  	_ =	shalt  }
0x63: {  	_ =	shalt  }
0x64: {  	_ =	shalt  }
0x65: {  	_ =	shalt  }
0x66: {  	_ =	shalt  }
0x67: {  	_ =	shalt  }
0x68: {  	_ =	shalt  }
0x69: {  	_ =	shalt  }
0x6a: {  	_ =	shalt  }
0x6b: {  	_ =	shalt  }
0x6c: {  	_ =	shalt  }
0x6d: {  	_ =	shalt  }
0x6e: {  	_ =	shalt  }
0x6f: {  	_ =	shalt  }
0x70: {  	_ =	shalt  }
0x71: {  	_ =	shalt  }
0x72: {  	_ =	shalt  }
0x73: {  	_ =	shalt  }
0x74: {  	_ =	shalt  }
0x75: {  	_ =	shalt  }
0x76: {  	_ =	shalt  }
0x77: {  	_ =	shalt  }
0x78: {  	_ =	shalt  }
0x79: {  	_ =	shalt  }
0x7a: {  	_ =	shalt  }
0x7b: {  	_ =	shalt  }
0x7c: {  	_ =	shalt  }
0x7d: {  	_ =	shalt  }
0x7e: {  	_ =	shalt  }
0x7f: {  	_ =	shalt  }
0x80: {  	_ =	shalt  }
0x81: {  	_ =	shalt  }
0x82: {  	_ =	shalt  }
0x83: {  	_ =	shalt  }
0x84: {  	_ =	shalt  }
0x85: {  	_ =	shalt  }
0x86: {  	_ =	shalt  }
0x87: {  	_ =	shalt  }
.Lfunc_end0:
.L_simem_size_0:
called_computation_lowered:
.L_overlay_start_0:
0x88: {  	s2 =	sld [smem:$0x3FD9]  }
0x89: {  	s3 =	sld [smem:$0x3FFE];
	_ =	sdelay $0x1  }
0x8a: {  	s1 =	srdreg.scid  }
0x8b: {  	s0 =	sand.u32 $0x1, s1  }
0x8c: {  	s14 =	sshll.u32 s0, $0xA;
	s2 =	sadd.s32 s3, s2  }
0x8d: {  	s2 =	sadd.s32 s2, s14  }
0x8e: {  	[smem:$0x3FC1] =	sst s2  }
0x8f: {  	_ = 	snop  }
0x90: {  	s2 =	sld [smem:$0x3FD0];
	_ =	sdelay $0x2  }
0x91: {  	s15 =	simm.s32 $0xA;
	s4 =	simm.s32 $0x10  }
0x92: {  	[smem:s4], [sflag:s15] =	dma.local [hbm:s2], $0x1  }
0x93: {  	_ =	swait.eq [sflag:s15], $0x1  }
0x94: {  	[sflag:s15] =	ssyncset.done $0x0  }
0x95: {  	s16 =	sld [smem:$0x10];
	[sflag:s15] =	ssyncadd.s32 $0xFFFFFFFF  }
0x96: {  	s17 =	sld [smem:$0x11];
	(tm) =	ssettm $0x1  }
0x97: {  	s18 =	sld [smem:$0x3FFB];
	_ =	sdelay $0x3  }
0x98: {  	_ =	strace s18  }
0x99: {  	s4 =	sld [smem:$0x3FFC];
	_ =	sdelay $0x3  }
0x9a: {  	_ =	strace s4  }
0x9b: {  	s4 =	sld [smem:$0x3FFD];
	_ =	sdelay $0x3  }
0x9c: {  	_ =	strace s4  }
0x9d: {  	_ =	strace $0x8FFFFFFF  }
0x9e: {  	s19 =	sld [smem:$0x3FDB];
	_ =	sdelay $0x1  }
0x9f: {  	s5 =	simm.s32 $_scs_section_size  }
0xa0: {  	s6 =	simm.s32 $_size__tile_overlayer_lowered;
	s7 =	simm.s32 $_tile_overlayer_lowered  }
0xa1: {  	s22 =	simm.s32 $0x1BFF;
	s21 =	sshll.u32 s7, $0x1;
	s4 =	sadd.s32 s5, s19  }
0xa2: {  	s8 =	simm.s32 $0x0;
	s20 =	sshll.u32 s6, $0x1;
	s6 =	sadd.s32 s21, s4  }
0xa3: {  	[timem:s8], [sflag:s22] =	dma.local [hbm:s6], s20  }
0xa4: {  	_ =	swait.ge [sflag:s22], s20  }
0xa5: {  	s5 =	ssub.s32 $0x0, s20;
	[sflag:s22] =	ssyncset.done $0x0  }
0xa6: {  	[sflag:s22] =	ssyncadd.s32 s5;
	_ =	sdelay $0x1  }
0xa7: {  	s23 =	simm.s32 $0x1B8B  }
0xa8: {  	_ =	swait.ge [sflag:s23], $0x1  }
0xa9: {  	[sflag:s23] =	ssyncset.done $0x0  }
0xaa: {  	s25 =	simm.s32 $0x1B8E;
	s24 =	sld [smem:$0x3FFE];
	[sflag:s23] =	ssyncadd.s32 $0xFFFFFFFF  }
0xab: {  	s26 =	simm.s32 $execute0_lowered;
	[smem:$0x3FD2] =	sst s25  }
0xac: {  	s6 =	sshll.u32 s26, $0x1;
	_ =	strace $0x80000046;
	[dreg:$0x1] =	wrdreg $0xFFFFFFFF  }
0xad: {  	s28 =	simm.s32 $_size_execute0_lowered;
	s4 =	sadd.s32 s4, s6;
	[dreg:$0x0] =	wrdreg $0x0  }
0xae: {  	s6 =	sshll.u32 s28, $0x1;
	[dreg:$0x2] =	wrdreg s4  }
0xaf: {  	[dreg:$0x3] =	wrdreg s6  }
0xb0: {  	[dreg:$0x4] =	wrdreg $0xC0  }
0xb1: {  	_ =	task [dreg:s8], $0x5FFFF  }
0xb2: {  	[dreg:$0x1] =	wrdreg $0xFFFFFFFF  }
0xb3: {  	[dreg:$0x0] =	wrdreg $0x60  }
0xb4: {  	[dreg:$0x2] =	wrdreg s24  }
0xb5: {  	[dreg:$0x3] =	wrdreg s16  }
0xb6: {  	[dreg:$0x4] =	wrdreg s17  }
0xb7: {  	[dreg:$0x5] =	wrdreg $0x109800  }
0xb8: {  	[dreg:$0x6] =	wrdreg $0x9  }
0xb9: {  	_ =	task.clear_ibuf [dreg:s8], $0x7FFFF;
	_ =	strace $0x90000046  }
0xba: {  	s29 =	simm.s32 $0x9;
	_ =	strace $0x80000048  }
0xbb: {  	_ =	swait.ge [sflag:s29], $0x1  }
0xbc: {  	[sflag:s29] =	ssyncadd.s32 $0xFFFFFFFF  }
0xbd: {  	_ =	strace $0x90000048  }
0xbe: {  	_ =	sfence  }
0xbf: {  	s30 =	sld [smem:$0x0];
	_ =	sdelay $0x2  }
0xc0: {  	s31 =	sshll.u32 s1, $0xD;
	s1 =	sshrl.u32 s1, $0x2  }
0xc1: {  	s3 =	sand.u32 $0x4000, s31;
	s1 =	sadd.s32 s1, s30  }
0xc2: {  	s0 =	sor.u32 s3, s0;
	s1 =	sshll.u32 s1, $0x11  }
0xc3: {  	s0 =	sor.u32 s1, s0  }
0xc4: {  	s0 =	sadd.s32 $0x8F2B, s0  }
0xc5: {  	[sflag:s0] =	ssyncadd.remote.s32 $0x1  }
0xc6: {  	_ =	sfence.sel $0xFFFF  }
0xc7: {  	[dreg:$0x0] =	wrdreg $0xFFFFFFFF;
	(pc) =	sbr.abs _section_cstart, $3  }
0xc8: {  	[dreg:$0x1] =	wrdreg $0xFFFFFFFF  }
0xc9: {  	_ =	task.clear_ibuf [dreg:s8], $0x2FFFF;
	_ =	strace $0x9FFFFFFF  }
0xca: {  	(tm) =	ssettm $0x7FFFFFFF  }
0xcb: {  	_ =	shalt  }
tec
execute0_lowered:
.L_overlay_start_1:
0x0: {  	(tag) =	ssettag $0x1  }
0x1: {  	s0 =	rddreg [dreg:$0x0]  }
0x2: {  	s1 =	rddreg [dreg:$0x1]  }
0x3: {  	s3 =	rddreg [dreg:$0x2]  }
0x4: {  	s2 =	rddreg [dreg:$0x3];
	s13 =	simm.s32 $0x0  }
0x5: {  	s10 =	stileid.u32;
	s5 =	srdreg.scid;
	s28 =	simm.s32 $0xC980  }
0x6: {  	s29 =	simm.s32 $0x80;
	s30 =	simm.s32 $0xE980;
	s31 =	simm.s32 $0x4980  }
0x7: {  	[smem:$0x7FF] =	sst s13;
	s4 =	smul.u32 $0x310, s10;
	s6 =	sadd.s32 $0x3B7200, s0  }
0x8: {  	s5 =	sand.u32 $0x1, s5;
	s8 =	smul.u32 $0x28000, s10;
	s9 =	sadd.s32 $0x58BE00, s0  }
0x9: {  	s11 =	smul.u32 $0xA000, s10;
	s15 =	sadd.s32 $0xA900, s0;
	s20 =	sadd.s32 $0x4700, s0  }
0xa: {  	s21 =	sadd.s32 $0x4A1800, s0;
	_ =	strace $0x80000047;
	[dreg:$0x6] =	wrdreg s6  }
0xb: {  	s7 =	ssub.s32 $0x2, s5;
	[dreg:$0x7] =	wrdreg s9;
	p0 =	seq.s32 s5, $0x1  }
0xc: {  	[dreg:$0xd] =	wrdreg s21;
	s21 =	simm.s32 $0x9;
	s24 =	sadd.s32 s4, s0  }
0xd: {  	s25 =	sshrl.u32 s7, $0x1;
	s26 =	sadd.s32 s1, s4;
	s10 =	sshrl.u32 s8, $0x2  }
0xe: {  	s8 =	sshrl.u32 s11, $0x3;
	s14 =	sadd.s32 s11, s2;
	s1 =	sadd.s32 $0x3100, s1  }
0xf: {  	s0 =	sadd.s32 $0x67BE00, s0;
	s11 =	simm.s32 $0x1;
	s7 =	ssub.s32 s7, s25  }
0x10: {  	[dreg:$0x8] =	wrdreg s26;
	s9 =	sadd.s32 $0x7800, s24;
	s6 =	sadd.s32 $0x1600, s24  }
0x11: {  	s10 =	sadd.s32 s10, s2;
	s12 =	sadd.s32 s3, s8;
	[dreg:$0xc] =	wrdreg s14  }
0x12: {  	s3 =	sadd.s32 $0x14000, s3;
	[dreg:$0xe] =	wrdreg s0;
	s23 =	sadd.s32 s4, s1  }
0x13: {  	s24 =	sadd.s32 s4, s15;
	s25 =	sadd.s32 s4, s20;
	[dreg:$0x9] =	wrdreg s9  }
0x14: {  	s0 =	simm.s32 $0x6980;
	s20 =	simm.s32 $0x3;
	[dreg:$0xa] =	wrdreg s6  }
0x15: {  	s1 =	simm.s32 $0x7;
	[dreg:$0xb] =	wrdreg s12;
	s22 =	smax.u32 s7, $0x1  }
0x16: {  	s16 =	sadd.s32 $0x2000, s10;
	s17 =	sadd.s32 $0x4000, s10;
	[dreg:$0x10] =	wrdreg s23  }
.Ltmp0:
0x17: {  	s18 =	sadd.s32 $0x6000, s10;
	[dreg:$0x11] =	wrdreg s24;
	(pc) =	sbr.rel .LBB2_1-.Ltmp0, $4  }
0x18: {  	s19 =	sadd.s32 $0x8000, s10;
	[dreg:$0x12] =	wrdreg s25;
	s26 =	sadd.s32 s8, s3  }
0x19: {  	s7 =	simm.s32 $0x8980;
	s24 =	simm.s32 $0xA980;
	s23 =	simm.s32 $0x5  }
0x1a: {  	s25 =	simm.s32 $0x6;
	s12 =	simm.s32 $0x8;
	[dreg:$0xf] =	wrdreg s22  }
0x1b: {  	v0 =	vimm.f32 $0.0e+00;
	v1 =	vimm.f32 $1.000000000e+00;
	[dreg:$0x13] =	wrdreg s26;
	s26 =	simm.s32 $0x2;
	s22 =	simm.s32 $0x4  }
.LBB2_16:
0x1c: {  	s13 =	rddreg [dreg:$0x5]  }
0x1d: {  	s3 =	rddreg [dreg:$0xf];
	s13 =	sadd.s32 $0x1, s13  }
0x1e: {  	p1 =	sne.s32 s13, s3  }
.Ltmp1:
0x1f: {  	_ = 	snop;
	(pc) =	sbr.rel @!p1 .LBB2_17-.Ltmp1, $1  }
0x20: {  	_ =	sdelay $0x3  }
.LBB2_1:
0x21: {  	s3 =	simm.s32 $0x0;
	s4 =	simm.s32 $0x100  }
.LBB2_2:
0x22: {  	p1 =	sne.s32 s4, $0x7F00;
	[tilespmem:s3+$0xE9B0] =	vst v1  }
0x23: {  	[tilespmem:s3+$0xC980] =	vst v0  }
0x24: {  	[tilespmem:s3+$0xE980] =	vst v1  }
.Ltmp2:
0x25: {  	[tilespmem:s3+$0xC990] =	vst v0;
	(pc) =	sbr.rel @p1 .LBB2_2-.Ltmp2, $4  }
0x26: {  	[tilespmem:s3+$0xE990] =	vst v1  }
0x27: {  	[tilespmem:s3+$0xC9A0] =	vst v0  }
0x28: {  	[tilespmem:s3+$0xE9A0] =	vst v1  }
0x29: {  	[tilespmem:s3+$0xC9B0] =	vst v0;
	s3 =	sshra.s32 s4, $0x2;
	s4 =	sadd.s32 $0x100, s4  }
0x2a: {  	[tilespmem:s3+$0xE9B0] =	vst v1  }
0x2b: {  	[tilespmem:s3+$0xC980] =	vst v0  }
0x2c: {  	[tilespmem:s3+$0xE980] =	vst v1  }
.Ltmp3:
0x2d: {  	[tilespmem:s3+$0xC990] =	vst v0;
	(pc) =	sbr.rel @!p0 .LBB2_4-.Ltmp3, $4  }
0x2e: {  	[tilespmem:s3+$0xE990] =	vst v1  }
0x2f: {  	[tilespmem:s3+$0xC9A0] =	vst v0  }
0x30: {  	[tilespmem:s3+$0xE9A0] =	vst v1  }
0x31: {  	[dreg:$0x5] =	wrdreg s13;
	[tilespmem:s3+$0xC9B0] =	vst v0;
	s3 =	simm.s32 $0x0  }
0x32: {  	s4 =	rddreg [dreg:$0x10]  }
0x33: {  	[tilespmem:s3], [sflag:$0x9] =	stream.linear.gather [hbm4b:s4+s3], $0x1880, $0x38;
	[tilespmem:$0x1A980] =	vst v63  }
0x34: {  	_ =	swait.ge [sflag:s21], $0x1880  }
0x35: {  	[sflag:s21] =	ssyncset.done $0x0  }
0x36: {  	s5 =	simm.s32 $0x1880;
	s9 =	rddreg [dreg:$0x11];
	[sflag:s21] =	ssyncadd.s32 $0xFFFFE780  }
0x37: {  	[tilespmem:s5], [sflag:$0x9] =	stream.linear.gather [hbm4b:s9+s3], $0x1880, $0x38;
	[tilespmem:$0x1A980] =	vst v63  }
0x38: {  	_ =	swait.ge [sflag:s21], $0x1880  }
0x39: {  	[sflag:s21] =	ssyncset.done $0x0  }
0x3a: {  	s14 =	simm.s32 $0x3100;
	s13 =	rddreg [dreg:$0x12];
	[sflag:s21] =	ssyncadd.s32 $0xFFFFE780  }
0x3b: {  	[tilespmem:s14], [sflag:$0x9] =	stream.linear.gather [hbm4b:s13+s3], $0x1880, $0x38;
	[tilespmem:$0x1A980] =	vst v63  }
0x3c: {  	_ =	swait.ge [sflag:s21], $0x1880  }
0x3d: {  	[sflag:s21] =	ssyncset.done $0x0  }
0x3e: {  	[sflag:s21] =	ssyncadd.s32 $0xFFFFE780  }
0x3f: {  	[spmem:s10] =	stream.linear.scatter [tilespmem:s28], [sflag:$0x9], $0x2000, $0x38;
	[tilespmem:$0x1A980] =	vst v63  }
0x40: {  	_ =	swait.ge [sflag:s21], $0x2000  }
0x41: {  	[sflag:s21] =	ssyncset.done $0x0  }
0x42: {  	[sflag:s21] =	ssyncadd.s32 $0xFFFFE000  }
0x43: {  	[spmem:s16] =	stream.linear.scatter [tilespmem:s28], [sflag:$0x9], $0x2000, $0x38;
	[tilespmem:$0x1A980] =	vst v63  }
0x44: {  	_ =	swait.ge [sflag:s21], $0x2000  }
0x45: {  	[sflag:s21] =	ssyncset.done $0x0  }
0x46: {  	[sflag:s21] =	ssyncadd.s32 $0xFFFFE000  }
0x47: {  	[spmem:s17] =	stream.linear.scatter [tilespmem:s28], [sflag:$0x9], $0x2000, $0x38;
	[tilespmem:$0x1A980] =	vst v63  }
0x48: {  	_ =	swait.ge [sflag:s21], $0x2000  }
0x49: {  	[sflag:s21] =	ssyncset.done $0x0  }
0x4a: {  	[sflag:s21] =	ssyncadd.s32 $0xFFFFE000  }
0x4b: {  	[spmem:s18] =	stream.linear.scatter [tilespmem:s28], [sflag:$0x9], $0x2000, $0x38;
	[tilespmem:$0x1A980] =	vst v63  }
0x4c: {  	_ =	swait.ge [sflag:s21], $0x2000  }
0x4d: {  	[sflag:s21] =	ssyncset.done $0x0  }
0x4e: {  	[sflag:s21] =	ssyncadd.s32 $0xFFFFE000  }
0x4f: {  	[spmem:s19] =	stream.linear.scatter [tilespmem:s28], [sflag:$0x9], $0x2000, $0x38;
	[tilespmem:$0x1A980] =	vst v63  }
0x50: {  	_ =	swait.ge [sflag:s21], $0x2000  }
0x51: {  	[sflag:s21] =	ssyncset.done $0x0  }
0x52: {  	[sflag:s21] =	ssyncadd.s32 $0xFFFFE000  }
0x53: {  	s15 =	simm.s32 $0x3100;
	[bflag:$0x0] =	sbarrier.arrive $0xFFFF  }
0x54: {  	[spmem:s2] =	stream.indirect.scatter.add.f32 [tilespmem:s30], [sflag:$0x9], $0x40, s15, s29, $0xb8;
	[tilespmem:$0x1A980] =	vst v63  }
0x55: {  	s3 =	simm.s32 $0x200;
	_ =	swait.ge [sflag:s21], $0x2000  }
.LBB2_11:
0x56: {  	s4 =	sshra.s32 s3, $0x2;
	[sflag:s21] =	ssyncset.done $0x0;
	p1 =	sne.s32 s3, $0x6000  }
.Ltmp4:
0x57: {  	s4 =	sadd.s32 $0x3100, s4;
	[sflag:s21] =	ssyncadd.s32 $0xFFFFE000;
	(pc) =	sbr.rel @p1 .LBB2_11-.Ltmp4, $3  }
0x58: {  	[spmem:s2] =	stream.indirect.scatter.add.f32 [tilespmem:s30], [sflag:$0x9], $0x40, s4, s29, $0xb8;
	[tilespmem:$0x1A980] =	vst v63  }
0x59: {  	s3 =	sadd.s32 $0x200, s3;
	_ =	sdelay $0x1  }
0x5a: {  	_ =	swait.ge [sflag:s21], $0x2000  }
0x5b: {  	[sflag:s21] =	ssyncset.done $0x0  }
0x5c: {  	[sflag:s21] =	ssyncadd.s32 $0xFFFFE000  }
0x5d: {  	s3 =	stileid.u32;
	[bflag:$0x0] =	sbarrier.arrive $0xFFFF  }
0x5e: {  	s3 =	sshll.u32 s3, $0x6;
	s14 =	rddreg [dreg:$0xc]  }
0x5f: {  	s6 =	sor.u32 $0x1C09, s3;
	s15 =	rddreg [dreg:$0x13];
	s9 =	sshrl.u32 s14, $0x3  }
0x60: {  	[hbm:s15], [sflag:s6] =	dma.local [spmem:s9], $0x1400  }
0x61: {  	_ =	swait.ge [sflag:s21], $0x1400  }
0x62: {  	[sflag:s21] =	ssyncset.done $0x0  }
0x63: {  	s3 =	simm.s32 $0x0;
	s15 =	simm.s32 $0x0;
	[sflag:s21] =	ssyncadd.s32 $0xFFFFEC00  }
.LBB2_13:
0x64: {  	[spmem:s10] =	stream.linear.scatter [tilespmem:s28], [sflag:$0x9], $0x2000, $0x38;
	[tilespmem:$0x1A980] =	vst v63  }
0x65: {  	_ =	swait.ge [sflag:s21], $0x2000  }
0x66: {  	[sflag:s21] =	ssyncset.done $0x0  }
0x67: {  	[sflag:s21] =	ssyncadd.s32 $0xFFFFE000  }
0x68: {  	[spmem:s16] =	stream.linear.scatter [tilespmem:s28], [sflag:$0x9], $0x2000, $0x38;
	[tilespmem:$0x1A980] =	vst v63  }
0x69: {  	_ =	swait.ge [sflag:s21], $0x2000  }
0x6a: {  	[sflag:s21] =	ssyncset.done $0x0  }
0x6b: {  	[sflag:s21] =	ssyncadd.s32 $0xFFFFE000  }
0x6c: {  	[spmem:s17] =	stream.linear.scatter [tilespmem:s28], [sflag:$0x9], $0x2000, $0x38;
	[tilespmem:$0x1A980] =	vst v63  }
0x6d: {  	_ =	swait.ge [sflag:s21], $0x2000  }
0x6e: {  	[sflag:s21] =	ssyncset.done $0x0  }
0x6f: {  	[sflag:s21] =	ssyncadd.s32 $0xFFFFE000  }
0x70: {  	[spmem:s18] =	stream.linear.scatter [tilespmem:s28], [sflag:$0x9], $0x2000, $0x38;
	[tilespmem:$0x1A980] =	vst v63  }
0x71: {  	_ =	swait.ge [sflag:s21], $0x2000  }
0x72: {  	[sflag:s21] =	ssyncset.done $0x0  }
0x73: {  	[sflag:s21] =	ssyncadd.s32 $0xFFFFE000  }
0x74: {  	[spmem:s19] =	stream.linear.scatter [tilespmem:s28], [sflag:$0x9], $0x2000, $0x38;
	[tilespmem:$0x1A980] =	vst v63  }
0x75: {  	_ =	swait.ge [sflag:s21], $0x2000  }
0x76: {  	[sflag:s21] =	ssyncset.done $0x0  }
0x77: {  	[sflag:s21] =	ssyncadd.s32 $0xFFFFE000  }
0x78: {  	s4 =	smul.u32 $0x13880, s3;
	[bflag:$0x0] =	sbarrier.arrive $0xFFFF  }
0x79: {  	s5 =	rddreg [dreg:$0xd]  }
0x7a: {  	s4 =	sadd.s32 s4, s5  }
0x7b: {  	[tilespmem:s31], [sflag:$0x1] =	stream.indirect.gather [hbm4b:s4+s29], $0x40, s15, s29, $0xb8;
	[tilespmem:$0x1A980] =	vst v63  }
0x7c: {  	_ = 	snop  }
0x7d: {  	[tilespmem:s0], [sflag:$0x2] =	stream.indirect.gather [hbm4b:s4+s29], $0x40, s29, s29, $0xb8;
	[tilespmem:$0x1A980] =	vst v63  }
0x7e: {  	s14 =	simm.s32 $0x100  }
0x7f: {  	[tilespmem:s7], [sflag:$0x3] =	stream.indirect.gather [hbm4b:s4+s29], $0x40, s14, s29, $0xb8;
	[tilespmem:$0x1A980] =	vst v63  }
0x80: {  	s13 =	simm.s32 $0x180  }
0x81: {  	[tilespmem:s24], [sflag:$0x4] =	stream.indirect.gather [hbm4b:s4+s29], $0x40, s13, s29, $0xb8;
	[tilespmem:$0x1A980] =	vst v63  }
0x82: {  	_ =	swait.ge [sflag:s11], $0x2000  }
0x83: {  	[sflag:s11] =	ssyncset.done $0x0  }
0x84: {  	s14 =	simm.s32 $0x1880;
	[sflag:s11] =	ssyncadd.s32 $0xFFFFE000  }
0x85: {  	[spmem:s2] =	stream.indirect.scatter.add.f32 [tilespmem:s31], [sflag:$0x5], $0x40, s14, s29, $0xb8;
	[tilespmem:$0x1A980] =	vst v63  }
0x86: {  	_ =	swait.ge [sflag:s26], $0x2000  }
0x87: {  	[sflag:s26] =	ssyncset.done $0x0  }
0x88: {  	s13 =	simm.s32 $0x1900;
	[sflag:s26] =	ssyncadd.s32 $0xFFFFE000  }
0x89: {  	[spmem:s2] =	stream.indirect.scatter.add.f32 [tilespmem:s0], [sflag:$0x6], $0x40, s13, s29, $0xb8;
	[tilespmem:$0x1A980] =	vst v63  }
0x8a: {  	_ =	swait.ge [sflag:s20], $0x2000  }
0x8b: {  	[sflag:s20] =	ssyncset.done $0x0  }
0x8c: {  	s14 =	simm.s32 $0x1980;
	[sflag:s20] =	ssyncadd.s32 $0xFFFFE000  }
0x8d: {  	[spmem:s2] =	stream.indirect.scatter.add.f32 [tilespmem:s7], [sflag:$0x7], $0x40, s14, s29, $0xb8;
	[tilespmem:$0x1A980] =	vst v63  }
0x8e: {  	_ =	swait.ge [sflag:s22], $0x2000  }
0x8f: {  	[sflag:s22] =	ssyncset.done $0x0  }
0x90: {  	s13 =	simm.s32 $0x1A00;
	[sflag:s22] =	ssyncadd.s32 $0xFFFFE000  }
0x91: {  	[spmem:s2] =	stream.indirect.scatter.add.f32 [tilespmem:s24], [sflag:$0x8], $0x40, s13, s29, $0xb8;
	[tilespmem:$0x1A980] =	vst v63  }
0x92: {  	_ =	swait.ge [sflag:s23], $0x2000  }
0x93: {  	[sflag:s23] =	ssyncset.done $0x0  }
0x94: {  	s14 =	simm.s32 $0x200;
	[sflag:s23] =	ssyncadd.s32 $0xFFFFE000  }
0x95: {  	[tilespmem:s31], [sflag:$0x1] =	stream.indirect.gather [hbm4b:s4+s29], $0x40, s14, s29, $0xb8;
	[tilespmem:$0x1A980] =	vst v63  }
0x96: {  	_ =	swait.ge [sflag:s25], $0x2000  }
0x97: {  	[sflag:s25] =	ssyncset.done $0x0  }
0x98: {  	s13 =	simm.s32 $0x280;
	[sflag:s25] =	ssyncadd.s32 $0xFFFFE000  }
0x99: {  	[tilespmem:s0], [sflag:$0x2] =	stream.indirect.gather [hbm4b:s4+s29], $0x40, s13, s29, $0xb8;
	[tilespmem:$0x1A980] =	vst v63  }
0x9a: {  	_ =	swait.ge [sflag:s1], $0x2000  }
0x9b: {  	[sflag:s1] =	ssyncset.done $0x0  }
0x9c: {  	s14 =	simm.s32 $0x300;
	[sflag:s1] =	ssyncadd.s32 $0xFFFFE000  }
0x9d: {  	[tilespmem:s7], [sflag:$0x3] =	stream.indirect.gather [hbm4b:s4+s29], $0x40, s14, s29, $0xb8;
	[tilespmem:$0x1A980] =	vst v63  }
0x9e: {  	_ =	swait.ge [sflag:s12], $0x2000  }
0x9f: {  	[sflag:s12] =	ssyncset.done $0x0  }
0xa0: {  	s5 =	simm.s32 $0x800;
	s13 =	simm.s32 $0x380;
	[sflag:s12] =	ssyncadd.s32 $0xFFFFE000  }
.LBB2_14:
0xa1: {  	[tilespmem:s24], [sflag:$0x4] =	stream.indirect.gather [hbm4b:s4+s29], $0x40, s13, s29, $0xb8;
	[tilespmem:$0x1A980] =	vst v63  }
0xa2: {  	s13 =	smov.u32 s5  }
0xa3: {  	p1 =	sne.s32 s5, $0x5000;
	s5 =	sadd.s32 $0x800, s5;
	_ =	swait.ge [sflag:s11], $0x2000  }
0xa4: {  	s13 =	sshra.s32 s13, $0x2;
	[sflag:s11] =	ssyncset.done $0x0  }
0xa5: {  	s14 =	sadd.s32 $0x1880, s13;
	[sflag:s11] =	ssyncadd.s32 $0xFFFFE000  }
0xa6: {  	[spmem:s2] =	stream.indirect.scatter.add.f32 [tilespmem:s31], [sflag:$0x5], $0x40, s14, s29, $0xb8;
	[tilespmem:$0x1A980] =	vst v63  }
0xa7: {  	_ =	swait.ge [sflag:s26], $0x2000  }
0xa8: {  	[sflag:s26] =	ssyncset.done $0x0  }
0xa9: {  	s14 =	sadd.s32 $0x1900, s13;
	[sflag:s26] =	ssyncadd.s32 $0xFFFFE000  }
0xaa: {  	[spmem:s2] =	stream.indirect.scatter.add.f32 [tilespmem:s0], [sflag:$0x6], $0x40, s14, s29, $0xb8;
	[tilespmem:$0x1A980] =	vst v63  }
0xab: {  	_ =	swait.ge [sflag:s20], $0x2000  }
0xac: {  	[sflag:s20] =	ssyncset.done $0x0  }
0xad: {  	s14 =	sadd.s32 $0x1980, s13;
	[sflag:s20] =	ssyncadd.s32 $0xFFFFE000  }
0xae: {  	[spmem:s2] =	stream.indirect.scatter.add.f32 [tilespmem:s7], [sflag:$0x7], $0x40, s14, s29, $0xb8;
	[tilespmem:$0x1A980] =	vst v63  }
0xaf: {  	_ =	swait.ge [sflag:s22], $0x2000  }
0xb0: {  	[sflag:s22] =	ssyncset.done $0x0  }
0xb1: {  	s14 =	sadd.s32 $0x1A00, s13;
	[sflag:s22] =	ssyncadd.s32 $0xFFFFE000  }
0xb2: {  	[spmem:s2] =	stream.indirect.scatter.add.f32 [tilespmem:s24], [sflag:$0x8], $0x40, s14, s29, $0xb8;
	[tilespmem:$0x1A980] =	vst v63  }
0xb3: {  	_ =	swait.ge [sflag:s23], $0x2000  }
0xb4: {  	[sflag:s23] =	ssyncset.done $0x0  }
0xb5: {  	s14 =	sadd.s32 $0x200, s13;
	[sflag:s23] =	ssyncadd.s32 $0xFFFFE000  }
0xb6: {  	[tilespmem:s31], [sflag:$0x1] =	stream.indirect.gather [hbm4b:s4+s29], $0x40, s14, s29, $0xb8;
	[tilespmem:$0x1A980] =	vst v63  }
0xb7: {  	_ =	swait.ge [sflag:s25], $0x2000  }
0xb8: {  	[sflag:s25] =	ssyncset.done $0x0  }
0xb9: {  	s14 =	sadd.s32 $0x280, s13;
	[sflag:s25] =	ssyncadd.s32 $0xFFFFE000  }
0xba: {  	[tilespmem:s0], [sflag:$0x2] =	stream.indirect.gather [hbm4b:s4+s29], $0x40, s14, s29, $0xb8;
	[tilespmem:$0x1A980] =	vst v63  }
0xbb: {  	_ =	swait.ge [sflag:s1], $0x2000  }
0xbc: {  	[sflag:s1] =	ssyncset.done $0x0  }
.Ltmp5:
0xbd: {  	s14 =	sadd.s32 $0x300, s13;
	[sflag:s1] =	ssyncadd.s32 $0xFFFFE000;
	(pc) =	sbr.rel @p1 .LBB2_14-.Ltmp5, $4  }
0xbe: {  	[tilespmem:s7], [sflag:$0x3] =	stream.indirect.gather [hbm4b:s4+s29], $0x40, s14, s29, $0xb8;
	[tilespmem:$0x1A980] =	vst v63  }
0xbf: {  	_ =	swait.ge [sflag:s12], $0x2000  }
0xc0: {  	[sflag:s12] =	ssyncset.done $0x0  }
0xc1: {  	s13 =	sadd.s32 $0x380, s13;
	[sflag:s12] =	ssyncadd.s32 $0xFFFFE000  }
0xc2: {  	[tilespmem:s24], [sflag:$0x4] =	stream.indirect.gather [hbm4b:s4+s29], $0x40, s13, s29, $0xb8;
	[tilespmem:$0x1A980] =	vst v63  }
0xc3: {  	_ =	swait.ge [sflag:s11], $0x2000  }
0xc4: {  	[sflag:s11] =	ssyncset.done $0x0  }
0xc5: {  	s5 =	simm.s32 $0x2E80;
	[sflag:s11] =	ssyncadd.s32 $0xFFFFE000  }
0xc6: {  	[spmem:s2] =	stream.indirect.scatter.add.f32 [tilespmem:s31], [sflag:$0x9], $0x40, s5, s29, $0xb8;
	[tilespmem:$0x1A980] =	vst v63  }
0xc7: {  	_ =	swait.ge [sflag:s21], $0x2000  }
0xc8: {  	[sflag:s21] =	ssyncset.done $0x0  }
0xc9: {  	[sflag:s21] =	ssyncadd.s32 $0xFFFFE000  }
0xca: {  	_ =	swait.ge [sflag:s26], $0x2000  }
0xcb: {  	[sflag:s26] =	ssyncset.done $0x0  }
0xcc: {  	s13 =	simm.s32 $0x2F00;
	[sflag:s26] =	ssyncadd.s32 $0xFFFFE000  }
0xcd: {  	[spmem:s2] =	stream.indirect.scatter.add.f32 [tilespmem:s0], [sflag:$0x9], $0x40, s13, s29, $0xb8;
	[tilespmem:$0x1A980] =	vst v63  }
0xce: {  	_ =	swait.ge [sflag:s21], $0x2000  }
0xcf: {  	[sflag:s21] =	ssyncset.done $0x0  }
0xd0: {  	[sflag:s21] =	ssyncadd.s32 $0xFFFFE000  }
0xd1: {  	_ =	swait.ge [sflag:s20], $0x2000  }
0xd2: {  	[sflag:s20] =	ssyncset.done $0x0  }
0xd3: {  	s14 =	simm.s32 $0x2F80;
	[sflag:s20] =	ssyncadd.s32 $0xFFFFE000  }
0xd4: {  	[spmem:s2] =	stream.indirect.scatter.add.f32 [tilespmem:s7], [sflag:$0x9], $0x40, s14, s29, $0xb8;
	[tilespmem:$0x1A980] =	vst v63  }
0xd5: {  	_ =	swait.ge [sflag:s21], $0x2000  }
0xd6: {  	[sflag:s21] =	ssyncset.done $0x0  }
0xd7: {  	[sflag:s21] =	ssyncadd.s32 $0xFFFFE000  }
0xd8: {  	_ =	swait.ge [sflag:s22], $0x2000  }
0xd9: {  	[sflag:s22] =	ssyncset.done $0x0  }
0xda: {  	s13 =	simm.s32 $0x3000;
	[sflag:s22] =	ssyncadd.s32 $0xFFFFE000  }
0xdb: {  	[spmem:s2] =	stream.indirect.scatter.add.f32 [tilespmem:s24], [sflag:$0x9], $0x40, s13, s29, $0xb8;
	[tilespmem:$0x1A980] =	vst v63  }
0xdc: {  	_ =	swait.ge [sflag:s21], $0x2000  }
0xdd: {  	[sflag:s21] =	ssyncset.done $0x0  }
0xde: {  	s14 =	simm.s32 $0x1800;
	[sflag:s21] =	ssyncadd.s32 $0xFFFFE000  }
0xdf: {  	[tilespmem:s31], [sflag:$0x1] =	stream.indirect.gather [hbm4b:s4+s29], $0x40, s14, s29, $0xb8;
	[tilespmem:$0x1A980] =	vst v63  }
0xe0: {  	_ =	swait.ge [sflag:s11], $0x2000  }
0xe1: {  	[sflag:s11] =	ssyncset.done $0x0  }
0xe2: {  	s5 =	simm.s32 $0x3080;
	[sflag:s11] =	ssyncadd.s32 $0xFFFFE000  }
0xe3: {  	[spmem:s2] =	stream.indirect.scatter.add.f32 [tilespmem:s31], [sflag:$0x9], $0x40, s5, s29, $0xb8;
	[tilespmem:$0x1A980] =	vst v63  }
0xe4: {  	s13 =	smul.u32 $0x14000, s3;
	_ =	swait.ge [sflag:s21], $0x2000  }
0xe5: {  	[sflag:s21] =	ssyncset.done $0x0;
	s14 =	rddreg [dreg:$0xe]  }
0xe6: {  	s3 =	sadd.s32 $0x1, s3;
	[sflag:s21] =	ssyncadd.s32 $0xFFFFE000;
	s4 =	sadd.s32 s13, s14  }
0xe7: {  	p1 =	sne.s32 s3, $0xC;
	[bflag:$0x0] =	sbarrier.arrive $0xFFFF;
	s4 =	sadd.s32 s8, s4  }
0xe8: {  	[hbm:s4], [sflag:s6] =	dma.local [spmem:s9], $0x1400  }
.Ltmp6:
0xe9: {  	_ = 	snop;
	(pc) =	sbr.rel @p1 .LBB2_13-.Ltmp6, $4  }
.Ltmp7:
0xea: {  	_ = 	snop;
	(pc) =	sbr.rel @!p1 .LBB2_16-.Ltmp7, $4  }
0xeb: {  	_ =	swait.ge [sflag:s21], $0x1400  }
0xec: {  	[sflag:s21] =	ssyncset.done $0x0  }
0xed: {  	[sflag:s21] =	ssyncadd.s32 $0xFFFFEC00  }
0xee: {  	_ = 	snop  }
.LBB2_4:
0xef: {  	s4 =	rddreg [dreg:$0x8]  }
0xf0: {  	[tilespmem:s3], [sflag:$0x9] =	stream.linear.gather [hbm4b:s4+s3], $0x1880, $0x38;
	[tilespmem:$0x1A980] =	vst v63  }
0xf1: {  	_ =	swait.ge [sflag:s21], $0x1880  }
0xf2: {  	[sflag:s21] =	ssyncset.done $0x0  }
0xf3: {  	s5 =	simm.s32 $0x1880;
	s9 =	rddreg [dreg:$0x9];
	[sflag:s21] =	ssyncadd.s32 $0xFFFFE780  }
0xf4: {  	[tilespmem:s5], [sflag:$0x9] =	stream.linear.gather [hbm4b:s9+s3], $0x1880, $0x38;
	[tilespmem:$0x1A980] =	vst v63  }
0xf5: {  	_ =	swait.ge [sflag:s21], $0x1880  }
0xf6: {  	[sflag:s21] =	ssyncset.done $0x0  }
0xf7: {  	s14 =	simm.s32 $0x3100;
	s13 =	rddreg [dreg:$0xa];
	[sflag:s21] =	ssyncadd.s32 $0xFFFFE780  }
0xf8: {  	[tilespmem:s14], [sflag:$0x9] =	stream.linear.gather [hbm4b:s13+s3], $0x1880, $0x38;
	[tilespmem:$0x1A980] =	vst v63  }
0xf9: {  	_ =	swait.ge [sflag:s21], $0x1880  }
0xfa: {  	[sflag:s21] =	ssyncset.done $0x0  }
0xfb: {  	[sflag:s21] =	ssyncadd.s32 $0xFFFFE780  }
0xfc: {  	[spmem:s10] =	stream.linear.scatter [tilespmem:s28], [sflag:$0x9], $0x2000, $0x38;
	[tilespmem:$0x1A980] =	vst v63  }
0xfd: {  	_ =	swait.ge [sflag:s21], $0x2000  }
0xfe: {  	[sflag:s21] =	ssyncset.done $0x0  }
0xff: {  	[sflag:s21] =	ssyncadd.s32 $0xFFFFE000  }
0x100: {  	[spmem:s16] =	stream.linear.scatter [tilespmem:s28], [sflag:$0x9], $0x2000, $0x38;
	[tilespmem:$0x1A980] =	vst v63  }
0x101: {  	_ =	swait.ge [sflag:s21], $0x2000  }
0x102: {  	[sflag:s21] =	ssyncset.done $0x0  }
0x103: {  	[sflag:s21] =	ssyncadd.s32 $0xFFFFE000  }
0x104: {  	[spmem:s17] =	stream.linear.scatter [tilespmem:s28], [sflag:$0x9], $0x2000, $0x38;
	[tilespmem:$0x1A980] =	vst v63  }
0x105: {  	_ =	swait.ge [sflag:s21], $0x2000  }
0x106: {  	[sflag:s21] =	ssyncset.done $0x0  }
0x107: {  	[sflag:s21] =	ssyncadd.s32 $0xFFFFE000  }
0x108: {  	[spmem:s18] =	stream.linear.scatter [tilespmem:s28], [sflag:$0x9], $0x2000, $0x38;
	[tilespmem:$0x1A980] =	vst v63  }
0x109: {  	_ =	swait.ge [sflag:s21], $0x2000  }
0x10a: {  	[sflag:s21] =	ssyncset.done $0x0  }
0x10b: {  	[sflag:s21] =	ssyncadd.s32 $0xFFFFE000  }
0x10c: {  	[spmem:s19] =	stream.linear.scatter [tilespmem:s28], [sflag:$0x9], $0x2000, $0x38;
	[tilespmem:$0x1A980] =	vst v63  }
0x10d: {  	_ =	swait.ge [sflag:s21], $0x2000  }
0x10e: {  	[sflag:s21] =	ssyncset.done $0x0  }
0x10f: {  	[sflag:s21] =	ssyncadd.s32 $0xFFFFE000  }
0x110: {  	s15 =	simm.s32 $0x3100;
	[bflag:$0x0] =	sbarrier.arrive $0xFFFF  }
0x111: {  	[spmem:s2] =	stream.indirect.scatter.add.f32 [tilespmem:s30], [sflag:$0x9], $0x40, s15, s29, $0xb8;
	[tilespmem:$0x1A980] =	vst v63  }
0x112: {  	s3 =	simm.s32 $0x200;
	_ =	swait.ge [sflag:s21], $0x2000  }
.LBB2_5:
0x113: {  	s4 =	sshra.s32 s3, $0x2;
	[sflag:s21] =	ssyncset.done $0x0;
	p1 =	sne.s32 s3, $0x6000  }
.Ltmp8:
0x114: {  	s4 =	sadd.s32 $0x3100, s4;
	[sflag:s21] =	ssyncadd.s32 $0xFFFFE000;
	(pc) =	sbr.rel @p1 .LBB2_5-.Ltmp8, $3  }
0x115: {  	[spmem:s2] =	stream.indirect.scatter.add.f32 [tilespmem:s30], [sflag:$0x9], $0x40, s4, s29, $0xb8;
	[tilespmem:$0x1A980] =	vst v63  }
0x116: {  	s3 =	sadd.s32 $0x200, s3;
	_ =	sdelay $0x1  }
0x117: {  	_ =	swait.ge [sflag:s21], $0x2000  }
0x118: {  	[sflag:s21] =	ssyncset.done $0x0  }
0x119: {  	[sflag:s21] =	ssyncadd.s32 $0xFFFFE000  }
0x11a: {  	s3 =	stileid.u32;
	[bflag:$0x0] =	sbarrier.arrive $0xFFFF  }
0x11b: {  	s3 =	sshll.u32 s3, $0x6;
	s14 =	rddreg [dreg:$0xc]  }
0x11c: {  	s6 =	sor.u32 $0x1C09, s3;
	s15 =	rddreg [dreg:$0xb];
	s9 =	sshrl.u32 s14, $0x3  }
0x11d: {  	[hbm:s15], [sflag:s6] =	dma.local [spmem:s9], $0x1400  }
0x11e: {  	_ =	swait.ge [sflag:s21], $0x1400  }
0x11f: {  	[sflag:s21] =	ssyncset.done $0x0  }
0x120: {  	s3 =	simm.s32 $0x0;
	s15 =	simm.s32 $0x0;
	[sflag:s21] =	ssyncadd.s32 $0xFFFFEC00  }
.LBB2_7:
0x121: {  	[spmem:s10] =	stream.linear.scatter [tilespmem:s28], [sflag:$0x9], $0x2000, $0x38;
	[tilespmem:$0x1A980] =	vst v63  }
0x122: {  	_ =	swait.ge [sflag:s21], $0x2000  }
0x123: {  	[sflag:s21] =	ssyncset.done $0x0  }
0x124: {  	[sflag:s21] =	ssyncadd.s32 $0xFFFFE000  }
0x125: {  	[spmem:s16] =	stream.linear.scatter [tilespmem:s28], [sflag:$0x9], $0x2000, $0x38;
	[tilespmem:$0x1A980] =	vst v63  }
0x126: {  	_ =	swait.ge [sflag:s21], $0x2000  }
0x127: {  	[sflag:s21] =	ssyncset.done $0x0  }
0x128: {  	[sflag:s21] =	ssyncadd.s32 $0xFFFFE000  }
0x129: {  	[spmem:s17] =	stream.linear.scatter [tilespmem:s28], [sflag:$0x9], $0x2000, $0x38;
	[tilespmem:$0x1A980] =	vst v63  }
0x12a: {  	_ =	swait.ge [sflag:s21], $0x2000  }
0x12b: {  	[sflag:s21] =	ssyncset.done $0x0  }
0x12c: {  	[sflag:s21] =	ssyncadd.s32 $0xFFFFE000  }
0x12d: {  	[spmem:s18] =	stream.linear.scatter [tilespmem:s28], [sflag:$0x9], $0x2000, $0x38;
	[tilespmem:$0x1A980] =	vst v63  }
0x12e: {  	_ =	swait.ge [sflag:s21], $0x2000  }
0x12f: {  	[sflag:s21] =	ssyncset.done $0x0  }
0x130: {  	[sflag:s21] =	ssyncadd.s32 $0xFFFFE000  }
0x131: {  	[spmem:s19] =	stream.linear.scatter [tilespmem:s28], [sflag:$0x9], $0x2000, $0x38;
	[tilespmem:$0x1A980] =	vst v63  }
0x132: {  	_ =	swait.ge [sflag:s21], $0x2000  }
0x133: {  	[sflag:s21] =	ssyncset.done $0x0  }
0x134: {  	[sflag:s21] =	ssyncadd.s32 $0xFFFFE000  }
0x135: {  	s4 =	smul.u32 $0x13880, s3;
	[bflag:$0x0] =	sbarrier.arrive $0xFFFF  }
0x136: {  	s5 =	rddreg [dreg:$0x6]  }
0x137: {  	s4 =	sadd.s32 s5, s4  }
0x138: {  	[tilespmem:s31], [sflag:$0x1] =	stream.indirect.gather [hbm4b:s4+s29], $0x40, s15, s29, $0xb8;
	[tilespmem:$0x1A980] =	vst v63  }
0x139: {  	_ = 	snop  }
0x13a: {  	[tilespmem:s0], [sflag:$0x2] =	stream.indirect.gather [hbm4b:s4+s29], $0x40, s29, s29, $0xb8;
	[tilespmem:$0x1A980] =	vst v63  }
0x13b: {  	s14 =	simm.s32 $0x100  }
0x13c: {  	[tilespmem:s7], [sflag:$0x3] =	stream.indirect.gather [hbm4b:s4+s29], $0x40, s14, s29, $0xb8;
	[tilespmem:$0x1A980] =	vst v63  }
0x13d: {  	s13 =	simm.s32 $0x180  }
0x13e: {  	[tilespmem:s24], [sflag:$0x4] =	stream.indirect.gather [hbm4b:s4+s29], $0x40, s13, s29, $0xb8;
	[tilespmem:$0x1A980] =	vst v63  }
0x13f: {  	_ =	swait.ge [sflag:s11], $0x2000  }
0x140: {  	[sflag:s11] =	ssyncset.done $0x0  }
0x141: {  	s14 =	simm.s32 $0x1880;
	[sflag:s11] =	ssyncadd.s32 $0xFFFFE000  }
0x142: {  	[spmem:s2] =	stream.indirect.scatter.add.f32 [tilespmem:s31], [sflag:$0x5], $0x40, s14, s29, $0xb8;
	[tilespmem:$0x1A980] =	vst v63  }
0x143: {  	_ =	swait.ge [sflag:s26], $0x2000  }
0x144: {  	[sflag:s26] =	ssyncset.done $0x0  }
0x145: {  	s13 =	simm.s32 $0x1900;
	[sflag:s26] =	ssyncadd.s32 $0xFFFFE000  }
0x146: {  	[spmem:s2] =	stream.indirect.scatter.add.f32 [tilespmem:s0], [sflag:$0x6], $0x40, s13, s29, $0xb8;
	[tilespmem:$0x1A980] =	vst v63  }
0x147: {  	_ =	swait.ge [sflag:s20], $0x2000  }
0x148: {  	[sflag:s20] =	ssyncset.done $0x0  }
0x149: {  	s14 =	simm.s32 $0x1980;
	[sflag:s20] =	ssyncadd.s32 $0xFFFFE000  }
0x14a: {  	[spmem:s2] =	stream.indirect.scatter.add.f32 [tilespmem:s7], [sflag:$0x7], $0x40, s14, s29, $0xb8;
	[tilespmem:$0x1A980] =	vst v63  }
0x14b: {  	_ =	swait.ge [sflag:s22], $0x2000  }
0x14c: {  	[sflag:s22] =	ssyncset.done $0x0  }
0x14d: {  	s13 =	simm.s32 $0x1A00;
	[sflag:s22] =	ssyncadd.s32 $0xFFFFE000  }
0x14e: {  	[spmem:s2] =	stream.indirect.scatter.add.f32 [tilespmem:s24], [sflag:$0x8], $0x40, s13, s29, $0xb8;
	[tilespmem:$0x1A980] =	vst v63  }
0x14f: {  	_ =	swait.ge [sflag:s23], $0x2000  }
0x150: {  	[sflag:s23] =	ssyncset.done $0x0  }
0x151: {  	s14 =	simm.s32 $0x200;
	[sflag:s23] =	ssyncadd.s32 $0xFFFFE000  }
0x152: {  	[tilespmem:s31], [sflag:$0x1] =	stream.indirect.gather [hbm4b:s4+s29], $0x40, s14, s29, $0xb8;
	[tilespmem:$0x1A980] =	vst v63  }
0x153: {  	_ =	swait.ge [sflag:s25], $0x2000  }
0x154: {  	[sflag:s25] =	ssyncset.done $0x0  }
0x155: {  	s13 =	simm.s32 $0x280;
	[sflag:s25] =	ssyncadd.s32 $0xFFFFE000  }
0x156: {  	[tilespmem:s0], [sflag:$0x2] =	stream.indirect.gather [hbm4b:s4+s29], $0x40, s13, s29, $0xb8;
	[tilespmem:$0x1A980] =	vst v63  }
0x157: {  	_ =	swait.ge [sflag:s1], $0x2000  }
0x158: {  	[sflag:s1] =	ssyncset.done $0x0  }
0x159: {  	s14 =	simm.s32 $0x300;
	[sflag:s1] =	ssyncadd.s32 $0xFFFFE000  }
0x15a: {  	[tilespmem:s7], [sflag:$0x3] =	stream.indirect.gather [hbm4b:s4+s29], $0x40, s14, s29, $0xb8;
	[tilespmem:$0x1A980] =	vst v63  }
0x15b: {  	_ =	swait.ge [sflag:s12], $0x2000  }
0x15c: {  	[sflag:s12] =	ssyncset.done $0x0  }
0x15d: {  	s5 =	simm.s32 $0x800;
	s13 =	simm.s32 $0x380;
	[sflag:s12] =	ssyncadd.s32 $0xFFFFE000  }
.LBB2_8:
0x15e: {  	[tilespmem:s24], [sflag:$0x4] =	stream.indirect.gather [hbm4b:s4+s29], $0x40, s13, s29, $0xb8;
	[tilespmem:$0x1A980] =	vst v63  }
0x15f: {  	s13 =	smov.u32 s5  }
0x160: {  	p1 =	sne.s32 s5, $0x5000;
	s5 =	sadd.s32 $0x800, s5;
	_ =	swait.ge [sflag:s11], $0x2000  }
0x161: {  	s13 =	sshra.s32 s13, $0x2;
	[sflag:s11] =	ssyncset.done $0x0  }
0x162: {  	s14 =	sadd.s32 $0x1880, s13;
	[sflag:s11] =	ssyncadd.s32 $0xFFFFE000  }
0x163: {  	[spmem:s2] =	stream.indirect.scatter.add.f32 [tilespmem:s31], [sflag:$0x5], $0x40, s14, s29, $0xb8;
	[tilespmem:$0x1A980] =	vst v63  }
0x164: {  	_ =	swait.ge [sflag:s26], $0x2000  }
0x165: {  	[sflag:s26] =	ssyncset.done $0x0  }
0x166: {  	s14 =	sadd.s32 $0x1900, s13;
	[sflag:s26] =	ssyncadd.s32 $0xFFFFE000  }
0x167: {  	[spmem:s2] =	stream.indirect.scatter.add.f32 [tilespmem:s0], [sflag:$0x6], $0x40, s14, s29, $0xb8;
	[tilespmem:$0x1A980] =	vst v63  }
0x168: {  	_ =	swait.ge [sflag:s20], $0x2000  }
0x169: {  	[sflag:s20] =	ssyncset.done $0x0  }
0x16a: {  	s14 =	sadd.s32 $0x1980, s13;
	[sflag:s20] =	ssyncadd.s32 $0xFFFFE000  }
0x16b: {  	[spmem:s2] =	stream.indirect.scatter.add.f32 [tilespmem:s7], [sflag:$0x7], $0x40, s14, s29, $0xb8;
	[tilespmem:$0x1A980] =	vst v63  }
0x16c: {  	_ =	swait.ge [sflag:s22], $0x2000  }
0x16d: {  	[sflag:s22] =	ssyncset.done $0x0  }
0x16e: {  	s14 =	sadd.s32 $0x1A00, s13;
	[sflag:s22] =	ssyncadd.s32 $0xFFFFE000  }
0x16f: {  	[spmem:s2] =	stream.indirect.scatter.add.f32 [tilespmem:s24], [sflag:$0x8], $0x40, s14, s29, $0xb8;
	[tilespmem:$0x1A980] =	vst v63  }
0x170: {  	_ =	swait.ge [sflag:s23], $0x2000  }
0x171: {  	[sflag:s23] =	ssyncset.done $0x0  }
0x172: {  	s14 =	sadd.s32 $0x200, s13;
	[sflag:s23] =	ssyncadd.s32 $0xFFFFE000  }
0x173: {  	[tilespmem:s31], [sflag:$0x1] =	stream.indirect.gather [hbm4b:s4+s29], $0x40, s14, s29, $0xb8;
	[tilespmem:$0x1A980] =	vst v63  }
0x174: {  	_ =	swait.ge [sflag:s25], $0x2000  }
0x175: {  	[sflag:s25] =	ssyncset.done $0x0  }
0x176: {  	s14 =	sadd.s32 $0x280, s13;
	[sflag:s25] =	ssyncadd.s32 $0xFFFFE000  }
0x177: {  	[tilespmem:s0], [sflag:$0x2] =	stream.indirect.gather [hbm4b:s4+s29], $0x40, s14, s29, $0xb8;
	[tilespmem:$0x1A980] =	vst v63  }
0x178: {  	_ =	swait.ge [sflag:s1], $0x2000  }
0x179: {  	[sflag:s1] =	ssyncset.done $0x0  }
.Ltmp9:
0x17a: {  	s14 =	sadd.s32 $0x300, s13;
	[sflag:s1] =	ssyncadd.s32 $0xFFFFE000;
	(pc) =	sbr.rel @p1 .LBB2_8-.Ltmp9, $4  }
0x17b: {  	[tilespmem:s7], [sflag:$0x3] =	stream.indirect.gather [hbm4b:s4+s29], $0x40, s14, s29, $0xb8;
	[tilespmem:$0x1A980] =	vst v63  }
0x17c: {  	_ =	swait.ge [sflag:s12], $0x2000  }
0x17d: {  	[sflag:s12] =	ssyncset.done $0x0  }
0x17e: {  	s13 =	sadd.s32 $0x380, s13;
	[sflag:s12] =	ssyncadd.s32 $0xFFFFE000  }
0x17f: {  	[tilespmem:s24], [sflag:$0x4] =	stream.indirect.gather [hbm4b:s4+s29], $0x40, s13, s29, $0xb8;
	[tilespmem:$0x1A980] =	vst v63  }
0x180: {  	_ =	swait.ge [sflag:s11], $0x2000  }
0x181: {  	[sflag:s11] =	ssyncset.done $0x0  }
0x182: {  	s5 =	simm.s32 $0x2E80;
	[sflag:s11] =	ssyncadd.s32 $0xFFFFE000  }
0x183: {  	[spmem:s2] =	stream.indirect.scatter.add.f32 [tilespmem:s31], [sflag:$0x9], $0x40, s5, s29, $0xb8;
	[tilespmem:$0x1A980] =	vst v63  }
0x184: {  	_ =	swait.ge [sflag:s21], $0x2000  }
0x185: {  	[sflag:s21] =	ssyncset.done $0x0  }
0x186: {  	[sflag:s21] =	ssyncadd.s32 $0xFFFFE000  }
0x187: {  	_ =	swait.ge [sflag:s26], $0x2000  }
0x188: {  	[sflag:s26] =	ssyncset.done $0x0  }
0x189: {  	s13 =	simm.s32 $0x2F00;
	[sflag:s26] =	ssyncadd.s32 $0xFFFFE000  }
0x18a: {  	[spmem:s2] =	stream.indirect.scatter.add.f32 [tilespmem:s0], [sflag:$0x9], $0x40, s13, s29, $0xb8;
	[tilespmem:$0x1A980] =	vst v63  }
0x18b: {  	_ =	swait.ge [sflag:s21], $0x2000  }
0x18c: {  	[sflag:s21] =	ssyncset.done $0x0  }
0x18d: {  	[sflag:s21] =	ssyncadd.s32 $0xFFFFE000  }
0x18e: {  	_ =	swait.ge [sflag:s20], $0x2000  }
0x18f: {  	[sflag:s20] =	ssyncset.done $0x0  }
0x190: {  	s14 =	simm.s32 $0x2F80;
	[sflag:s20] =	ssyncadd.s32 $0xFFFFE000  }
0x191: {  	[spmem:s2] =	stream.indirect.scatter.add.f32 [tilespmem:s7], [sflag:$0x9], $0x40, s14, s29, $0xb8;
	[tilespmem:$0x1A980] =	vst v63  }
0x192: {  	_ =	swait.ge [sflag:s21], $0x2000  }
0x193: {  	[sflag:s21] =	ssyncset.done $0x0  }
0x194: {  	[sflag:s21] =	ssyncadd.s32 $0xFFFFE000  }
0x195: {  	_ =	swait.ge [sflag:s22], $0x2000  }
0x196: {  	[sflag:s22] =	ssyncset.done $0x0  }
0x197: {  	s13 =	simm.s32 $0x3000;
	[sflag:s22] =	ssyncadd.s32 $0xFFFFE000  }
0x198: {  	[spmem:s2] =	stream.indirect.scatter.add.f32 [tilespmem:s24], [sflag:$0x9], $0x40, s13, s29, $0xb8;
	[tilespmem:$0x1A980] =	vst v63  }
0x199: {  	_ =	swait.ge [sflag:s21], $0x2000  }
0x19a: {  	[sflag:s21] =	ssyncset.done $0x0  }
0x19b: {  	s14 =	simm.s32 $0x1800;
	[sflag:s21] =	ssyncadd.s32 $0xFFFFE000  }
0x19c: {  	[tilespmem:s31], [sflag:$0x1] =	stream.indirect.gather [hbm4b:s4+s29], $0x40, s14, s29, $0xb8;
	[tilespmem:$0x1A980] =	vst v63  }
0x19d: {  	_ =	swait.ge [sflag:s11], $0x2000  }
0x19e: {  	[sflag:s11] =	ssyncset.done $0x0  }
0x19f: {  	s5 =	simm.s32 $0x3080;
	[sflag:s11] =	ssyncadd.s32 $0xFFFFE000  }
0x1a0: {  	[spmem:s2] =	stream.indirect.scatter.add.f32 [tilespmem:s31], [sflag:$0x9], $0x40, s5, s29, $0xb8;
	[tilespmem:$0x1A980] =	vst v63  }
0x1a1: {  	s13 =	smul.u32 $0x14000, s3;
	_ =	swait.ge [sflag:s21], $0x2000  }
0x1a2: {  	[sflag:s21] =	ssyncset.done $0x0;
	s14 =	rddreg [dreg:$0x7]  }
0x1a3: {  	s3 =	sadd.s32 $0x1, s3;
	[sflag:s21] =	ssyncadd.s32 $0xFFFFE000;
	s4 =	sadd.s32 s14, s13  }
0x1a4: {  	p1 =	seq.s32 s3, $0xC;
	[bflag:$0x0] =	sbarrier.arrive $0xFFFF;
	s4 =	sadd.s32 s8, s4  }
0x1a5: {  	[hbm:s4], [sflag:s6] =	dma.local [spmem:s9], $0x1400  }
.Ltmp10:
0x1a6: {  	_ = 	snop;
	(pc) =	sbr.rel @!p1 .LBB2_7-.Ltmp10, $4  }
.Ltmp11:
0x1a7: {  	_ = 	snop;
	(pc) =	sbr.rel @p1 .LBB2_16-.Ltmp11, $4  }
0x1a8: {  	_ =	swait.ge [sflag:s21], $0x1400  }
0x1a9: {  	[sflag:s21] =	ssyncset.done $0x0  }
0x1aa: {  	[sflag:s21] =	ssyncadd.s32 $0xFFFFEC00  }
0x1ab: {  	_ = 	snop  }
.LBB2_17:
0x1ac: {  	_ =	sfence.sel $0x180000  }
0x1ad: {  	[bflag:$0x0] =	sbarrier.arrive $0xFFFF  }
0x1ae: {  	_ =	strace $0x90000047  }
0x1af: {  	s0 =	stileid.u32;
	[bflag:$0x2] =	sbarrier.arrive $0xFFFF  }
0x1b0: {  	p0 =	sne.s32 s0, $0x0;
	s0 =	rddreg [dreg:$0x4]  }
0x1b1: {  	s0 =	sadd.s32 @!p0 $0x100000, s0  }
0x1b2: {  	[sflag:s0] =	ssyncadd.tile.s32 @!p0 $0x1;
	_ =	shalt  }
.Lfunc_end2:
_tile_overlayer_lowered:
.L_overlay_start_2:
0x1b3: {  	(tag) =	ssettag $0x2  }
0x1b4: {  	s0 =	rddreg [dreg:$0x0];
	s2 =	stileid.u32  }
0x1b5: {  	s1 =	rddreg [dreg:$0x1];
	p0 =	sne.s32 s2, $0x0  }
0x1b6: {  	s3 =	rddreg [dreg:$0x2];
	[bflag:$0x3] =	sbarrier.arrive $0xFFFF;
	s2 =	simm.s32 @!p0 $0x1C09  }
0x1b7: {  	[timem:s3], [sflag:s2] =	dma.local @!p0 [hbm:s0], s1  }
0x1b8: {  	s0 =	simm.s32 @!p0 $0x9  }
0x1b9: {  	_ =	swait.ge @!p0 [sflag:s0], s1  }
0x1ba: {  	s1 =	ssub.s32 @!p0 $0x0, s1;
	[sflag:s0] =	ssyncset.done @!p0 $0x0  }
0x1bb: {  	[sflag:s0] =	ssyncadd.s32 @!p0 s1  }
0x1bc: {  	[bflag:$0x3] =	sbarrier.arrive $0xFFFF  }
0x1bd: {  	_ =	shalt  }

</sc_bundles>
